<compile_context>
chip_gen: v7x
topology: tpu7x:2x2x1
jax: 0.10.2.dev20260603
libtpu: 0.0.44.dev20260713+nightly
codegen_flags: <defaults>
</compile_context>

<pallas_src>
import functools

import jax
import jax.numpy as jnp
from jax import lax
from jax.experimental import pallas as pl
from jax.experimental.pallas import tpu as pltpu
from jax.experimental.pallas import tpu_sc as plsc

VOCAB = 1000000
EMBD = 32
NW = 32
BLK = 128
HIST = 50


@functools.cache
def _make_kernel(batch):
    n_blk = batch // BLK
    blk_per_w = n_blk // NW
    pairs = HIST // 2
    mesh = plsc.VectorSubcoreMesh(core_axis_name="c", subcore_axis_name="s")

    @functools.partial(
        pl.kernel,
        mesh=mesh,
        out_type=jax.ShapeDtypeStruct((HIST, EMBD // 8, n_blk, 8, BLK),
                                      jnp.float32),
        scratch_types=[
            pltpu.VMEM((BLK * HIST,), jnp.int32),
            pltpu.VMEM((HIST, BLK), jnp.int32),
            pltpu.VMEM((BLK, EMBD), jnp.float32),
            pltpu.VMEM((BLK, EMBD), jnp.float32),
            pltpu.VMEM((EMBD, BLK), jnp.float32),
            pltpu.VMEM((EMBD, BLK), jnp.float32),
            pltpu.SemaphoreType.DMA,
            pltpu.SemaphoreType.DMA,
            pltpu.SemaphoreType.DMA,
            pltpu.SemaphoreType.DMA,
        ],
        compiler_params=pltpu.CompilerParams(use_tc_tiling_on_sc=False,
                                             needs_layout_passes=False),
    )
    def emb_kernel(idx_hbm, table_hbm, out_hbm, idx_raw, idx_t, rows_a,
                   rows_b, out_a, out_b, gsem_a, gsem_b, wsem_a, wsem_b):
        wid = lax.axis_index("s") * 2 + lax.axis_index("c")
        iota = lax.iota(jnp.int32, 16)

        def gather_start(h, rows_v, sem):
            pltpu.make_async_copy(
                table_hbm.at[idx_t.at[h]], rows_v, sem).start()

        def gather_wait(h, rows_v, sem):
            pltpu.make_async_copy(
                table_hbm.at[idx_t.at[h]], rows_v, sem).wait()

        col_ids = [jnp.full((16,), c, jnp.int32) for c in range(EMBD)]

        def transpose_relu(rows_v, out_v):
            @plsc.parallel_loop(0, BLK, step=16, unroll=2)
            def _(q):
                vals = [
                    jnp.maximum(
                        plsc.load_gather(rows_v, [iota + q, col_ids[c]]),
                        0.0)
                    for c in range(EMBD)
                ]
                for c in range(EMBD):
                    out_v[c, pl.ds(q, 16)] = vals[c]

        def write_start(h, jblk, out_v, sem):
            for g in range(EMBD // 8):
                pltpu.make_async_copy(
                    out_v.at[pl.ds(8 * g, 8), :],
                    out_hbm.at[h, g, jblk], sem).start()

        def write_wait(h, jblk, out_v, sem):
            for g in range(EMBD // 8):
                pltpu.make_async_copy(
                    out_v.at[pl.ds(8 * g, 8), :],
                    out_hbm.at[h, g, jblk], sem).wait()

        def jj_body(jj, jcarry):
            jblk = wid * blk_per_w + jj

            pltpu.sync_copy(idx_hbm.at[pl.ds(jblk * BLK * HIST, BLK * HIST)],
                            idx_raw)
            def idxt_body(h, carry):
                for q in range(BLK // 16):
                    base_ids = iota * HIST + (16 * HIST * q)
                    ids = plsc.load_gather(idx_raw, [base_ids + h])
                    idx_t[h, pl.ds(16 * q, 16)] = ids
                return carry

            lax.fori_loop(0, HIST, idxt_body, 0)

            gather_start(0, rows_a, gsem_a)

            def pair_body(p, carry):
                h_e = 2 * p
                h_o = h_e + 1

                @pl.when(p > 0)
                def _():
                    write_wait(h_o - 2, jblk, out_b, wsem_b)

                gather_start(h_o, rows_b, gsem_b)

                gather_wait(h_e, rows_a, gsem_a)
                transpose_relu(rows_a, out_a)
                write_start(h_e, jblk, out_a, wsem_a)

                gather_wait(h_o, rows_b, gsem_b)

                @pl.when(p < pairs - 1)
                def _():
                    write_wait(h_e, jblk, out_a, wsem_a)
                    gather_start(h_e + 2, rows_a, gsem_a)

                transpose_relu(rows_b, out_b)
                write_start(h_o, jblk, out_b, wsem_b)
                return carry

            lax.fori_loop(0, pairs, pair_body, 0)

            write_wait(HIST - 2, jblk, out_a, wsem_a)
            write_wait(HIST - 1, jblk, out_b, wsem_b)
            return jcarry

        lax.fori_loop(0, blk_per_w, jj_body, 0)

    return emb_kernel


def kernel(x, table):
    batch, hist = x.shape
    flat = x.reshape(batch * hist)
    out5 = _make_kernel(batch)(flat, table)
    return jnp.transpose(out5, (2, 4, 0, 1, 3)).reshape(batch, hist, EMBD)

# --- scband reference (transcript-rebuilt; emitter-appended) ---
"""Pipeline reference for scband-word-embedding-80367428042876 (READ-ONLY COPY).

The authoritative reference and input builder live on the scoring server;
editing this copy changes nothing except your own understanding.
"""

import jax, jax.numpy as jnp
import numpy as np

VOCAB = 1000000
EMBD = 32
BATCH = 16384
HIST = 50

def setup_inputs(seed: int = 0) -> dict:
    key = jax.random.key(seed)
    k_idx, k_tab = jax.random.split(key)
    x = jax.random.randint(k_idx, (BATCH, HIST), 0, VOCAB, dtype=jnp.int32)
    table = jax.random.normal(k_tab, (VOCAB, EMBD), dtype=jnp.float32) * 0.02
    return {"x": x, "table": table}

def reference(x, table):
    # WordEmbedding.forward: F.relu(self.embedding(x))
    emb = jnp.take(table, x, axis=0)
    return jax.nn.relu(emb)

if __name__ == "__main__":
    import jax
    _d = setup_inputs()
    print(jax.jit(kernel)(*tuple(_d.values())))

</pallas_src>

<mosaic_0001>
#map = affine_map<(d0, d1) -> (0)>
#map1 = affine_map<(d0, d1) -> (0, 0)>
#map2 = affine_map<(d0, d1) -> (0, 0, 0, 0, 0)>
module attributes {stable_mosaic.version = 14 : i64} {
  func.func @emb_kernel(%arg0: i32, %arg1: i32, %arg2: memref<819200xi32, #tpu.memory_space<hbm>>, %arg3: memref<1000000x32xf32, #tpu.memory_space<hbm>>, %arg4: memref<50x4x128x8x128xf32, #tpu.memory_space<hbm>>, %arg5: memref<6400xi32, #tpu.memory_space<vmem>>, %arg6: memref<50x128xi32, #tpu.memory_space<vmem>>, %arg7: memref<128x32xf32, #tpu.memory_space<vmem>>, %arg8: memref<128x32xf32, #tpu.memory_space<vmem>>, %arg9: memref<32x128xf32, #tpu.memory_space<vmem>>, %arg10: memref<32x128xf32, #tpu.memory_space<vmem>>, %arg11: memref<!tpu.dma_semaphore, #tpu.memory_space<semaphore_mem>>, %arg12: memref<!tpu.dma_semaphore, #tpu.memory_space<semaphore_mem>>, %arg13: memref<!tpu.dma_semaphore, #tpu.memory_space<semaphore_mem>>, %arg14: memref<!tpu.dma_semaphore, #tpu.memory_space<semaphore_mem>>) attributes {dimension_semantics = [#tpu.dimension_semantics<core_parallel>, #tpu.dimension_semantics<subcore_parallel>], iteration_bounds = array<i64: 2, 16>, scalar_prefetch = 0 : i64, scratch_operands = 10 : i64, tpu.core_type = #tpu.core_type<sc_vector_subcore>, window_params = [{transform_indices = #map}, {transform_indices = #map1}, {transform_indices = #map2}]} {
    %mul3A = arith.constant 2 : i32
    %mul3A_0 = arith.muli %arg1, %mul3A : i32
    %add3A = arith.addi %mul3A_0, %arg0 : i32
    %iota3A = tpu.iota {dimensions = array<i32: 0>} : vector<16xi32>
    %broadcast_in_dim3A = arith.constant 0 : i32
    %broadcast_in_dim3A_1 = vector.broadcast %broadcast_in_dim3A : i32 to vector<16xi32>
    %broadcast_in_dim3A_2 = arith.constant 1 : i32
    %broadcast_in_dim3A_3 = vector.broadcast %broadcast_in_dim3A_2 : i32 to vector<16xi32>
    %broadcast_in_dim3A_4 = arith.constant 2 : i32
    %broadcast_in_dim3A_5 = vector.broadcast %broadcast_in_dim3A_4 : i32 to vector<16xi32>
    %broadcast_in_dim3A_6 = arith.constant 3 : i32
    %broadcast_in_dim3A_7 = vector.broadcast %broadcast_in_dim3A_6 : i32 to vector<16xi32>
    %broadcast_in_dim3A_8 = arith.constant 4 : i32
    %broadcast_in_dim3A_9 = vector.broadcast %broadcast_in_dim3A_8 : i32 to vector<16xi32>
    %broadcast_in_dim3A_10 = arith.constant 5 : i32
    %broadcast_in_dim3A_11 = vector.broadcast %broadcast_in_dim3A_10 : i32 to vector<16xi32>
    %broadcast_in_dim3A_12 = arith.constant 6 : i32
    %broadcast_in_dim3A_13 = vector.broadcast %broadcast_in_dim3A_12 : i32 to vector<16xi32>
    %broadcast_in_dim3A_14 = arith.constant 7 : i32
    %broadcast_in_dim3A_15 = vector.broadcast %broadcast_in_dim3A_14 : i32 to vector<16xi32>
    %broadcast_in_dim3A_16 = arith.constant 8 : i32
    %broadcast_in_dim3A_17 = vector.broadcast %broadcast_in_dim3A_16 : i32 to vector<16xi32>
    %broadcast_in_dim3A_18 = arith.constant 9 : i32
    %broadcast_in_dim3A_19 = vector.broadcast %broadcast_in_dim3A_18 : i32 to vector<16xi32>
    %broadcast_in_dim3A_20 = arith.constant 10 : i32
    %broadcast_in_dim3A_21 = vector.broadcast %broadcast_in_dim3A_20 : i32 to vector<16xi32>
    %broadcast_in_dim3A_22 = arith.constant 11 : i32
    %broadcast_in_dim3A_23 = vector.broadcast %broadcast_in_dim3A_22 : i32 to vector<16xi32>
    %broadcast_in_dim3A_24 = arith.constant 12 : i32
    %broadcast_in_dim3A_25 = vector.broadcast %broadcast_in_dim3A_24 : i32 to vector<16xi32>
    %broadcast_in_dim3A_26 = arith.constant 13 : i32
    %broadcast_in_dim3A_27 = vector.broadcast %broadcast_in_dim3A_26 : i32 to vector<16xi32>
    %broadcast_in_dim3A_28 = arith.constant 14 : i32
    %broadcast_in_dim3A_29 = vector.broadcast %broadcast_in_dim3A_28 : i32 to vector<16xi32>
    %broadcast_in_dim3A_30 = arith.constant 15 : i32
    %broadcast_in_dim3A_31 = vector.broadcast %broadcast_in_dim3A_30 : i32 to vector<16xi32>
    %broadcast_in_dim3A_32 = arith.constant 16 : i32
    %broadcast_in_dim3A_33 = vector.broadcast %broadcast_in_dim3A_32 : i32 to vector<16xi32>
    %broadcast_in_dim3A_34 = arith.constant 17 : i32
    %broadcast_in_dim3A_35 = vector.broadcast %broadcast_in_dim3A_34 : i32 to vector<16xi32>
    %broadcast_in_dim3A_36 = arith.constant 18 : i32
    %broadcast_in_dim3A_37 = vector.broadcast %broadcast_in_dim3A_36 : i32 to vector<16xi32>
    %broadcast_in_dim3A_38 = arith.constant 19 : i32
    %broadcast_in_dim3A_39 = vector.broadcast %broadcast_in_dim3A_38 : i32 to vector<16xi32>
    %broadcast_in_dim3A_40 = arith.constant 20 : i32
    %broadcast_in_dim3A_41 = vector.broadcast %broadcast_in_dim3A_40 : i32 to vector<16xi32>
    %broadcast_in_dim3A_42 = arith.constant 21 : i32
    %broadcast_in_dim3A_43 = vector.broadcast %broadcast_in_dim3A_42 : i32 to vector<16xi32>
    %broadcast_in_dim3A_44 = arith.constant 22 : i32
    %broadcast_in_dim3A_45 = vector.broadcast %broadcast_in_dim3A_44 : i32 to vector<16xi32>
    %broadcast_in_dim3A_46 = arith.constant 23 : i32
    %broadcast_in_dim3A_47 = vector.broadcast %broadcast_in_dim3A_46 : i32 to vector<16xi32>
    %broadcast_in_dim3A_48 = arith.constant 24 : i32
    %broadcast_in_dim3A_49 = vector.broadcast %broadcast_in_dim3A_48 : i32 to vector<16xi32>
    %broadcast_in_dim3A_50 = arith.constant 25 : i32
    %broadcast_in_dim3A_51 = vector.broadcast %broadcast_in_dim3A_50 : i32 to vector<16xi32>
    %broadcast_in_dim3A_52 = arith.constant 26 : i32
    %broadcast_in_dim3A_53 = vector.broadcast %broadcast_in_dim3A_52 : i32 to vector<16xi32>
    %broadcast_in_dim3A_54 = arith.constant 27 : i32
    %broadcast_in_dim3A_55 = vector.broadcast %broadcast_in_dim3A_54 : i32 to vector<16xi32>
    %broadcast_in_dim3A_56 = arith.constant 28 : i32
    %broadcast_in_dim3A_57 = vector.broadcast %broadcast_in_dim3A_56 : i32 to vector<16xi32>
    %broadcast_in_dim3A_58 = arith.constant 29 : i32
    %broadcast_in_dim3A_59 = vector.broadcast %broadcast_in_dim3A_58 : i32 to vector<16xi32>
    %broadcast_in_dim3A_60 = arith.constant 30 : i32
    %broadcast_in_dim3A_61 = vector.broadcast %broadcast_in_dim3A_60 : i32 to vector<16xi32>
    %broadcast_in_dim3A_62 = arith.constant 31 : i32
    %broadcast_in_dim3A_63 = vector.broadcast %broadcast_in_dim3A_62 : i32 to vector<16xi32>
    %scan3A = arith.constant 0 : i32
    %scan3A_64 = arith.constant 0 : i32
    %scan3A_65 = arith.constant 4 : i32
    %scan3A_66 = arith.addi %scan3A_64, %scan3A_65 : i32
    %scan3A_67 = arith.constant 1 : i32
    scf.for %scan3A_69 = %scan3A_64 to %scan3A_66 step %scan3A_67  : i32 {
      %mul3A_70 = arith.constant 4 : i32
      %mul3A_71 = arith.muli %add3A, %mul3A_70 : i32
      %add3A_72 = arith.addi %mul3A_71, %scan3A_69 : i32
      %mul3A_73 = arith.constant 128 : i32
      %mul3A_74 = arith.muli %add3A_72, %mul3A_73 : i32
      %mul3A_75 = arith.constant 50 : i32
      %mul3A_76 = arith.muli %mul3A_74, %mul3A_75 : i32
      "tpu.region"() ({
        %run_scoped3A = tpu.sem_alloc : memref<!tpu.dma_semaphore, #tpu.memory_space<semaphore_mem>>
        %dma_start3A_222 = tpu.memref_slice %arg2[%mul3A_76] : memref<819200xi32, #tpu.memory_space<hbm>> -> memref<6400xi32, #tpu.memory_space<hbm>>
        %dma_start3A_223 = tpu.memref_slice %arg2[%mul3A_76] : memref<819200xi32, #tpu.memory_space<hbm>> -> memref<6400xi32, #tpu.memory_space<hbm>>
        tpu.enqueue_dma source(%dma_start3A_223 : memref<6400xi32, #tpu.memory_space<hbm>>) target(%arg5 : memref<6400xi32, #tpu.memory_space<vmem>>) target_semaphore(%run_scoped3A : memref<!tpu.dma_semaphore, #tpu.memory_space<semaphore_mem>>)
        %dma_wait3A_224 = tpu.memref_slice %arg2[%mul3A_76] : memref<819200xi32, #tpu.memory_space<hbm>> -> memref<6400xi32, #tpu.memory_space<hbm>>
        %dma_wait3A_225 = tpu.memref_slice %arg2[%mul3A_76] : memref<819200xi32, #tpu.memory_space<hbm>> -> memref<6400xi32, #tpu.memory_space<hbm>>
        tpu.wait_dma2 semaphore(%run_scoped3A : memref<!tpu.dma_semaphore, #tpu.memory_space<semaphore_mem>>) src(%dma_wait3A_225 : memref<6400xi32, #tpu.memory_space<hbm>>) dst(%arg5 : memref<6400xi32, #tpu.memory_space<vmem>>)
        tpu.yield
      }) : () -> ()
      %scan3A_77 = arith.constant 0 : i32
      %scan3A_78 = arith.constant 0 : i32
      %scan3A_79 = arith.constant 50 : i32
      %scan3A_80 = arith.addi %scan3A_78, %scan3A_79 : i32
      %scan3A_81 = arith.constant 1 : i32
      scf.for %scan3A_222 = %scan3A_78 to %scan3A_80 step %scan3A_81  : i32 {
        %mul3A_223 = arith.constant 50 : i32
        %mul3A_224 = vector.broadcast %mul3A_223 : i32 to vector<16xi32>
        %mul3A_225 = arith.muli %iota3A, %mul3A_224 : vector<16xi32>
        %add3A_226 = arith.constant 0 : i32
        %add3A_227 = vector.broadcast %add3A_226 : i32 to vector<16xi32>
        %add3A_228 = arith.addi %mul3A_225, %add3A_227 : vector<16xi32>
        %add3A_229 = vector.broadcast %scan3A_222 : i32 to vector<16xi32>
        %add3A_230 = arith.addi %add3A_228, %add3A_229 : vector<16xi32>
        %gather3A = tpu.vector_load_idx %arg5[%add3A_230] : memref<6400xi32, #tpu.memory_space<vmem>>[vector<16xi32>], vector<16xi32>,
        %swap3A = arith.index_cast %scan3A_222 : i32 to index
        %swap3A_231 = arith.constant 0 : index
        %swap3A_232 = tpu.vector_load %arg6[%swap3A, %swap3A_231] {strides = array<i32>} : memref<50x128xi32, #tpu.memory_space<vmem>>, vector<16xi32>,
        tpu.vector_store %arg6[%swap3A, %swap3A_231], %gather3A {strides = array<i32>} : memref<50x128xi32, #tpu.memory_space<vmem>>, vector<16xi32>,
        %mul3A_233 = arith.constant 50 : i32
        %mul3A_234 = vector.broadcast %mul3A_233 : i32 to vector<16xi32>
        %mul3A_235 = arith.muli %iota3A, %mul3A_234 : vector<16xi32>
        %add3A_236 = arith.constant 800 : i32
        %add3A_237 = vector.broadcast %add3A_236 : i32 to vector<16xi32>
        %add3A_238 = arith.addi %mul3A_235, %add3A_237 : vector<16xi32>
        %add3A_239 = vector.broadcast %scan3A_222 : i32 to vector<16xi32>
        %add3A_240 = arith.addi %add3A_238, %add3A_239 : vector<16xi32>
        %gather3A_241 = tpu.vector_load_idx %arg5[%add3A_240] : memref<6400xi32, #tpu.memory_space<vmem>>[vector<16xi32>], vector<16xi32>,
        %swap3A_242 = arith.index_cast %scan3A_222 : i32 to index
        %swap3A_243 = arith.constant 16 : index
        %swap3A_244 = tpu.vector_load %arg6[%swap3A_242, %swap3A_243] {strides = array<i32>} : memref<50x128xi32, #tpu.memory_space<vmem>>, vector<16xi32>,
        tpu.vector_store %arg6[%swap3A_242, %swap3A_243], %gather3A_241 {strides = array<i32>} : memref<50x128xi32, #tpu.memory_space<vmem>>, vector<16xi32>,
        %mul3A_245 = arith.constant 50 : i32
        %mul3A_246 = vector.broadcast %mul3A_245 : i32 to vector<16xi32>
        %mul3A_247 = arith.muli %iota3A, %mul3A_246 : vector<16xi32>
        %add3A_248 = arith.constant 1600 : i32
        %add3A_249 = vector.broadcast %add3A_248 : i32 to vector<16xi32>
        %add3A_250 = arith.addi %mul3A_247, %add3A_249 : vector<16xi32>
        %add3A_251 = vector.broadcast %scan3A_222 : i32 to vector<16xi32>
        %add3A_252 = arith.addi %add3A_250, %add3A_251 : vector<16xi32>
        %gather3A_253 = tpu.vector_load_idx %arg5[%add3A_252] : memref<6400xi32, #tpu.memory_space<vmem>>[vector<16xi32>], vector<16xi32>,
        %swap3A_254 = arith.index_cast %scan3A_222 : i32 to index
        %swap3A_255 = arith.constant 32 : index
        %swap3A_256 = tpu.vector_load %arg6[%swap3A_254, %swap3A_255] {strides = array<i32>} : memref<50x128xi32, #tpu.memory_space<vmem>>, vector<16xi32>,
        tpu.vector_store %arg6[%swap3A_254, %swap3A_255], %gather3A_253 {strides = array<i32>} : memref<50x128xi32, #tpu.memory_space<vmem>>, vector<16xi32>,
        %mul3A_257 = arith.constant 50 : i32
        %mul3A_258 = vector.broadcast %mul3A_257 : i32 to vector<16xi32>
        %mul3A_259 = arith.muli %iota3A, %mul3A_258 : vector<16xi32>
        %add3A_260 = arith.constant 2400 : i32
        %add3A_261 = vector.broadcast %add3A_260 : i32 to vector<16xi32>
        %add3A_262 = arith.addi %mul3A_259, %add3A_261 : vector<16xi32>
        %add3A_263 = vector.broadcast %scan3A_222 : i32 to vector<16xi32>
        %add3A_264 = arith.addi %add3A_262, %add3A_263 : vector<16xi32>
        %gather3A_265 = tpu.vector_load_idx %arg5[%add3A_264] : memref<6400xi32, #tpu.memory_space<vmem>>[vector<16xi32>], vector<16xi32>,
        %swap3A_266 = arith.index_cast %scan3A_222 : i32 to index
        %swap3A_267 = arith.constant 48 : index
        %swap3A_268 = tpu.vector_load %arg6[%swap3A_266, %swap3A_267] {strides = array<i32>} : memref<50x128xi32, #tpu.memory_space<vmem>>, vector<16xi32>,
        tpu.vector_store %arg6[%swap3A_266, %swap3A_267], %gather3A_265 {strides = array<i32>} : memref<50x128xi32, #tpu.memory_space<vmem>>, vector<16xi32>,
        %mul3A_269 = arith.constant 50 : i32
        %mul3A_270 = vector.broadcast %mul3A_269 : i32 to vector<16xi32>
        %mul3A_271 = arith.muli %iota3A, %mul3A_270 : vector<16xi32>
        %add3A_272 = arith.constant 3200 : i32
        %add3A_273 = vector.broadcast %add3A_272 : i32 to vector<16xi32>
        %add3A_274 = arith.addi %mul3A_271, %add3A_273 : vector<16xi32>
        %add3A_275 = vector.broadcast %scan3A_222 : i32 to vector<16xi32>
        %add3A_276 = arith.addi %add3A_274, %add3A_275 : vector<16xi32>
        %gather3A_277 = tpu.vector_load_idx %arg5[%add3A_276] : memref<6400xi32, #tpu.memory_space<vmem>>[vector<16xi32>], vector<16xi32>,
        %swap3A_278 = arith.index_cast %scan3A_222 : i32 to index
        %swap3A_279 = arith.constant 64 : index
        %swap3A_280 = tpu.vector_load %arg6[%swap3A_278, %swap3A_279] {strides = array<i32>} : memref<50x128xi32, #tpu.memory_space<vmem>>, vector<16xi32>,
        tpu.vector_store %arg6[%swap3A_278, %swap3A_279], %gather3A_277 {strides = array<i32>} : memref<50x128xi32, #tpu.memory_space<vmem>>, vector<16xi32>,
        %mul3A_281 = arith.constant 50 : i32
        %mul3A_282 = vector.broadcast %mul3A_281 : i32 to vector<16xi32>
        %mul3A_283 = arith.muli %iota3A, %mul3A_282 : vector<16xi32>
        %add3A_284 = arith.constant 4000 : i32
        %add3A_285 = vector.broadcast %add3A_284 : i32 to vector<16xi32>
        %add3A_286 = arith.addi %mul3A_283, %add3A_285 : vector<16xi32>
        %add3A_287 = vector.broadcast %scan3A_222 : i32 to vector<16xi32>
        %add3A_288 = arith.addi %add3A_286, %add3A_287 : vector<16xi32>
        %gather3A_289 = tpu.vector_load_idx %arg5[%add3A_288] : memref<6400xi32, #tpu.memory_space<vmem>>[vector<16xi32>], vector<16xi32>,
        %swap3A_290 = arith.index_cast %scan3A_222 : i32 to index
        %swap3A_291 = arith.constant 80 : index
        %swap3A_292 = tpu.vector_load %arg6[%swap3A_290, %swap3A_291] {strides = array<i32>} : memref<50x128xi32, #tpu.memory_space<vmem>>, vector<16xi32>,
        tpu.vector_store %arg6[%swap3A_290, %swap3A_291], %gather3A_289 {strides = array<i32>} : memref<50x128xi32, #tpu.memory_space<vmem>>, vector<16xi32>,
        %mul3A_293 = arith.constant 50 : i32
        %mul3A_294 = vector.broadcast %mul3A_293 : i32 to vector<16xi32>
        %mul3A_295 = arith.muli %iota3A, %mul3A_294 : vector<16xi32>
        %add3A_296 = arith.constant 4800 : i32
        %add3A_297 = vector.broadcast %add3A_296 : i32 to vector<16xi32>
        %add3A_298 = arith.addi %mul3A_295, %add3A_297 : vector<16xi32>
        %add3A_299 = vector.broadcast %scan3A_222 : i32 to vector<16xi32>
        %add3A_300 = arith.addi %add3A_298, %add3A_299 : vector<16xi32>
        %gather3A_301 = tpu.vector_load_idx %arg5[%add3A_300] : memref<6400xi32, #tpu.memory_space<vmem>>[vector<16xi32>], vector<16xi32>,
        %swap3A_302 = arith.index_cast %scan3A_222 : i32 to index
        %swap3A_303 = arith.constant 96 : index
        %swap3A_304 = tpu.vector_load %arg6[%swap3A_302, %swap3A_303] {strides = array<i32>} : memref<50x128xi32, #tpu.memory_space<vmem>>, vector<16xi32>,
        tpu.vector_store %arg6[%swap3A_302, %swap3A_303], %gather3A_301 {strides = array<i32>} : memref<50x128xi32, #tpu.memory_space<vmem>>, vector<16xi32>,
        %mul3A_305 = arith.constant 50 : i32
        %mul3A_306 = vector.broadcast %mul3A_305 : i32 to vector<16xi32>
        %mul3A_307 = arith.muli %iota3A, %mul3A_306 : vector<16xi32>
        %add3A_308 = arith.constant 5600 : i32
        %add3A_309 = vector.broadcast %add3A_308 : i32 to vector<16xi32>
        %add3A_310 = arith.addi %mul3A_307, %add3A_309 : vector<16xi32>
        %add3A_311 = vector.broadcast %scan3A_222 : i32 to vector<16xi32>
        %add3A_312 = arith.addi %add3A_310, %add3A_311 : vector<16xi32>
        %gather3A_313 = tpu.vector_load_idx %arg5[%add3A_312] : memref<6400xi32, #tpu.memory_space<vmem>>[vector<16xi32>], vector<16xi32>,
        %swap3A_314 = arith.index_cast %scan3A_222 : i32 to index
        %swap3A_315 = arith.constant 112 : index
        %swap3A_316 = tpu.vector_load %arg6[%swap3A_314, %swap3A_315] {strides = array<i32>} : memref<50x128xi32, #tpu.memory_space<vmem>>, vector<16xi32>,
        tpu.vector_store %arg6[%swap3A_314, %swap3A_315], %gather3A_313 {strides = array<i32>} : memref<50x128xi32, #tpu.memory_space<vmem>>, vector<16xi32>,
      }
      %scan3A_82 = arith.constant 50 : i32
      %dma_start3A = arith.constant 0 : i32
      %dma_start3A_83 = arith.constant 0 : i32
      %dma_start3A_84 = tpu.memref_slice %arg6[%dma_start3A, %dma_start3A_83] : memref<50x128xi32, #tpu.memory_space<vmem>> -> memref<1x128xi32, #tpu.memory_space<vmem>>
      %dma_start3A_85 = tpu.memref_squeeze %dma_start3A_84 : memref<1x128xi32, #tpu.memory_space<vmem>> -> memref<128xi32, #tpu.memory_space<vmem>>
      %dma_start3A_86 = arith.constant 0 : i32
      %dma_start3A_87 = arith.constant 0 : i32
      %dma_start3A_88 = tpu.memref_slice %arg3[%dma_start3A_86, %dma_start3A_87] : memref<1000000x32xf32, #tpu.memory_space<hbm>> -> memref<1000000x32xf32, #tpu.memory_space<hbm>>
      tpu.enqueue_indirect_dma source(%dma_start3A_88 : memref<1000000x32xf32, #tpu.memory_space<hbm>>) target(%arg7 : memref<128x32xf32, #tpu.memory_space<vmem>>) offsets(%dma_start3A_85 : memref<128xi32, #tpu.memory_space<vmem>>) semaphore(%arg11 : memref<!tpu.dma_semaphore, #tpu.memory_space<semaphore_mem>>)
      %scan3A_89 = arith.constant 0 : i32
      %scan3A_90 = arith.constant 0 : i32
      %scan3A_91 = arith.constant 25 : i32
      %scan3A_92 = arith.addi %scan3A_90, %scan3A_91 : i32
      %scan3A_93 = arith.constant 1 : i32
      scf.for %scan3A_222 = %scan3A_90 to %scan3A_92 step %scan3A_93  : i32 {
        %mul3A_223 = arith.constant 2 : i32
        %mul3A_224 = arith.muli %mul3A_223, %scan3A_222 : i32
        %add3A_225 = arith.constant 1 : i32
        %add3A_226 = arith.addi %mul3A_224, %add3A_225 : i32
        %gt3A = arith.constant 0 : i32
        %gt3A_227 = arith.cmpi sgt, %scan3A_222, %gt3A : i32
        %convert_element_type3A = arith.extui %gt3A_227 : i1 to i32
        %cond3A = arith.constant 0 : i32
        %cond3A_228 = arith.cmpi ne, %convert_element_type3A, %cond3A : i32
        scf.if %cond3A_228 {
          %sub3A = arith.constant 2 : i32
          %sub3A_376 = arith.subi %add3A_226, %sub3A : i32
          %dma_wait3A_377 = arith.constant 0 : i32
          %dma_wait3A_378 = arith.constant 0 : i32
          %dma_wait3A_379 = arith.constant 0 : i32
          %dma_wait3A_380 = tpu.memref_slice %arg10[%dma_wait3A_378, %dma_wait3A_379] : memref<32x128xf32, #tpu.memory_space<vmem>> -> memref<8x128xf32, #tpu.memory_space<vmem>>
          %dma_wait3A_381 = arith.constant 0 : i32
          %dma_wait3A_382 = arith.constant 0 : i32
          %dma_wait3A_383 = tpu.memref_slice %arg4[%sub3A_376, %dma_wait3A_377, %add3A_72, %dma_wait3A_381, %dma_wait3A_382] : memref<50x4x128x8x128xf32, #tpu.memory_space<hbm>> -> memref<1x1x1x8x128xf32, #tpu.memory_space<hbm>>
          %dma_wait3A_384 = tpu.memref_squeeze %dma_wait3A_383 : memref<1x1x1x8x128xf32, #tpu.memory_space<hbm>> -> memref<8x128xf32, #tpu.memory_space<hbm>>
          %dma_wait3A_385 = arith.constant 0 : i32
          %dma_wait3A_386 = arith.constant 0 : i32
          %dma_wait3A_387 = tpu.memref_slice %arg4[%sub3A_376, %dma_wait3A_377, %add3A_72, %dma_wait3A_385, %dma_wait3A_386] : memref<50x4x128x8x128xf32, #tpu.memory_space<hbm>> -> memref<1x1x1x8x128xf32, #tpu.memory_space<hbm>>
          %dma_wait3A_388 = tpu.memref_squeeze %dma_wait3A_387 : memref<1x1x1x8x128xf32, #tpu.memory_space<hbm>> -> memref<8x128xf32, #tpu.memory_space<hbm>>
          %dma_wait3A_389 = arith.constant 0 : i32
          %dma_wait3A_390 = arith.constant 0 : i32
          %dma_wait3A_391 = tpu.memref_slice %arg10[%dma_wait3A_389, %dma_wait3A_390] : memref<32x128xf32, #tpu.memory_space<vmem>> -> memref<8x128xf32, #tpu.memory_space<vmem>>
          tpu.wait_dma2 semaphore(%arg14 : memref<!tpu.dma_semaphore, #tpu.memory_space<semaphore_mem>>) src(%dma_wait3A_391 : memref<8x128xf32, #tpu.memory_space<vmem>>) dst(%dma_wait3A_388 : memref<8x128xf32, #tpu.memory_space<hbm>>)
          %dma_wait3A_392 = arith.constant 1 : i32
          %dma_wait3A_393 = arith.constant 8 : i32
          %dma_wait3A_394 = arith.constant 0 : i32
          %dma_wait3A_395 = tpu.memref_slice %arg10[%dma_wait3A_393, %dma_wait3A_394] : memref<32x128xf32, #tpu.memory_space<vmem>> -> memref<8x128xf32, #tpu.memory_space<vmem>>
          %dma_wait3A_396 = arith.constant 0 : i32
          %dma_wait3A_397 = arith.constant 0 : i32
          %dma_wait3A_398 = tpu.memref_slice %arg4[%sub3A_376, %dma_wait3A_392, %add3A_72, %dma_wait3A_396, %dma_wait3A_397] : memref<50x4x128x8x128xf32, #tpu.memory_space<hbm>> -> memref<1x1x1x8x128xf32, #tpu.memory_space<hbm>>
          %dma_wait3A_399 = tpu.memref_squeeze %dma_wait3A_398 : memref<1x1x1x8x128xf32, #tpu.memory_space<hbm>> -> memref<8x128xf32, #tpu.memory_space<hbm>>
          %dma_wait3A_400 = arith.constant 0 : i32
          %dma_wait3A_401 = arith.constant 0 : i32
          %dma_wait3A_402 = tpu.memref_slice %arg4[%sub3A_376, %dma_wait3A_392, %add3A_72, %dma_wait3A_400, %dma_wait3A_401] : memref<50x4x128x8x128xf32, #tpu.memory_space<hbm>> -> memref<1x1x1x8x128xf32, #tpu.memory_space<hbm>>
          %dma_wait3A_403 = tpu.memref_squeeze %dma_wait3A_402 : memref<1x1x1x8x128xf32, #tpu.memory_space<hbm>> -> memref<8x128xf32, #tpu.memory_space<hbm>>
          %dma_wait3A_404 = arith.constant 8 : i32
          %dma_wait3A_405 = arith.constant 0 : i32
          %dma_wait3A_406 = tpu.memref_slice %arg10[%dma_wait3A_404, %dma_wait3A_405] : memref<32x128xf32, #tpu.memory_space<vmem>> -> memref<8x128xf32, #tpu.memory_space<vmem>>
          tpu.wait_dma2 semaphore(%arg14 : memref<!tpu.dma_semaphore, #tpu.memory_space<semaphore_mem>>) src(%dma_wait3A_406 : memref<8x128xf32, #tpu.memory_space<vmem>>) dst(%dma_wait3A_403 : memref<8x128xf32, #tpu.memory_space<hbm>>)
          %dma_wait3A_407 = arith.constant 2 : i32
          %dma_wait3A_408 = arith.constant 16 : i32
          %dma_wait3A_409 = arith.constant 0 : i32
          %dma_wait3A_410 = tpu.memref_slice %arg10[%dma_wait3A_408, %dma_wait3A_409] : memref<32x128xf32, #tpu.memory_space<vmem>> -> memref<8x128xf32, #tpu.memory_space<vmem>>
          %dma_wait3A_411 = arith.constant 0 : i32
          %dma_wait3A_412 = arith.constant 0 : i32
          %dma_wait3A_413 = tpu.memref_slice %arg4[%sub3A_376, %dma_wait3A_407, %add3A_72, %dma_wait3A_411, %dma_wait3A_412] : memref<50x4x128x8x128xf32, #tpu.memory_space<hbm>> -> memref<1x1x1x8x128xf32, #tpu.memory_space<hbm>>
          %dma_wait3A_414 = tpu.memref_squeeze %dma_wait3A_413 : memref<1x1x1x8x128xf32, #tpu.memory_space<hbm>> -> memref<8x128xf32, #tpu.memory_space<hbm>>
          %dma_wait3A_415 = arith.constant 0 : i32
          %dma_wait3A_416 = arith.constant 0 : i32
          %dma_wait3A_417 = tpu.memref_slice %arg4[%sub3A_376, %dma_wait3A_407, %add3A_72, %dma_wait3A_415, %dma_wait3A_416] : memref<50x4x128x8x128xf32, #tpu.memory_space<hbm>> -> memref<1x1x1x8x128xf32, #tpu.memory_space<hbm>>
          %dma_wait3A_418 = tpu.memref_squeeze %dma_wait3A_417 : memref<1x1x1x8x128xf32, #tpu.memory_space<hbm>> -> memref<8x128xf32, #tpu.memory_space<hbm>>
          %dma_wait3A_419 = arith.constant 16 : i32
          %dma_wait3A_420 = arith.constant 0 : i32
          %dma_wait3A_421 = tpu.memref_slice %arg10[%dma_wait3A_419, %dma_wait3A_420] : memref<32x128xf32, #tpu.memory_space<vmem>> -> memref<8x128xf32, #tpu.memory_space<vmem>>
          tpu.wait_dma2 semaphore(%arg14 : memref<!tpu.dma_semaphore, #tpu.memory_space<semaphore_mem>>) src(%dma_wait3A_421 : memref<8x128xf32, #tpu.memory_space<vmem>>) dst(%dma_wait3A_418 : memref<8x128xf32, #tpu.memory_space<hbm>>)
          %dma_wait3A_422 = arith.constant 3 : i32
          %dma_wait3A_423 = arith.constant 24 : i32
          %dma_wait3A_424 = arith.constant 0 : i32
          %dma_wait3A_425 = tpu.memref_slice %arg10[%dma_wait3A_423, %dma_wait3A_424] : memref<32x128xf32, #tpu.memory_space<vmem>> -> memref<8x128xf32, #tpu.memory_space<vmem>>
          %dma_wait3A_426 = arith.constant 0 : i32
          %dma_wait3A_427 = arith.constant 0 : i32
          %dma_wait3A_428 = tpu.memref_slice %arg4[%sub3A_376, %dma_wait3A_422, %add3A_72, %dma_wait3A_426, %dma_wait3A_427] : memref<50x4x128x8x128xf32, #tpu.memory_space<hbm>> -> memref<1x1x1x8x128xf32, #tpu.memory_space<hbm>>
          %dma_wait3A_429 = tpu.memref_squeeze %dma_wait3A_428 : memref<1x1x1x8x128xf32, #tpu.memory_space<hbm>> -> memref<8x128xf32, #tpu.memory_space<hbm>>
          %dma_wait3A_430 = arith.constant 0 : i32
          %dma_wait3A_431 = arith.constant 0 : i32
          %dma_wait3A_432 = tpu.memref_slice %arg4[%sub3A_376, %dma_wait3A_422, %add3A_72, %dma_wait3A_430, %dma_wait3A_431] : memref<50x4x128x8x128xf32, #tpu.memory_space<hbm>> -> memref<1x1x1x8x128xf32, #tpu.memory_space<hbm>>
          %dma_wait3A_433 = tpu.memref_squeeze %dma_wait3A_432 : memref<1x1x1x8x128xf32, #tpu.memory_space<hbm>> -> memref<8x128xf32, #tpu.memory_space<hbm>>
          %dma_wait3A_434 = arith.constant 24 : i32
          %dma_wait3A_435 = arith.constant 0 : i32
          %dma_wait3A_436 = tpu.memref_slice %arg10[%dma_wait3A_434, %dma_wait3A_435] : memref<32x128xf32, #tpu.memory_space<vmem>> -> memref<8x128xf32, #tpu.memory_space<vmem>>
          tpu.wait_dma2 semaphore(%arg14 : memref<!tpu.dma_semaphore, #tpu.memory_space<semaphore_mem>>) src(%dma_wait3A_436 : memref<8x128xf32, #tpu.memory_space<vmem>>) dst(%dma_wait3A_433 : memref<8x128xf32, #tpu.memory_space<hbm>>)
        } else {
        }
        %dma_start3A_229 = arith.constant 0 : i32
        %dma_start3A_230 = tpu.memref_slice %arg6[%add3A_226, %dma_start3A_229] : memref<50x128xi32, #tpu.memory_space<vmem>> -> memref<1x128xi32, #tpu.memory_space<vmem>>
        %dma_start3A_231 = tpu.memref_squeeze %dma_start3A_230 : memref<1x128xi32, #tpu.memory_space<vmem>> -> memref<128xi32, #tpu.memory_space<vmem>>
        %dma_start3A_232 = arith.constant 0 : i32
        %dma_start3A_233 = arith.constant 0 : i32
        %dma_start3A_234 = tpu.memref_slice %arg3[%dma_start3A_232, %dma_start3A_233] : memref<1000000x32xf32, #tpu.memory_space<hbm>> -> memref<1000000x32xf32, #tpu.memory_space<hbm>>
        tpu.enqueue_indirect_dma source(%dma_start3A_234 : memref<1000000x32xf32, #tpu.memory_space<hbm>>) target(%arg8 : memref<128x32xf32, #tpu.memory_space<vmem>>) offsets(%dma_start3A_231 : memref<128xi32, #tpu.memory_space<vmem>>) semaphore(%arg12 : memref<!tpu.dma_semaphore, #tpu.memory_space<semaphore_mem>>)
        %dma_wait3A_235 = arith.constant 0 : i32
        %dma_wait3A_236 = tpu.memref_slice %arg6[%mul3A_224, %dma_wait3A_235] : memref<50x128xi32, #tpu.memory_space<vmem>> -> memref<1x128xi32, #tpu.memory_space<vmem>>
        %dma_wait3A_237 = tpu.memref_squeeze %dma_wait3A_236 : memref<1x128xi32, #tpu.memory_space<vmem>> -> memref<128xi32, #tpu.memory_space<vmem>>
        %dma_wait3A_238 = arith.constant 0 : i32
        %dma_wait3A_239 = arith.constant 0 : i32
        %dma_wait3A_240 = tpu.memref_slice %arg3[%dma_wait3A_238, %dma_wait3A_239] : memref<1000000x32xf32, #tpu.memory_space<hbm>> -> memref<1000000x32xf32, #tpu.memory_space<hbm>>
        tpu.wait_indirect_dma semaphore(%arg11 : memref<!tpu.dma_semaphore, #tpu.memory_space<semaphore_mem>>) src(%dma_wait3A_240 : memref<1000000x32xf32, #tpu.memory_space<hbm>>) dst(%arg7 : memref<128x32xf32, #tpu.memory_space<vmem>>)
        %parallel_loop3A = arith.constant 0 : i32
        %parallel_loop3A_241 = arith.constant 128 : i32
        %parallel_loop3A_242 = arith.constant 16 : i32
        scf.for %parallel_loop3A_376 = %parallel_loop3A to %parallel_loop3A_241 step %parallel_loop3A_242  : i32 {
          %parallel_loop3A_377 = vector.broadcast %parallel_loop3A_376 : i32 to vector<16xi32>
          %parallel_loop3A_378 = arith.addi %iota3A, %parallel_loop3A_377 : vector<16xi32>
          %parallel_loop3A_379 = tpu.vector_load_idx %arg7[%parallel_loop3A_378, %broadcast_in_dim3A_1] : memref<128x32xf32, #tpu.memory_space<vmem>>[vector<16xi32>, vector<16xi32>], vector<16xf32>,
          %parallel_loop3A_380 = arith.constant 0.000000e+00 : f32
          %parallel_loop3A_381 = vector.broadcast %parallel_loop3A_380 : f32 to vector<16xf32>
          %parallel_loop3A_382 = arith.maximumf %parallel_loop3A_379, %parallel_loop3A_381 : vector<16xf32>
          %parallel_loop3A_383 = vector.broadcast %parallel_loop3A_376 : i32 to vector<16xi32>
          %parallel_loop3A_384 = arith.addi %iota3A, %parallel_loop3A_383 : vector<16xi32>
          %parallel_loop3A_385 = tpu.vector_load_idx %arg7[%parallel_loop3A_384, %broadcast_in_dim3A_3] : memref<128x32xf32, #tpu.memory_space<vmem>>[vector<16xi32>, vector<16xi32>], vector<16xf32>,
          %parallel_loop3A_386 = arith.constant 0.000000e+00 : f32
          %parallel_loop3A_387 = vector.broadcast %parallel_loop3A_386 : f32 to vector<16xf32>
          %parallel_loop3A_388 = arith.maximumf %parallel_loop3A_385, %parallel_loop3A_387 : vector<16xf32>
          %parallel_loop3A_389 = vector.broadcast %parallel_loop3A_376 : i32 to vector<16xi32>
          %parallel_loop3A_390 = arith.addi %iota3A, %parallel_loop3A_389 : vector<16xi32>
          %parallel_loop3A_391 = tpu.vector_load_idx %arg7[%parallel_loop3A_390, %broadcast_in_dim3A_5] : memref<128x32xf32, #tpu.memory_space<vmem>>[vector<16xi32>, vector<16xi32>], vector<16xf32>,
          %parallel_loop3A_392 = arith.constant 0.000000e+00 : f32
          %parallel_loop3A_393 = vector.broadcast %parallel_loop3A_392 : f32 to vector<16xf32>
          %parallel_loop3A_394 = arith.maximumf %parallel_loop3A_391, %parallel_loop3A_393 : vector<16xf32>
          %parallel_loop3A_395 = vector.broadcast %parallel_loop3A_376 : i32 to vector<16xi32>
          %parallel_loop3A_396 = arith.addi %iota3A, %parallel_loop3A_395 : vector<16xi32>
          %parallel_loop3A_397 = tpu.vector_load_idx %arg7[%parallel_loop3A_396, %broadcast_in_dim3A_7] : memref<128x32xf32, #tpu.memory_space<vmem>>[vector<16xi32>, vector<16xi32>], vector<16xf32>,
          %parallel_loop3A_398 = arith.constant 0.000000e+00 : f32
          %parallel_loop3A_399 = vector.broadcast %parallel_loop3A_398 : f32 to vector<16xf32>
          %parallel_loop3A_400 = arith.maximumf %parallel_loop3A_397, %parallel_loop3A_399 : vector<16xf32>
          %parallel_loop3A_401 = vector.broadcast %parallel_loop3A_376 : i32 to vector<16xi32>
          %parallel_loop3A_402 = arith.addi %iota3A, %parallel_loop3A_401 : vector<16xi32>
          %parallel_loop3A_403 = tpu.vector_load_idx %arg7[%parallel_loop3A_402, %broadcast_in_dim3A_9] : memref<128x32xf32, #tpu.memory_space<vmem>>[vector<16xi32>, vector<16xi32>], vector<16xf32>,
          %parallel_loop3A_404 = arith.constant 0.000000e+00 : f32
          %parallel_loop3A_405 = vector.broadcast %parallel_loop3A_404 : f32 to vector<16xf32>
          %parallel_loop3A_406 = arith.maximumf %parallel_loop3A_403, %parallel_loop3A_405 : vector<16xf32>
          %parallel_loop3A_407 = vector.broadcast %parallel_loop3A_376 : i32 to vector<16xi32>
          %parallel_loop3A_408 = arith.addi %iota3A, %parallel_loop3A_407 : vector<16xi32>
          %parallel_loop3A_409 = tpu.vector_load_idx %arg7[%parallel_loop3A_408, %broadcast_in_dim3A_11] : memref<128x32xf32, #tpu.memory_space<vmem>>[vector<16xi32>, vector<16xi32>], vector<16xf32>,
          %parallel_loop3A_410 = arith.constant 0.000000e+00 : f32
          %parallel_loop3A_411 = vector.broadcast %parallel_loop3A_410 : f32 to vector<16xf32>
          %parallel_loop3A_412 = arith.maximumf %parallel_loop3A_409, %parallel_loop3A_411 : vector<16xf32>
          %parallel_loop3A_413 = vector.broadcast %parallel_loop3A_376 : i32 to vector<16xi32>
          %parallel_loop3A_414 = arith.addi %iota3A, %parallel_loop3A_413 : vector<16xi32>
          %parallel_loop3A_415 = tpu.vector_load_idx %arg7[%parallel_loop3A_414, %broadcast_in_dim3A_13] : memref<128x32xf32, #tpu.memory_space<vmem>>[vector<16xi32>, vector<16xi32>], vector<16xf32>,
          %parallel_loop3A_416 = arith.constant 0.000000e+00 : f32
          %parallel_loop3A_417 = vector.broadcast %parallel_loop3A_416 : f32 to vector<16xf32>
          %parallel_loop3A_418 = arith.maximumf %parallel_loop3A_415, %parallel_loop3A_417 : vector<16xf32>
          %parallel_loop3A_419 = vector.broadcast %parallel_loop3A_376 : i32 to vector<16xi32>
          %parallel_loop3A_420 = arith.addi %iota3A, %parallel_loop3A_419 : vector<16xi32>
          %parallel_loop3A_421 = tpu.vector_load_idx %arg7[%parallel_loop3A_420, %broadcast_in_dim3A_15] : memref<128x32xf32, #tpu.memory_space<vmem>>[vector<16xi32>, vector<16xi32>], vector<16xf32>,
          %parallel_loop3A_422 = arith.constant 0.000000e+00 : f32
          %parallel_loop3A_423 = vector.broadcast %parallel_loop3A_422 : f32 to vector<16xf32>
          %parallel_loop3A_424 = arith.maximumf %parallel_loop3A_421, %parallel_loop3A_423 : vector<16xf32>
          %parallel_loop3A_425 = vector.broadcast %parallel_loop3A_376 : i32 to vector<16xi32>
          %parallel_loop3A_426 = arith.addi %iota3A, %parallel_loop3A_425 : vector<16xi32>
          %parallel_loop3A_427 = tpu.vector_load_idx %arg7[%parallel_loop3A_426, %broadcast_in_dim3A_17] : memref<128x32xf32, #tpu.memory_space<vmem>>[vector<16xi32>, vector<16xi32>], vector<16xf32>,
          %parallel_loop3A_428 = arith.constant 0.000000e+00 : f32
          %parallel_loop3A_429 = vector.broadcast %parallel_loop3A_428 : f32 to vector<16xf32>
          %parallel_loop3A_430 = arith.maximumf %parallel_loop3A_427, %parallel_loop3A_429 : vector<16xf32>
          %parallel_loop3A_431 = vector.broadcast %parallel_loop3A_376 : i32 to vector<16xi32>
          %parallel_loop3A_432 = arith.addi %iota3A, %parallel_loop3A_431 : vector<16xi32>
          %parallel_loop3A_433 = tpu.vector_load_idx %arg7[%parallel_loop3A_432, %broadcast_in_dim3A_19] : memref<128x32xf32, #tpu.memory_space<vmem>>[vector<16xi32>, vector<16xi32>], vector<16xf32>,
          %parallel_loop3A_434 = arith.constant 0.000000e+00 : f32
          %parallel_loop3A_435 = vector.broadcast %parallel_loop3A_434 : f32 to vector<16xf32>
          %parallel_loop3A_436 = arith.maximumf %parallel_loop3A_433, %parallel_loop3A_435 : vector<16xf32>
          %parallel_loop3A_437 = vector.broadcast %parallel_loop3A_376 : i32 to vector<16xi32>
          %parallel_loop3A_438 = arith.addi %iota3A, %parallel_loop3A_437 : vector<16xi32>
          %parallel_loop3A_439 = tpu.vector_load_idx %arg7[%parallel_loop3A_438, %broadcast_in_dim3A_21] : memref<128x32xf32, #tpu.memory_space<vmem>>[vector<16xi32>, vector<16xi32>], vector<16xf32>,
          %parallel_loop3A_440 = arith.constant 0.000000e+00 : f32
          %parallel_loop3A_441 = vector.broadcast %parallel_loop3A_440 : f32 to vector<16xf32>
          %parallel_loop3A_442 = arith.maximumf %parallel_loop3A_439, %parallel_loop3A_441 : vector<16xf32>
          %parallel_loop3A_443 = vector.broadcast %parallel_loop3A_376 : i32 to vector<16xi32>
          %parallel_loop3A_444 = arith.addi %iota3A, %parallel_loop3A_443 : vector<16xi32>
          %parallel_loop3A_445 = tpu.vector_load_idx %arg7[%parallel_loop3A_444, %broadcast_in_dim3A_23] : memref<128x32xf32, #tpu.memory_space<vmem>>[vector<16xi32>, vector<16xi32>], vector<16xf32>,
          %parallel_loop3A_446 = arith.constant 0.000000e+00 : f32
          %parallel_loop3A_447 = vector.broadcast %parallel_loop3A_446 : f32 to vector<16xf32>
          %parallel_loop3A_448 = arith.maximumf %parallel_loop3A_445, %parallel_loop3A_447 : vector<16xf32>
          %parallel_loop3A_449 = vector.broadcast %parallel_loop3A_376 : i32 to vector<16xi32>
          %parallel_loop3A_450 = arith.addi %iota3A, %parallel_loop3A_449 : vector<16xi32>
          %parallel_loop3A_451 = tpu.vector_load_idx %arg7[%parallel_loop3A_450, %broadcast_in_dim3A_25] : memref<128x32xf32, #tpu.memory_space<vmem>>[vector<16xi32>, vector<16xi32>], vector<16xf32>,
          %parallel_loop3A_452 = arith.constant 0.000000e+00 : f32
          %parallel_loop3A_453 = vector.broadcast %parallel_loop3A_452 : f32 to vector<16xf32>
          %parallel_loop3A_454 = arith.maximumf %parallel_loop3A_451, %parallel_loop3A_453 : vector<16xf32>
          %parallel_loop3A_455 = vector.broadcast %parallel_loop3A_376 : i32 to vector<16xi32>
          %parallel_loop3A_456 = arith.addi %iota3A, %parallel_loop3A_455 : vector<16xi32>
          %parallel_loop3A_457 = tpu.vector_load_idx %arg7[%parallel_loop3A_456, %broadcast_in_dim3A_27] : memref<128x32xf32, #tpu.memory_space<vmem>>[vector<16xi32>, vector<16xi32>], vector<16xf32>,
          %parallel_loop3A_458 = arith.constant 0.000000e+00 : f32
          %parallel_loop3A_459 = vector.broadcast %parallel_loop3A_458 : f32 to vector<16xf32>
          %parallel_loop3A_460 = arith.maximumf %parallel_loop3A_457, %parallel_loop3A_459 : vector<16xf32>
          %parallel_loop3A_461 = vector.broadcast %parallel_loop3A_376 : i32 to vector<16xi32>
          %parallel_loop3A_462 = arith.addi %iota3A, %parallel_loop3A_461 : vector<16xi32>
          %parallel_loop3A_463 = tpu.vector_load_idx %arg7[%parallel_loop3A_462, %broadcast_in_dim3A_29] : memref<128x32xf32, #tpu.memory_space<vmem>>[vector<16xi32>, vector<16xi32>], vector<16xf32>,
          %parallel_loop3A_464 = arith.constant 0.000000e+00 : f32
          %parallel_loop3A_465 = vector.broadcast %parallel_loop3A_464 : f32 to vector<16xf32>
          %parallel_loop3A_466 = arith.maximumf %parallel_loop3A_463, %parallel_loop3A_465 : vector<16xf32>
          %parallel_loop3A_467 = vector.broadcast %parallel_loop3A_376 : i32 to vector<16xi32>
          %parallel_loop3A_468 = arith.addi %iota3A, %parallel_loop3A_467 : vector<16xi32>
          %parallel_loop3A_469 = tpu.vector_load_idx %arg7[%parallel_loop3A_468, %broadcast_in_dim3A_31] : memref<128x32xf32, #tpu.memory_space<vmem>>[vector<16xi32>, vector<16xi32>], vector<16xf32>,
          %parallel_loop3A_470 = arith.constant 0.000000e+00 : f32
          %parallel_loop3A_471 = vector.broadcast %parallel_loop3A_470 : f32 to vector<16xf32>
          %parallel_loop3A_472 = arith.maximumf %parallel_loop3A_469, %parallel_loop3A_471 : vector<16xf32>
          %parallel_loop3A_473 = vector.broadcast %parallel_loop3A_376 : i32 to vector<16xi32>
          %parallel_loop3A_474 = arith.addi %iota3A, %parallel_loop3A_473 : vector<16xi32>
          %parallel_loop3A_475 = tpu.vector_load_idx %arg7[%parallel_loop3A_474, %broadcast_in_dim3A_33] : memref<128x32xf32, #tpu.memory_space<vmem>>[vector<16xi32>, vector<16xi32>], vector<16xf32>,
          %parallel_loop3A_476 = arith.constant 0.000000e+00 : f32
          %parallel_loop3A_477 = vector.broadcast %parallel_loop3A_476 : f32 to vector<16xf32>
          %parallel_loop3A_478 = arith.maximumf %parallel_loop3A_475, %parallel_loop3A_477 : vector<16xf32>
          %parallel_loop3A_479 = vector.broadcast %parallel_loop3A_376 : i32 to vector<16xi32>
          %parallel_loop3A_480 = arith.addi %iota3A, %parallel_loop3A_479 : vector<16xi32>
          %parallel_loop3A_481 = tpu.vector_load_idx %arg7[%parallel_loop3A_480, %broadcast_in_dim3A_35] : memref<128x32xf32, #tpu.memory_space<vmem>>[vector<16xi32>, vector<16xi32>], vector<16xf32>,
          %parallel_loop3A_482 = arith.constant 0.000000e+00 : f32
          %parallel_loop3A_483 = vector.broadcast %parallel_loop3A_482 : f32 to vector<16xf32>
          %parallel_loop3A_484 = arith.maximumf %parallel_loop3A_481, %parallel_loop3A_483 : vector<16xf32>
          %parallel_loop3A_485 = vector.broadcast %parallel_loop3A_376 : i32 to vector<16xi32>
          %parallel_loop3A_486 = arith.addi %iota3A, %parallel_loop3A_485 : vector<16xi32>
          %parallel_loop3A_487 = tpu.vector_load_idx %arg7[%parallel_loop3A_486, %broadcast_in_dim3A_37] : memref<128x32xf32, #tpu.memory_space<vmem>>[vector<16xi32>, vector<16xi32>], vector<16xf32>,
          %parallel_loop3A_488 = arith.constant 0.000000e+00 : f32
          %parallel_loop3A_489 = vector.broadcast %parallel_loop3A_488 : f32 to vector<16xf32>
          %parallel_loop3A_490 = arith.maximumf %parallel_loop3A_487, %parallel_loop3A_489 : vector<16xf32>
          %parallel_loop3A_491 = vector.broadcast %parallel_loop3A_376 : i32 to vector<16xi32>
          %parallel_loop3A_492 = arith.addi %iota3A, %parallel_loop3A_491 : vector<16xi32>
          %parallel_loop3A_493 = tpu.vector_load_idx %arg7[%parallel_loop3A_492, %broadcast_in_dim3A_39] : memref<128x32xf32, #tpu.memory_space<vmem>>[vector<16xi32>, vector<16xi32>], vector<16xf32>,
          %parallel_loop3A_494 = arith.constant 0.000000e+00 : f32
          %parallel_loop3A_495 = vector.broadcast %parallel_loop3A_494 : f32 to vector<16xf32>
          %parallel_loop3A_496 = arith.maximumf %parallel_loop3A_493, %parallel_loop3A_495 : vector<16xf32>
          %parallel_loop3A_497 = vector.broadcast %parallel_loop3A_376 : i32 to vector<16xi32>
          %parallel_loop3A_498 = arith.addi %iota3A, %parallel_loop3A_497 : vector<16xi32>
          %parallel_loop3A_499 = tpu.vector_load_idx %arg7[%parallel_loop3A_498, %broadcast_in_dim3A_41] : memref<128x32xf32, #tpu.memory_space<vmem>>[vector<16xi32>, vector<16xi32>], vector<16xf32>,
          %parallel_loop3A_500 = arith.constant 0.000000e+00 : f32
          %parallel_loop3A_501 = vector.broadcast %parallel_loop3A_500 : f32 to vector<16xf32>
          %parallel_loop3A_502 = arith.maximumf %parallel_loop3A_499, %parallel_loop3A_501 : vector<16xf32>
          %parallel_loop3A_503 = vector.broadcast %parallel_loop3A_376 : i32 to vector<16xi32>
          %parallel_loop3A_504 = arith.addi %iota3A, %parallel_loop3A_503 : vector<16xi32>
          %parallel_loop3A_505 = tpu.vector_load_idx %arg7[%parallel_loop3A_504, %broadcast_in_dim3A_43] : memref<128x32xf32, #tpu.memory_space<vmem>>[vector<16xi32>, vector<16xi32>], vector<16xf32>,
          %parallel_loop3A_506 = arith.constant 0.000000e+00 : f32
          %parallel_loop3A_507 = vector.broadcast %parallel_loop3A_506 : f32 to vector<16xf32>
          %parallel_loop3A_508 = arith.maximumf %parallel_loop3A_505, %parallel_loop3A_507 : vector<16xf32>
          %parallel_loop3A_509 = vector.broadcast %parallel_loop3A_376 : i32 to vector<16xi32>
          %parallel_loop3A_510 = arith.addi %iota3A, %parallel_loop3A_509 : vector<16xi32>
          %parallel_loop3A_511 = tpu.vector_load_idx %arg7[%parallel_loop3A_510, %broadcast_in_dim3A_45] : memref<128x32xf32, #tpu.memory_space<vmem>>[vector<16xi32>, vector<16xi32>], vector<16xf32>,
          %parallel_loop3A_512 = arith.constant 0.000000e+00 : f32
          %parallel_loop3A_513 = vector.broadcast %parallel_loop3A_512 : f32 to vector<16xf32>
          %parallel_loop3A_514 = arith.maximumf %parallel_loop3A_511, %parallel_loop3A_513 : vector<16xf32>
          %parallel_loop3A_515 = vector.broadcast %parallel_loop3A_376 : i32 to vector<16xi32>
          %parallel_loop3A_516 = arith.addi %iota3A, %parallel_loop3A_515 : vector<16xi32>
          %parallel_loop3A_517 = tpu.vector_load_idx %arg7[%parallel_loop3A_516, %broadcast_in_dim3A_47] : memref<128x32xf32, #tpu.memory_space<vmem>>[vector<16xi32>, vector<16xi32>], vector<16xf32>,
          %parallel_loop3A_518 = arith.constant 0.000000e+00 : f32
          %parallel_loop3A_519 = vector.broadcast %parallel_loop3A_518 : f32 to vector<16xf32>
          %parallel_loop3A_520 = arith.maximumf %parallel_loop3A_517, %parallel_loop3A_519 : vector<16xf32>
          %parallel_loop3A_521 = vector.broadcast %parallel_loop3A_376 : i32 to vector<16xi32>
          %parallel_loop3A_522 = arith.addi %iota3A, %parallel_loop3A_521 : vector<16xi32>
          %parallel_loop3A_523 = tpu.vector_load_idx %arg7[%parallel_loop3A_522, %broadcast_in_dim3A_49] : memref<128x32xf32, #tpu.memory_space<vmem>>[vector<16xi32>, vector<16xi32>], vector<16xf32>,
          %parallel_loop3A_524 = arith.constant 0.000000e+00 : f32
          %parallel_loop3A_525 = vector.broadcast %parallel_loop3A_524 : f32 to vector<16xf32>
          %parallel_loop3A_526 = arith.maximumf %parallel_loop3A_523, %parallel_loop3A_525 : vector<16xf32>
          %parallel_loop3A_527 = vector.broadcast %parallel_loop3A_376 : i32 to vector<16xi32>
          %parallel_loop3A_528 = arith.addi %iota3A, %parallel_loop3A_527 : vector<16xi32>
          %parallel_loop3A_529 = tpu.vector_load_idx %arg7[%parallel_loop3A_528, %broadcast_in_dim3A_51] : memref<128x32xf32, #tpu.memory_space<vmem>>[vector<16xi32>, vector<16xi32>], vector<16xf32>,
          %parallel_loop3A_530 = arith.constant 0.000000e+00 : f32
          %parallel_loop3A_531 = vector.broadcast %parallel_loop3A_530 : f32 to vector<16xf32>
          %parallel_loop3A_532 = arith.maximumf %parallel_loop3A_529, %parallel_loop3A_531 : vector<16xf32>
          %parallel_loop3A_533 = vector.broadcast %parallel_loop3A_376 : i32 to vector<16xi32>
          %parallel_loop3A_534 = arith.addi %iota3A, %parallel_loop3A_533 : vector<16xi32>
          %parallel_loop3A_535 = tpu.vector_load_idx %arg7[%parallel_loop3A_534, %broadcast_in_dim3A_53] : memref<128x32xf32, #tpu.memory_space<vmem>>[vector<16xi32>, vector<16xi32>], vector<16xf32>,
          %parallel_loop3A_536 = arith.constant 0.000000e+00 : f32
          %parallel_loop3A_537 = vector.broadcast %parallel_loop3A_536 : f32 to vector<16xf32>
          %parallel_loop3A_538 = arith.maximumf %parallel_loop3A_535, %parallel_loop3A_537 : vector<16xf32>
          %parallel_loop3A_539 = vector.broadcast %parallel_loop3A_376 : i32 to vector<16xi32>
          %parallel_loop3A_540 = arith.addi %iota3A, %parallel_loop3A_539 : vector<16xi32>
          %parallel_loop3A_541 = tpu.vector_load_idx %arg7[%parallel_loop3A_540, %broadcast_in_dim3A_55] : memref<128x32xf32, #tpu.memory_space<vmem>>[vector<16xi32>, vector<16xi32>], vector<16xf32>,
          %parallel_loop3A_542 = arith.constant 0.000000e+00 : f32
          %parallel_loop3A_543 = vector.broadcast %parallel_loop3A_542 : f32 to vector<16xf32>
          %parallel_loop3A_544 = arith.maximumf %parallel_loop3A_541, %parallel_loop3A_543 : vector<16xf32>
          %parallel_loop3A_545 = vector.broadcast %parallel_loop3A_376 : i32 to vector<16xi32>
          %parallel_loop3A_546 = arith.addi %iota3A, %parallel_loop3A_545 : vector<16xi32>
          %parallel_loop3A_547 = tpu.vector_load_idx %arg7[%parallel_loop3A_546, %broadcast_in_dim3A_57] : memref<128x32xf32, #tpu.memory_space<vmem>>[vector<16xi32>, vector<16xi32>], vector<16xf32>,
          %parallel_loop3A_548 = arith.constant 0.000000e+00 : f32
          %parallel_loop3A_549 = vector.broadcast %parallel_loop3A_548 : f32 to vector<16xf32>
          %parallel_loop3A_550 = arith.maximumf %parallel_loop3A_547, %parallel_loop3A_549 : vector<16xf32>
          %parallel_loop3A_551 = vector.broadcast %parallel_loop3A_376 : i32 to vector<16xi32>
          %parallel_loop3A_552 = arith.addi %iota3A, %parallel_loop3A_551 : vector<16xi32>
          %parallel_loop3A_553 = tpu.vector_load_idx %arg7[%parallel_loop3A_552, %broadcast_in_dim3A_59] : memref<128x32xf32, #tpu.memory_space<vmem>>[vector<16xi32>, vector<16xi32>], vector<16xf32>,
          %parallel_loop3A_554 = arith.constant 0.000000e+00 : f32
          %parallel_loop3A_555 = vector.broadcast %parallel_loop3A_554 : f32 to vector<16xf32>
          %parallel_loop3A_556 = arith.maximumf %parallel_loop3A_553, %parallel_loop3A_555 : vector<16xf32>
          %parallel_loop3A_557 = vector.broadcast %parallel_loop3A_376 : i32 to vector<16xi32>
          %parallel_loop3A_558 = arith.addi %iota3A, %parallel_loop3A_557 : vector<16xi32>
          %parallel_loop3A_559 = tpu.vector_load_idx %arg7[%parallel_loop3A_558, %broadcast_in_dim3A_61] : memref<128x32xf32, #tpu.memory_space<vmem>>[vector<16xi32>, vector<16xi32>], vector<16xf32>,
          %parallel_loop3A_560 = arith.constant 0.000000e+00 : f32
          %parallel_loop3A_561 = vector.broadcast %parallel_loop3A_560 : f32 to vector<16xf32>
          %parallel_loop3A_562 = arith.maximumf %parallel_loop3A_559, %parallel_loop3A_561 : vector<16xf32>
          %parallel_loop3A_563 = vector.broadcast %parallel_loop3A_376 : i32 to vector<16xi32>
          %parallel_loop3A_564 = arith.addi %iota3A, %parallel_loop3A_563 : vector<16xi32>
          %parallel_loop3A_565 = tpu.vector_load_idx %arg7[%parallel_loop3A_564, %broadcast_in_dim3A_63] : memref<128x32xf32, #tpu.memory_space<vmem>>[vector<16xi32>, vector<16xi32>], vector<16xf32>,
          %parallel_loop3A_566 = arith.constant 0.000000e+00 : f32
          %parallel_loop3A_567 = vector.broadcast %parallel_loop3A_566 : f32 to vector<16xf32>
          %parallel_loop3A_568 = arith.maximumf %parallel_loop3A_565, %parallel_loop3A_567 : vector<16xf32>
          %parallel_loop3A_569 = arith.constant 0 : i32
          %parallel_loop3A_570 = arith.index_cast %parallel_loop3A_569 : i32 to index
          %parallel_loop3A_571 = arith.index_cast %parallel_loop3A_376 : i32 to index
          %parallel_loop3A_572 = tpu.vector_load %arg9[%parallel_loop3A_570, %parallel_loop3A_571] {strides = array<i32>} : memref<32x128xf32, #tpu.memory_space<vmem>>, vector<16xf32>,
          tpu.vector_store %arg9[%parallel_loop3A_570, %parallel_loop3A_571], %parallel_loop3A_382 {strides = array<i32>} : memref<32x128xf32, #tpu.memory_space<vmem>>, vector<16xf32>,
          %parallel_loop3A_573 = arith.constant 1 : i32
          %parallel_loop3A_574 = arith.index_cast %parallel_loop3A_573 : i32 to index
          %parallel_loop3A_575 = arith.index_cast %parallel_loop3A_376 : i32 to index
          %parallel_loop3A_576 = tpu.vector_load %arg9[%parallel_loop3A_574, %parallel_loop3A_575] {strides = array<i32>} : memref<32x128xf32, #tpu.memory_space<vmem>>, vector<16xf32>,
          tpu.vector_store %arg9[%parallel_loop3A_574, %parallel_loop3A_575], %parallel_loop3A_388 {strides = array<i32>} : memref<32x128xf32, #tpu.memory_space<vmem>>, vector<16xf32>,
          %parallel_loop3A_577 = arith.constant 2 : i32
          %parallel_loop3A_578 = arith.index_cast %parallel_loop3A_577 : i32 to index
          %parallel_loop3A_579 = arith.index_cast %parallel_loop3A_376 : i32 to index
          %parallel_loop3A_580 = tpu.vector_load %arg9[%parallel_loop3A_578, %parallel_loop3A_579] {strides = array<i32>} : memref<32x128xf32, #tpu.memory_space<vmem>>, vector<16xf32>,
          tpu.vector_store %arg9[%parallel_loop3A_578, %parallel_loop3A_579], %parallel_loop3A_394 {strides = array<i32>} : memref<32x128xf32, #tpu.memory_space<vmem>>, vector<16xf32>,
          %parallel_loop3A_581 = arith.constant 3 : i32
          %parallel_loop3A_582 = arith.index_cast %parallel_loop3A_581 : i32 to index
          %parallel_loop3A_583 = arith.index_cast %parallel_loop3A_376 : i32 to index
          %parallel_loop3A_584 = tpu.vector_load %arg9[%parallel_loop3A_582, %parallel_loop3A_583] {strides = array<i32>} : memref<32x128xf32, #tpu.memory_space<vmem>>, vector<16xf32>,
          tpu.vector_store %arg9[%parallel_loop3A_582, %parallel_loop3A_583], %parallel_loop3A_400 {strides = array<i32>} : memref<32x128xf32, #tpu.memory_space<vmem>>, vector<16xf32>,
          %parallel_loop3A_585 = arith.constant 4 : i32
          %parallel_loop3A_586 = arith.index_cast %parallel_loop3A_585 : i32 to index
          %parallel_loop3A_587 = arith.index_cast %parallel_loop3A_376 : i32 to index
          %parallel_loop3A_588 = tpu.vector_load %arg9[%parallel_loop3A_586, %parallel_loop3A_587] {strides = array<i32>} : memref<32x128xf32, #tpu.memory_space<vmem>>, vector<16xf32>,
          tpu.vector_store %arg9[%parallel_loop3A_586, %parallel_loop3A_587], %parallel_loop3A_406 {strides = array<i32>} : memref<32x128xf32, #tpu.memory_space<vmem>>, vector<16xf32>,
          %parallel_loop3A_589 = arith.constant 5 : i32
          %parallel_loop3A_590 = arith.index_cast %parallel_loop3A_589 : i32 to index
          %parallel_loop3A_591 = arith.index_cast %parallel_loop3A_376 : i32 to index
          %parallel_loop3A_592 = tpu.vector_load %arg9[%parallel_loop3A_590, %parallel_loop3A_591] {strides = array<i32>} : memref<32x128xf32, #tpu.memory_space<vmem>>, vector<16xf32>,
          tpu.vector_store %arg9[%parallel_loop3A_590, %parallel_loop3A_591], %parallel_loop3A_412 {strides = array<i32>} : memref<32x128xf32, #tpu.memory_space<vmem>>, vector<16xf32>,
          %parallel_loop3A_593 = arith.constant 6 : i32
          %parallel_loop3A_594 = arith.index_cast %parallel_loop3A_593 : i32 to index
          %parallel_loop3A_595 = arith.index_cast %parallel_loop3A_376 : i32 to index
          %parallel_loop3A_596 = tpu.vector_load %arg9[%parallel_loop3A_594, %parallel_loop3A_595] {strides = array<i32>} : memref<32x128xf32, #tpu.memory_space<vmem>>, vector<16xf32>,
          tpu.vector_store %arg9[%parallel_loop3A_594, %parallel_loop3A_595], %parallel_loop3A_418 {strides = array<i32>} : memref<32x128xf32, #tpu.memory_space<vmem>>, vector<16xf32>,
          %parallel_loop3A_597 = arith.constant 7 : i32
          %parallel_loop3A_598 = arith.index_cast %parallel_loop3A_597 : i32 to index
          %parallel_loop3A_599 = arith.index_cast %parallel_loop3A_376 : i32 to index
          %parallel_loop3A_600 = tpu.vector_load %arg9[%parallel_loop3A_598, %parallel_loop3A_599] {strides = array<i32>} : memref<32x128xf32, #tpu.memory_space<vmem>>, vector<16xf32>,
          tpu.vector_store %arg9[%parallel_loop3A_598, %parallel_loop3A_599], %parallel_loop3A_424 {strides = array<i32>} : memref<32x128xf32, #tpu.memory_space<vmem>>, vector<16xf32>,
          %parallel_loop3A_601 = arith.constant 8 : i32
          %parallel_loop3A_602 = arith.index_cast %parallel_loop3A_601 : i32 to index
          %parallel_loop3A_603 = arith.index_cast %parallel_loop3A_376 : i32 to index
          %parallel_loop3A_604 = tpu.vector_load %arg9[%parallel_loop3A_602, %parallel_loop3A_603] {strides = array<i32>} : memref<32x128xf32, #tpu.memory_space<vmem>>, vector<16xf32>,
          tpu.vector_store %arg9[%parallel_loop3A_602, %parallel_loop3A_603], %parallel_loop3A_430 {strides = array<i32>} : memref<32x128xf32, #tpu.memory_space<vmem>>, vector<16xf32>,
          %parallel_loop3A_605 = arith.constant 9 : i32
          %parallel_loop3A_606 = arith.index_cast %parallel_loop3A_605 : i32 to index
          %parallel_loop3A_607 = arith.index_cast %parallel_loop3A_376 : i32 to index
          %parallel_loop3A_608 = tpu.vector_load %arg9[%parallel_loop3A_606, %parallel_loop3A_607] {strides = array<i32>} : memref<32x128xf32, #tpu.memory_space<vmem>>, vector<16xf32>,
          tpu.vector_store %arg9[%parallel_loop3A_606, %parallel_loop3A_607], %parallel_loop3A_436 {strides = array<i32>} : memref<32x128xf32, #tpu.memory_space<vmem>>, vector<16xf32>,
          %parallel_loop3A_609 = arith.constant 10 : i32
          %parallel_loop3A_610 = arith.index_cast %parallel_loop3A_609 : i32 to index
          %parallel_loop3A_611 = arith.index_cast %parallel_loop3A_376 : i32 to index
          %parallel_loop3A_612 = tpu.vector_load %arg9[%parallel_loop3A_610, %parallel_loop3A_611] {strides = array<i32>} : memref<32x128xf32, #tpu.memory_space<vmem>>, vector<16xf32>,
          tpu.vector_store %arg9[%parallel_loop3A_610, %parallel_loop3A_611], %parallel_loop3A_442 {strides = array<i32>} : memref<32x128xf32, #tpu.memory_space<vmem>>, vector<16xf32>,
          %parallel_loop3A_613 = arith.constant 11 : i32
          %parallel_loop3A_614 = arith.index_cast %parallel_loop3A_613 : i32 to index
          %parallel_loop3A_615 = arith.index_cast %parallel_loop3A_376 : i32 to index
          %parallel_loop3A_616 = tpu.vector_load %arg9[%parallel_loop3A_614, %parallel_loop3A_615] {strides = array<i32>} : memref<32x128xf32, #tpu.memory_space<vmem>>, vector<16xf32>,
          tpu.vector_store %arg9[%parallel_loop3A_614, %parallel_loop3A_615], %parallel_loop3A_448 {strides = array<i32>} : memref<32x128xf32, #tpu.memory_space<vmem>>, vector<16xf32>,
          %parallel_loop3A_617 = arith.constant 12 : i32
          %parallel_loop3A_618 = arith.index_cast %parallel_loop3A_617 : i32 to index
          %parallel_loop3A_619 = arith.index_cast %parallel_loop3A_376 : i32 to index
          %parallel_loop3A_620 = tpu.vector_load %arg9[%parallel_loop3A_618, %parallel_loop3A_619] {strides = array<i32>} : memref<32x128xf32, #tpu.memory_space<vmem>>, vector<16xf32>,
          tpu.vector_store %arg9[%parallel_loop3A_618, %parallel_loop3A_619], %parallel_loop3A_454 {strides = array<i32>} : memref<32x128xf32, #tpu.memory_space<vmem>>, vector<16xf32>,
          %parallel_loop3A_621 = arith.constant 13 : i32
          %parallel_loop3A_622 = arith.index_cast %parallel_loop3A_621 : i32 to index
          %parallel_loop3A_623 = arith.index_cast %parallel_loop3A_376 : i32 to index
          %parallel_loop3A_624 = tpu.vector_load %arg9[%parallel_loop3A_622, %parallel_loop3A_623] {strides = array<i32>} : memref<32x128xf32, #tpu.memory_space<vmem>>, vector<16xf32>,
          tpu.vector_store %arg9[%parallel_loop3A_622, %parallel_loop3A_623], %parallel_loop3A_460 {strides = array<i32>} : memref<32x128xf32, #tpu.memory_space<vmem>>, vector<16xf32>,
          %parallel_loop3A_625 = arith.constant 14 : i32
          %parallel_loop3A_626 = arith.index_cast %parallel_loop3A_625 : i32 to index
          %parallel_loop3A_627 = arith.index_cast %parallel_loop3A_376 : i32 to index
          %parallel_loop3A_628 = tpu.vector_load %arg9[%parallel_loop3A_626, %parallel_loop3A_627] {strides = array<i32>} : memref<32x128xf32, #tpu.memory_space<vmem>>, vector<16xf32>,
          tpu.vector_store %arg9[%parallel_loop3A_626, %parallel_loop3A_627], %parallel_loop3A_466 {strides = array<i32>} : memref<32x128xf32, #tpu.memory_space<vmem>>, vector<16xf32>,
          %parallel_loop3A_629 = arith.constant 15 : i32
          %parallel_loop3A_630 = arith.index_cast %parallel_loop3A_629 : i32 to index
          %parallel_loop3A_631 = arith.index_cast %parallel_loop3A_376 : i32 to index
          %parallel_loop3A_632 = tpu.vector_load %arg9[%parallel_loop3A_630, %parallel_loop3A_631] {strides = array<i32>} : memref<32x128xf32, #tpu.memory_space<vmem>>, vector<16xf32>,
          tpu.vector_store %arg9[%parallel_loop3A_630, %parallel_loop3A_631], %parallel_loop3A_472 {strides = array<i32>} : memref<32x128xf32, #tpu.memory_space<vmem>>, vector<16xf32>,
          %parallel_loop3A_633 = arith.constant 16 : i32
          %parallel_loop3A_634 = arith.index_cast %parallel_loop3A_633 : i32 to index
          %parallel_loop3A_635 = arith.index_cast %parallel_loop3A_376 : i32 to index
          %parallel_loop3A_636 = tpu.vector_load %arg9[%parallel_loop3A_634, %parallel_loop3A_635] {strides = array<i32>} : memref<32x128xf32, #tpu.memory_space<vmem>>, vector<16xf32>,
          tpu.vector_store %arg9[%parallel_loop3A_634, %parallel_loop3A_635], %parallel_loop3A_478 {strides = array<i32>} : memref<32x128xf32, #tpu.memory_space<vmem>>, vector<16xf32>,
          %parallel_loop3A_637 = arith.constant 17 : i32
          %parallel_loop3A_638 = arith.index_cast %parallel_loop3A_637 : i32 to index
          %parallel_loop3A_639 = arith.index_cast %parallel_loop3A_376 : i32 to index
          %parallel_loop3A_640 = tpu.vector_load %arg9[%parallel_loop3A_638, %parallel_loop3A_639] {strides = array<i32>} : memref<32x128xf32, #tpu.memory_space<vmem>>, vector<16xf32>,
          tpu.vector_store %arg9[%parallel_loop3A_638, %parallel_loop3A_639], %parallel_loop3A_484 {strides = array<i32>} : memref<32x128xf32, #tpu.memory_space<vmem>>, vector<16xf32>,
          %parallel_loop3A_641 = arith.constant 18 : i32
          %parallel_loop3A_642 = arith.index_cast %parallel_loop3A_641 : i32 to index
          %parallel_loop3A_643 = arith.index_cast %parallel_loop3A_376 : i32 to index
          %parallel_loop3A_644 = tpu.vector_load %arg9[%parallel_loop3A_642, %parallel_loop3A_643] {strides = array<i32>} : memref<32x128xf32, #tpu.memory_space<vmem>>, vector<16xf32>,
          tpu.vector_store %arg9[%parallel_loop3A_642, %parallel_loop3A_643], %parallel_loop3A_490 {strides = array<i32>} : memref<32x128xf32, #tpu.memory_space<vmem>>, vector<16xf32>,
          %parallel_loop3A_645 = arith.constant 19 : i32
          %parallel_loop3A_646 = arith.index_cast %parallel_loop3A_645 : i32 to index
          %parallel_loop3A_647 = arith.index_cast %parallel_loop3A_376 : i32 to index
          %parallel_loop3A_648 = tpu.vector_load %arg9[%parallel_loop3A_646, %parallel_loop3A_647] {strides = array<i32>} : memref<32x128xf32, #tpu.memory_space<vmem>>, vector<16xf32>,
          tpu.vector_store %arg9[%parallel_loop3A_646, %parallel_loop3A_647], %parallel_loop3A_496 {strides = array<i32>} : memref<32x128xf32, #tpu.memory_space<vmem>>, vector<16xf32>,
          %parallel_loop3A_649 = arith.constant 20 : i32
          %parallel_loop3A_650 = arith.index_cast %parallel_loop3A_649 : i32 to index
          %parallel_loop3A_651 = arith.index_cast %parallel_loop3A_376 : i32 to index
          %parallel_loop3A_652 = tpu.vector_load %arg9[%parallel_loop3A_650, %parallel_loop3A_651] {strides = array<i32>} : memref<32x128xf32, #tpu.memory_space<vmem>>, vector<16xf32>,
          tpu.vector_store %arg9[%parallel_loop3A_650, %parallel_loop3A_651], %parallel_loop3A_502 {strides = array<i32>} : memref<32x128xf32, #tpu.memory_space<vmem>>, vector<16xf32>,
          %parallel_loop3A_653 = arith.constant 21 : i32
          %parallel_loop3A_654 = arith.index_cast %parallel_loop3A_653 : i32 to index
          %parallel_loop3A_655 = arith.index_cast %parallel_loop3A_376 : i32 to index
          %parallel_loop3A_656 = tpu.vector_load %arg9[%parallel_loop3A_654, %parallel_loop3A_655] {strides = array<i32>} : memref<32x128xf32, #tpu.memory_space<vmem>>, vector<16xf32>,
          tpu.vector_store %arg9[%parallel_loop3A_654, %parallel_loop3A_655], %parallel_loop3A_508 {strides = array<i32>} : memref<32x128xf32, #tpu.memory_space<vmem>>, vector<16xf32>,
          %parallel_loop3A_657 = arith.constant 22 : i32
          %parallel_loop3A_658 = arith.index_cast %parallel_loop3A_657 : i32 to index
          %parallel_loop3A_659 = arith.index_cast %parallel_loop3A_376 : i32 to index
          %parallel_loop3A_660 = tpu.vector_load %arg9[%parallel_loop3A_658, %parallel_loop3A_659] {strides = array<i32>} : memref<32x128xf32, #tpu.memory_space<vmem>>, vector<16xf32>,
          tpu.vector_store %arg9[%parallel_loop3A_658, %parallel_loop3A_659], %parallel_loop3A_514 {strides = array<i32>} : memref<32x128xf32, #tpu.memory_space<vmem>>, vector<16xf32>,
          %parallel_loop3A_661 = arith.constant 23 : i32
          %parallel_loop3A_662 = arith.index_cast %parallel_loop3A_661 : i32 to index
          %parallel_loop3A_663 = arith.index_cast %parallel_loop3A_376 : i32 to index
          %parallel_loop3A_664 = tpu.vector_load %arg9[%parallel_loop3A_662, %parallel_loop3A_663] {strides = array<i32>} : memref<32x128xf32, #tpu.memory_space<vmem>>, vector<16xf32>,
          tpu.vector_store %arg9[%parallel_loop3A_662, %parallel_loop3A_663], %parallel_loop3A_520 {strides = array<i32>} : memref<32x128xf32, #tpu.memory_space<vmem>>, vector<16xf32>,
          %parallel_loop3A_665 = arith.constant 24 : i32
          %parallel_loop3A_666 = arith.index_cast %parallel_loop3A_665 : i32 to index
          %parallel_loop3A_667 = arith.index_cast %parallel_loop3A_376 : i32 to index
          %parallel_loop3A_668 = tpu.vector_load %arg9[%parallel_loop3A_666, %parallel_loop3A_667] {strides = array<i32>} : memref<32x128xf32, #tpu.memory_space<vmem>>, vector<16xf32>,
          tpu.vector_store %arg9[%parallel_loop3A_666, %parallel_loop3A_667], %parallel_loop3A_526 {strides = array<i32>} : memref<32x128xf32, #tpu.memory_space<vmem>>, vector<16xf32>,
          %parallel_loop3A_669 = arith.constant 25 : i32
          %parallel_loop3A_670 = arith.index_cast %parallel_loop3A_669 : i32 to index
          %parallel_loop3A_671 = arith.index_cast %parallel_loop3A_376 : i32 to index
          %parallel_loop3A_672 = tpu.vector_load %arg9[%parallel_loop3A_670, %parallel_loop3A_671] {strides = array<i32>} : memref<32x128xf32, #tpu.memory_space<vmem>>, vector<16xf32>,
          tpu.vector_store %arg9[%parallel_loop3A_670, %parallel_loop3A_671], %parallel_loop3A_532 {strides = array<i32>} : memref<32x128xf32, #tpu.memory_space<vmem>>, vector<16xf32>,
          %parallel_loop3A_673 = arith.constant 26 : i32
          %parallel_loop3A_674 = arith.index_cast %parallel_loop3A_673 : i32 to index
          %parallel_loop3A_675 = arith.index_cast %parallel_loop3A_376 : i32 to index
          %parallel_loop3A_676 = tpu.vector_load %arg9[%parallel_loop3A_674, %parallel_loop3A_675] {strides = array<i32>} : memref<32x128xf32, #tpu.memory_space<vmem>>, vector<16xf32>,
          tpu.vector_store %arg9[%parallel_loop3A_674, %parallel_loop3A_675], %parallel_loop3A_538 {strides = array<i32>} : memref<32x128xf32, #tpu.memory_space<vmem>>, vector<16xf32>,
          %parallel_loop3A_677 = arith.constant 27 : i32
          %parallel_loop3A_678 = arith.index_cast %parallel_loop3A_677 : i32 to index
          %parallel_loop3A_679 = arith.index_cast %parallel_loop3A_376 : i32 to index
          %parallel_loop3A_680 = tpu.vector_load %arg9[%parallel_loop3A_678, %parallel_loop3A_679] {strides = array<i32>} : memref<32x128xf32, #tpu.memory_space<vmem>>, vector<16xf32>,
          tpu.vector_store %arg9[%parallel_loop3A_678, %parallel_loop3A_679], %parallel_loop3A_544 {strides = array<i32>} : memref<32x128xf32, #tpu.memory_space<vmem>>, vector<16xf32>,
          %parallel_loop3A_681 = arith.constant 28 : i32
          %parallel_loop3A_682 = arith.index_cast %parallel_loop3A_681 : i32 to index
          %parallel_loop3A_683 = arith.index_cast %parallel_loop3A_376 : i32 to index
          %parallel_loop3A_684 = tpu.vector_load %arg9[%parallel_loop3A_682, %parallel_loop3A_683] {strides = array<i32>} : memref<32x128xf32, #tpu.memory_space<vmem>>, vector<16xf32>,
          tpu.vector_store %arg9[%parallel_loop3A_682, %parallel_loop3A_683], %parallel_loop3A_550 {strides = array<i32>} : memref<32x128xf32, #tpu.memory_space<vmem>>, vector<16xf32>,
          %parallel_loop3A_685 = arith.constant 29 : i32
          %parallel_loop3A_686 = arith.index_cast %parallel_loop3A_685 : i32 to index
          %parallel_loop3A_687 = arith.index_cast %parallel_loop3A_376 : i32 to index
          %parallel_loop3A_688 = tpu.vector_load %arg9[%parallel_loop3A_686, %parallel_loop3A_687] {strides = array<i32>} : memref<32x128xf32, #tpu.memory_space<vmem>>, vector<16xf32>,
          tpu.vector_store %arg9[%parallel_loop3A_686, %parallel_loop3A_687], %parallel_loop3A_556 {strides = array<i32>} : memref<32x128xf32, #tpu.memory_space<vmem>>, vector<16xf32>,
          %parallel_loop3A_689 = arith.constant 30 : i32
          %parallel_loop3A_690 = arith.index_cast %parallel_loop3A_689 : i32 to index
          %parallel_loop3A_691 = arith.index_cast %parallel_loop3A_376 : i32 to index
          %parallel_loop3A_692 = tpu.vector_load %arg9[%parallel_loop3A_690, %parallel_loop3A_691] {strides = array<i32>} : memref<32x128xf32, #tpu.memory_space<vmem>>, vector<16xf32>,
          tpu.vector_store %arg9[%parallel_loop3A_690, %parallel_loop3A_691], %parallel_loop3A_562 {strides = array<i32>} : memref<32x128xf32, #tpu.memory_space<vmem>>, vector<16xf32>,
          %parallel_loop3A_693 = arith.constant 31 : i32
          %parallel_loop3A_694 = arith.index_cast %parallel_loop3A_693 : i32 to index
          %parallel_loop3A_695 = arith.index_cast %parallel_loop3A_376 : i32 to index
          %parallel_loop3A_696 = tpu.vector_load %arg9[%parallel_loop3A_694, %parallel_loop3A_695] {strides = array<i32>} : memref<32x128xf32, #tpu.memory_space<vmem>>, vector<16xf32>,
          tpu.vector_store %arg9[%parallel_loop3A_694, %parallel_loop3A_695], %parallel_loop3A_568 {strides = array<i32>} : memref<32x128xf32, #tpu.memory_space<vmem>>, vector<16xf32>,
        } {sc.loop_unroll_factor = 2 : i64, sc.parallel_access}
        %dma_start3A_243 = arith.constant 0 : i32
        %dma_start3A_244 = arith.constant 0 : i32
        %dma_start3A_245 = arith.constant 0 : i32
        %dma_start3A_246 = tpu.memref_slice %arg9[%dma_start3A_244, %dma_start3A_245] : memref<32x128xf32, #tpu.memory_space<vmem>> -> memref<8x128xf32, #tpu.memory_space<vmem>>
        %dma_start3A_247 = arith.constant 0 : i32
        %dma_start3A_248 = arith.constant 0 : i32
        %dma_start3A_249 = tpu.memref_slice %arg4[%mul3A_224, %dma_start3A_243, %add3A_72, %dma_start3A_247, %dma_start3A_248] : memref<50x4x128x8x128xf32, #tpu.memory_space<hbm>> -> memref<1x1x1x8x128xf32, #tpu.memory_space<hbm>>
        %dma_start3A_250 = tpu.memref_squeeze %dma_start3A_249 : memref<1x1x1x8x128xf32, #tpu.memory_space<hbm>> -> memref<8x128xf32, #tpu.memory_space<hbm>>
        %dma_start3A_251 = arith.constant 0 : i32
        %dma_start3A_252 = arith.constant 0 : i32
        %dma_start3A_253 = tpu.memref_slice %arg4[%mul3A_224, %dma_start3A_243, %add3A_72, %dma_start3A_251, %dma_start3A_252] : memref<50x4x128x8x128xf32, #tpu.memory_space<hbm>> -> memref<1x1x1x8x128xf32, #tpu.memory_space<hbm>>
        %dma_start3A_254 = tpu.memref_squeeze %dma_start3A_253 : memref<1x1x1x8x128xf32, #tpu.memory_space<hbm>> -> memref<8x128xf32, #tpu.memory_space<hbm>>
        %dma_start3A_255 = arith.constant 0 : i32
        %dma_start3A_256 = arith.constant 0 : i32
        %dma_start3A_257 = tpu.memref_slice %arg9[%dma_start3A_255, %dma_start3A_256] : memref<32x128xf32, #tpu.memory_space<vmem>> -> memref<8x128xf32, #tpu.memory_space<vmem>>
        tpu.enqueue_dma source(%dma_start3A_257 : memref<8x128xf32, #tpu.memory_space<vmem>>) target(%dma_start3A_254 : memref<8x128xf32, #tpu.memory_space<hbm>>) target_semaphore(%arg13 : memref<!tpu.dma_semaphore, #tpu.memory_space<semaphore_mem>>)
        %dma_start3A_258 = arith.constant 1 : i32
        %dma_start3A_259 = arith.constant 8 : i32
        %dma_start3A_260 = arith.constant 0 : i32
        %dma_start3A_261 = tpu.memref_slice %arg9[%dma_start3A_259, %dma_start3A_260] : memref<32x128xf32, #tpu.memory_space<vmem>> -> memref<8x128xf32, #tpu.memory_space<vmem>>
        %dma_start3A_262 = arith.constant 0 : i32
        %dma_start3A_263 = arith.constant 0 : i32
        %dma_start3A_264 = tpu.memref_slice %arg4[%mul3A_224, %dma_start3A_258, %add3A_72, %dma_start3A_262, %dma_start3A_263] : memref<50x4x128x8x128xf32, #tpu.memory_space<hbm>> -> memref<1x1x1x8x128xf32, #tpu.memory_space<hbm>>
        %dma_start3A_265 = tpu.memref_squeeze %dma_start3A_264 : memref<1x1x1x8x128xf32, #tpu.memory_space<hbm>> -> memref<8x128xf32, #tpu.memory_space<hbm>>
        %dma_start3A_266 = arith.constant 0 : i32
        %dma_start3A_267 = arith.constant 0 : i32
        %dma_start3A_268 = tpu.memref_slice %arg4[%mul3A_224, %dma_start3A_258, %add3A_72, %dma_start3A_266, %dma_start3A_267] : memref<50x4x128x8x128xf32, #tpu.memory_space<hbm>> -> memref<1x1x1x8x128xf32, #tpu.memory_space<hbm>>
        %dma_start3A_269 = tpu.memref_squeeze %dma_start3A_268 : memref<1x1x1x8x128xf32, #tpu.memory_space<hbm>> -> memref<8x128xf32, #tpu.memory_space<hbm>>
        %dma_start3A_270 = arith.constant 8 : i32
        %dma_start3A_271 = arith.constant 0 : i32
        %dma_start3A_272 = tpu.memref_slice %arg9[%dma_start3A_270, %dma_start3A_271] : memref<32x128xf32, #tpu.memory_space<vmem>> -> memref<8x128xf32, #tpu.memory_space<vmem>>
        tpu.enqueue_dma source(%dma_start3A_272 : memref<8x128xf32, #tpu.memory_space<vmem>>) target(%dma_start3A_269 : memref<8x128xf32, #tpu.memory_space<hbm>>) target_semaphore(%arg13 : memref<!tpu.dma_semaphore, #tpu.memory_space<semaphore_mem>>)
        %dma_start3A_273 = arith.constant 2 : i32
        %dma_start3A_274 = arith.constant 16 : i32
        %dma_start3A_275 = arith.constant 0 : i32
        %dma_start3A_276 = tpu.memref_slice %arg9[%dma_start3A_274, %dma_start3A_275] : memref<32x128xf32, #tpu.memory_space<vmem>> -> memref<8x128xf32, #tpu.memory_space<vmem>>
        %dma_start3A_277 = arith.constant 0 : i32
        %dma_start3A_278 = arith.constant 0 : i32
        %dma_start3A_279 = tpu.memref_slice %arg4[%mul3A_224, %dma_start3A_273, %add3A_72, %dma_start3A_277, %dma_start3A_278] : memref<50x4x128x8x128xf32, #tpu.memory_space<hbm>> -> memref<1x1x1x8x128xf32, #tpu.memory_space<hbm>>
        %dma_start3A_280 = tpu.memref_squeeze %dma_start3A_279 : memref<1x1x1x8x128xf32, #tpu.memory_space<hbm>> -> memref<8x128xf32, #tpu.memory_space<hbm>>
        %dma_start3A_281 = arith.constant 0 : i32
        %dma_start3A_282 = arith.constant 0 : i32
        %dma_start3A_283 = tpu.memref_slice %arg4[%mul3A_224, %dma_start3A_273, %add3A_72, %dma_start3A_281, %dma_start3A_282] : memref<50x4x128x8x128xf32, #tpu.memory_space<hbm>> -> memref<1x1x1x8x128xf32, #tpu.memory_space<hbm>>
        %dma_start3A_284 = tpu.memref_squeeze %dma_start3A_283 : memref<1x1x1x8x128xf32, #tpu.memory_space<hbm>> -> memref<8x128xf32, #tpu.memory_space<hbm>>
        %dma_start3A_285 = arith.constant 16 : i32
        %dma_start3A_286 = arith.constant 0 : i32
        %dma_start3A_287 = tpu.memref_slice %arg9[%dma_start3A_285, %dma_start3A_286] : memref<32x128xf32, #tpu.memory_space<vmem>> -> memref<8x128xf32, #tpu.memory_space<vmem>>
        tpu.enqueue_dma source(%dma_start3A_287 : memref<8x128xf32, #tpu.memory_space<vmem>>) target(%dma_start3A_284 : memref<8x128xf32, #tpu.memory_space<hbm>>) target_semaphore(%arg13 : memref<!tpu.dma_semaphore, #tpu.memory_space<semaphore_mem>>)
        %dma_start3A_288 = arith.constant 3 : i32
        %dma_start3A_289 = arith.constant 24 : i32
        %dma_start3A_290 = arith.constant 0 : i32
        %dma_start3A_291 = tpu.memref_slice %arg9[%dma_start3A_289, %dma_start3A_290] : memref<32x128xf32, #tpu.memory_space<vmem>> -> memref<8x128xf32, #tpu.memory_space<vmem>>
        %dma_start3A_292 = arith.constant 0 : i32
        %dma_start3A_293 = arith.constant 0 : i32
        %dma_start3A_294 = tpu.memref_slice %arg4[%mul3A_224, %dma_start3A_288, %add3A_72, %dma_start3A_292, %dma_start3A_293] : memref<50x4x128x8x128xf32, #tpu.memory_space<hbm>> -> memref<1x1x1x8x128xf32, #tpu.memory_space<hbm>>
        %dma_start3A_295 = tpu.memref_squeeze %dma_start3A_294 : memref<1x1x1x8x128xf32, #tpu.memory_space<hbm>> -> memref<8x128xf32, #tpu.memory_space<hbm>>
        %dma_start3A_296 = arith.constant 0 : i32
        %dma_start3A_297 = arith.constant 0 : i32
        %dma_start3A_298 = tpu.memref_slice %arg4[%mul3A_224, %dma_start3A_288, %add3A_72, %dma_start3A_296, %dma_start3A_297] : memref<50x4x128x8x128xf32, #tpu.memory_space<hbm>> -> memref<1x1x1x8x128xf32, #tpu.memory_space<hbm>>
        %dma_start3A_299 = tpu.memref_squeeze %dma_start3A_298 : memref<1x1x1x8x128xf32, #tpu.memory_space<hbm>> -> memref<8x128xf32, #tpu.memory_space<hbm>>
        %dma_start3A_300 = arith.constant 24 : i32
        %dma_start3A_301 = arith.constant 0 : i32
        %dma_start3A_302 = tpu.memref_slice %arg9[%dma_start3A_300, %dma_start3A_301] : memref<32x128xf32, #tpu.memory_space<vmem>> -> memref<8x128xf32, #tpu.memory_space<vmem>>
        tpu.enqueue_dma source(%dma_start3A_302 : memref<8x128xf32, #tpu.memory_space<vmem>>) target(%dma_start3A_299 : memref<8x128xf32, #tpu.memory_space<hbm>>) target_semaphore(%arg13 : memref<!tpu.dma_semaphore, #tpu.memory_space<semaphore_mem>>)
        %dma_wait3A_303 = arith.constant 0 : i32
        %dma_wait3A_304 = tpu.memref_slice %arg6[%add3A_226, %dma_wait3A_303] : memref<50x128xi32, #tpu.memory_space<vmem>> -> memref<1x128xi32, #tpu.memory_space<vmem>>
        %dma_wait3A_305 = tpu.memref_squeeze %dma_wait3A_304 : memref<1x128xi32, #tpu.memory_space<vmem>> -> memref<128xi32, #tpu.memory_space<vmem>>
        %dma_wait3A_306 = arith.constant 0 : i32
        %dma_wait3A_307 = arith.constant 0 : i32
        %dma_wait3A_308 = tpu.memref_slice %arg3[%dma_wait3A_306, %dma_wait3A_307] : memref<1000000x32xf32, #tpu.memory_space<hbm>> -> memref<1000000x32xf32, #tpu.memory_space<hbm>>
        tpu.wait_indirect_dma semaphore(%arg12 : memref<!tpu.dma_semaphore, #tpu.memory_space<semaphore_mem>>) src(%dma_wait3A_308 : memref<1000000x32xf32, #tpu.memory_space<hbm>>) dst(%arg8 : memref<128x32xf32, #tpu.memory_space<vmem>>)
        %lt3A = arith.constant 24 : i32
        %lt3A_309 = arith.cmpi slt, %scan3A_222, %lt3A : i32
        %convert_element_type3A_310 = arith.extui %lt3A_309 : i1 to i32
        %cond3A_311 = arith.constant 0 : i32
        %cond3A_312 = arith.cmpi ne, %convert_element_type3A_310, %cond3A_311 : i32
        scf.if %cond3A_312 {
          %dma_wait3A_376 = arith.constant 0 : i32
          %dma_wait3A_377 = arith.constant 0 : i32
          %dma_wait3A_378 = arith.constant 0 : i32
          %dma_wait3A_379 = tpu.memref_slice %arg9[%dma_wait3A_377, %dma_wait3A_378] : memref<32x128xf32, #tpu.memory_space<vmem>> -> memref<8x128xf32, #tpu.memory_space<vmem>>
          %dma_wait3A_380 = arith.constant 0 : i32
          %dma_wait3A_381 = arith.constant 0 : i32
          %dma_wait3A_382 = tpu.memref_slice %arg4[%mul3A_224, %dma_wait3A_376, %add3A_72, %dma_wait3A_380, %dma_wait3A_381] : memref<50x4x128x8x128xf32, #tpu.memory_space<hbm>> -> memref<1x1x1x8x128xf32, #tpu.memory_space<hbm>>
          %dma_wait3A_383 = tpu.memref_squeeze %dma_wait3A_382 : memref<1x1x1x8x128xf32, #tpu.memory_space<hbm>> -> memref<8x128xf32, #tpu.memory_space<hbm>>
          %dma_wait3A_384 = arith.constant 0 : i32
          %dma_wait3A_385 = arith.constant 0 : i32
          %dma_wait3A_386 = tpu.memref_slice %arg4[%mul3A_224, %dma_wait3A_376, %add3A_72, %dma_wait3A_384, %dma_wait3A_385] : memref<50x4x128x8x128xf32, #tpu.memory_space<hbm>> -> memref<1x1x1x8x128xf32, #tpu.memory_space<hbm>>
          %dma_wait3A_387 = tpu.memref_squeeze %dma_wait3A_386 : memref<1x1x1x8x128xf32, #tpu.memory_space<hbm>> -> memref<8x128xf32, #tpu.memory_space<hbm>>
          %dma_wait3A_388 = arith.constant 0 : i32
          %dma_wait3A_389 = arith.constant 0 : i32
          %dma_wait3A_390 = tpu.memref_slice %arg9[%dma_wait3A_388, %dma_wait3A_389] : memref<32x128xf32, #tpu.memory_space<vmem>> -> memref<8x128xf32, #tpu.memory_space<vmem>>
          tpu.wait_dma2 semaphore(%arg13 : memref<!tpu.dma_semaphore, #tpu.memory_space<semaphore_mem>>) src(%dma_wait3A_390 : memref<8x128xf32, #tpu.memory_space<vmem>>) dst(%dma_wait3A_387 : memref<8x128xf32, #tpu.memory_space<hbm>>)
          %dma_wait3A_391 = arith.constant 1 : i32
          %dma_wait3A_392 = arith.constant 8 : i32
          %dma_wait3A_393 = arith.constant 0 : i32
          %dma_wait3A_394 = tpu.memref_slice %arg9[%dma_wait3A_392, %dma_wait3A_393] : memref<32x128xf32, #tpu.memory_space<vmem>> -> memref<8x128xf32, #tpu.memory_space<vmem>>
          %dma_wait3A_395 = arith.constant 0 : i32
          %dma_wait3A_396 = arith.constant 0 : i32
          %dma_wait3A_397 = tpu.memref_slice %arg4[%mul3A_224, %dma_wait3A_391, %add3A_72, %dma_wait3A_395, %dma_wait3A_396] : memref<50x4x128x8x128xf32, #tpu.memory_space<hbm>> -> memref<1x1x1x8x128xf32, #tpu.memory_space<hbm>>
          %dma_wait3A_398 = tpu.memref_squeeze %dma_wait3A_397 : memref<1x1x1x8x128xf32, #tpu.memory_space<hbm>> -> memref<8x128xf32, #tpu.memory_space<hbm>>
          %dma_wait3A_399 = arith.constant 0 : i32
          %dma_wait3A_400 = arith.constant 0 : i32
          %dma_wait3A_401 = tpu.memref_slice %arg4[%mul3A_224, %dma_wait3A_391, %add3A_72, %dma_wait3A_399, %dma_wait3A_400] : memref<50x4x128x8x128xf32, #tpu.memory_space<hbm>> -> memref<1x1x1x8x128xf32, #tpu.memory_space<hbm>>
          %dma_wait3A_402 = tpu.memref_squeeze %dma_wait3A_401 : memref<1x1x1x8x128xf32, #tpu.memory_space<hbm>> -> memref<8x128xf32, #tpu.memory_space<hbm>>
          %dma_wait3A_403 = arith.constant 8 : i32
          %dma_wait3A_404 = arith.constant 0 : i32
          %dma_wait3A_405 = tpu.memref_slice %arg9[%dma_wait3A_403, %dma_wait3A_404] : memref<32x128xf32, #tpu.memory_space<vmem>> -> memref<8x128xf32, #tpu.memory_space<vmem>>
          tpu.wait_dma2 semaphore(%arg13 : memref<!tpu.dma_semaphore, #tpu.memory_space<semaphore_mem>>) src(%dma_wait3A_405 : memref<8x128xf32, #tpu.memory_space<vmem>>) dst(%dma_wait3A_402 : memref<8x128xf32, #tpu.memory_space<hbm>>)
          %dma_wait3A_406 = arith.constant 2 : i32
          %dma_wait3A_407 = arith.constant 16 : i32
          %dma_wait3A_408 = arith.constant 0 : i32
          %dma_wait3A_409 = tpu.memref_slice %arg9[%dma_wait3A_407, %dma_wait3A_408] : memref<32x128xf32, #tpu.memory_space<vmem>> -> memref<8x128xf32, #tpu.memory_space<vmem>>
          %dma_wait3A_410 = arith.constant 0 : i32
          %dma_wait3A_411 = arith.constant 0 : i32
          %dma_wait3A_412 = tpu.memref_slice %arg4[%mul3A_224, %dma_wait3A_406, %add3A_72, %dma_wait3A_410, %dma_wait3A_411] : memref<50x4x128x8x128xf32, #tpu.memory_space<hbm>> -> memref<1x1x1x8x128xf32, #tpu.memory_space<hbm>>
          %dma_wait3A_413 = tpu.memref_squeeze %dma_wait3A_412 : memref<1x1x1x8x128xf32, #tpu.memory_space<hbm>> -> memref<8x128xf32, #tpu.memory_space<hbm>>
          %dma_wait3A_414 = arith.constant 0 : i32
          %dma_wait3A_415 = arith.constant 0 : i32
          %dma_wait3A_416 = tpu.memref_slice %arg4[%mul3A_224, %dma_wait3A_406, %add3A_72, %dma_wait3A_414, %dma_wait3A_415] : memref<50x4x128x8x128xf32, #tpu.memory_space<hbm>> -> memref<1x1x1x8x128xf32, #tpu.memory_space<hbm>>
          %dma_wait3A_417 = tpu.memref_squeeze %dma_wait3A_416 : memref<1x1x1x8x128xf32, #tpu.memory_space<hbm>> -> memref<8x128xf32, #tpu.memory_space<hbm>>
          %dma_wait3A_418 = arith.constant 16 : i32
          %dma_wait3A_419 = arith.constant 0 : i32
          %dma_wait3A_420 = tpu.memref_slice %arg9[%dma_wait3A_418, %dma_wait3A_419] : memref<32x128xf32, #tpu.memory_space<vmem>> -> memref<8x128xf32, #tpu.memory_space<vmem>>
          tpu.wait_dma2 semaphore(%arg13 : memref<!tpu.dma_semaphore, #tpu.memory_space<semaphore_mem>>) src(%dma_wait3A_420 : memref<8x128xf32, #tpu.memory_space<vmem>>) dst(%dma_wait3A_417 : memref<8x128xf32, #tpu.memory_space<hbm>>)
          %dma_wait3A_421 = arith.constant 3 : i32
          %dma_wait3A_422 = arith.constant 24 : i32
          %dma_wait3A_423 = arith.constant 0 : i32
          %dma_wait3A_424 = tpu.memref_slice %arg9[%dma_wait3A_422, %dma_wait3A_423] : memref<32x128xf32, #tpu.memory_space<vmem>> -> memref<8x128xf32, #tpu.memory_space<vmem>>
          %dma_wait3A_425 = arith.constant 0 : i32
          %dma_wait3A_426 = arith.constant 0 : i32
          %dma_wait3A_427 = tpu.memref_slice %arg4[%mul3A_224, %dma_wait3A_421, %add3A_72, %dma_wait3A_425, %dma_wait3A_426] : memref<50x4x128x8x128xf32, #tpu.memory_space<hbm>> -> memref<1x1x1x8x128xf32, #tpu.memory_space<hbm>>
          %dma_wait3A_428 = tpu.memref_squeeze %dma_wait3A_427 : memref<1x1x1x8x128xf32, #tpu.memory_space<hbm>> -> memref<8x128xf32, #tpu.memory_space<hbm>>
          %dma_wait3A_429 = arith.constant 0 : i32
          %dma_wait3A_430 = arith.constant 0 : i32
          %dma_wait3A_431 = tpu.memref_slice %arg4[%mul3A_224, %dma_wait3A_421, %add3A_72, %dma_wait3A_429, %dma_wait3A_430] : memref<50x4x128x8x128xf32, #tpu.memory_space<hbm>> -> memref<1x1x1x8x128xf32, #tpu.memory_space<hbm>>
          %dma_wait3A_432 = tpu.memref_squeeze %dma_wait3A_431 : memref<1x1x1x8x128xf32, #tpu.memory_space<hbm>> -> memref<8x128xf32, #tpu.memory_space<hbm>>
          %dma_wait3A_433 = arith.constant 24 : i32
          %dma_wait3A_434 = arith.constant 0 : i32
          %dma_wait3A_435 = tpu.memref_slice %arg9[%dma_wait3A_433, %dma_wait3A_434] : memref<32x128xf32, #tpu.memory_space<vmem>> -> memref<8x128xf32, #tpu.memory_space<vmem>>
          tpu.wait_dma2 semaphore(%arg13 : memref<!tpu.dma_semaphore, #tpu.memory_space<semaphore_mem>>) src(%dma_wait3A_435 : memref<8x128xf32, #tpu.memory_space<vmem>>) dst(%dma_wait3A_432 : memref<8x128xf32, #tpu.memory_space<hbm>>)
          %add3A_436 = arith.constant 2 : i32
          %add3A_437 = arith.addi %mul3A_224, %add3A_436 : i32
          %dma_start3A_438 = arith.constant 0 : i32
          %dma_start3A_439 = tpu.memref_slice %arg6[%add3A_437, %dma_start3A_438] : memref<50x128xi32, #tpu.memory_space<vmem>> -> memref<1x128xi32, #tpu.memory_space<vmem>>
          %dma_start3A_440 = tpu.memref_squeeze %dma_start3A_439 : memref<1x128xi32, #tpu.memory_space<vmem>> -> memref<128xi32, #tpu.memory_space<vmem>>
          %dma_start3A_441 = arith.constant 0 : i32
          %dma_start3A_442 = arith.constant 0 : i32
          %dma_start3A_443 = tpu.memref_slice %arg3[%dma_start3A_441, %dma_start3A_442] : memref<1000000x32xf32, #tpu.memory_space<hbm>> -> memref<1000000x32xf32, #tpu.memory_space<hbm>>
          tpu.enqueue_indirect_dma source(%dma_start3A_443 : memref<1000000x32xf32, #tpu.memory_space<hbm>>) target(%arg7 : memref<128x32xf32, #tpu.memory_space<vmem>>) offsets(%dma_start3A_440 : memref<128xi32, #tpu.memory_space<vmem>>) semaphore(%arg11 : memref<!tpu.dma_semaphore, #tpu.memory_space<semaphore_mem>>)
        } else {
        }
        %parallel_loop3A_313 = arith.constant 0 : i32
        %parallel_loop3A_314 = arith.constant 128 : i32
        %parallel_loop3A_315 = arith.constant 16 : i32
        scf.for %parallel_loop3A_376 = %parallel_loop3A_313 to %parallel_loop3A_314 step %parallel_loop3A_315  : i32 {
          %parallel_loop3A_377 = vector.broadcast %parallel_loop3A_376 : i32 to vector<16xi32>
          %parallel_loop3A_378 = arith.addi %iota3A, %parallel_loop3A_377 : vector<16xi32>
          %parallel_loop3A_379 = tpu.vector_load_idx %arg8[%parallel_loop3A_378, %broadcast_in_dim3A_1] : memref<128x32xf32, #tpu.memory_space<vmem>>[vector<16xi32>, vector<16xi32>], vector<16xf32>,
          %parallel_loop3A_380 = arith.constant 0.000000e+00 : f32
          %parallel_loop3A_381 = vector.broadcast %parallel_loop3A_380 : f32 to vector<16xf32>
          %parallel_loop3A_382 = arith.maximumf %parallel_loop3A_379, %parallel_loop3A_381 : vector<16xf32>
          %parallel_loop3A_383 = vector.broadcast %parallel_loop3A_376 : i32 to vector<16xi32>
          %parallel_loop3A_384 = arith.addi %iota3A, %parallel_loop3A_383 : vector<16xi32>
          %parallel_loop3A_385 = tpu.vector_load_idx %arg8[%parallel_loop3A_384, %broadcast_in_dim3A_3] : memref<128x32xf32, #tpu.memory_space<vmem>>[vector<16xi32>, vector<16xi32>], vector<16xf32>,
          %parallel_loop3A_386 = arith.constant 0.000000e+00 : f32
          %parallel_loop3A_387 = vector.broadcast %parallel_loop3A_386 : f32 to vector<16xf32>
          %parallel_loop3A_388 = arith.maximumf %parallel_loop3A_385, %parallel_loop3A_387 : vector<16xf32>
          %parallel_loop3A_389 = vector.broadcast %parallel_loop3A_376 : i32 to vector<16xi32>
          %parallel_loop3A_390 = arith.addi %iota3A, %parallel_loop3A_389 : vector<16xi32>
          %parallel_loop3A_391 = tpu.vector_load_idx %arg8[%parallel_loop3A_390, %broadcast_in_dim3A_5] : memref<128x32xf32, #tpu.memory_space<vmem>>[vector<16xi32>, vector<16xi32>], vector<16xf32>,
          %parallel_loop3A_392 = arith.constant 0.000000e+00 : f32
          %parallel_loop3A_393 = vector.broadcast %parallel_loop3A_392 : f32 to vector<16xf32>
          %parallel_loop3A_394 = arith.maximumf %parallel_loop3A_391, %parallel_loop3A_393 : vector<16xf32>
          %parallel_loop3A_395 = vector.broadcast %parallel_loop3A_376 : i32 to vector<16xi32>
          %parallel_loop3A_396 = arith.addi %iota3A, %parallel_loop3A_395 : vector<16xi32>
          %parallel_loop3A_397 = tpu.vector_load_idx %arg8[%parallel_loop3A_396, %broadcast_in_dim3A_7] : memref<128x32xf32, #tpu.memory_space<vmem>>[vector<16xi32>, vector<16xi32>], vector<16xf32>,
          %parallel_loop3A_398 = arith.constant 0.000000e+00 : f32
          %parallel_loop3A_399 = vector.broadcast %parallel_loop3A_398 : f32 to vector<16xf32>
          %parallel_loop3A_400 = arith.maximumf %parallel_loop3A_397, %parallel_loop3A_399 : vector<16xf32>
          %parallel_loop3A_401 = vector.broadcast %parallel_loop3A_376 : i32 to vector<16xi32>
          %parallel_loop3A_402 = arith.addi %iota3A, %parallel_loop3A_401 : vector<16xi32>
          %parallel_loop3A_403 = tpu.vector_load_idx %arg8[%parallel_loop3A_402, %broadcast_in_dim3A_9] : memref<128x32xf32, #tpu.memory_space<vmem>>[vector<16xi32>, vector<16xi32>], vector<16xf32>,
          %parallel_loop3A_404 = arith.constant 0.000000e+00 : f32
          %parallel_loop3A_405 = vector.broadcast %parallel_loop3A_404 : f32 to vector<16xf32>
          %parallel_loop3A_406 = arith.maximumf %parallel_loop3A_403, %parallel_loop3A_405 : vector<16xf32>
          %parallel_loop3A_407 = vector.broadcast %parallel_loop3A_376 : i32 to vector<16xi32>
          %parallel_loop3A_408 = arith.addi %iota3A, %parallel_loop3A_407 : vector<16xi32>
          %parallel_loop3A_409 = tpu.vector_load_idx %arg8[%parallel_loop3A_408, %broadcast_in_dim3A_11] : memref<128x32xf32, #tpu.memory_space<vmem>>[vector<16xi32>, vector<16xi32>], vector<16xf32>,
          %parallel_loop3A_410 = arith.constant 0.000000e+00 : f32
          %parallel_loop3A_411 = vector.broadcast %parallel_loop3A_410 : f32 to vector<16xf32>
          %parallel_loop3A_412 = arith.maximumf %parallel_loop3A_409, %parallel_loop3A_411 : vector<16xf32>
          %parallel_loop3A_413 = vector.broadcast %parallel_loop3A_376 : i32 to vector<16xi32>
          %parallel_loop3A_414 = arith.addi %iota3A, %parallel_loop3A_413 : vector<16xi32>
          %parallel_loop3A_415 = tpu.vector_load_idx %arg8[%parallel_loop3A_414, %broadcast_in_dim3A_13] : memref<128x32xf32, #tpu.memory_space<vmem>>[vector<16xi32>, vector<16xi32>], vector<16xf32>,
          %parallel_loop3A_416 = arith.constant 0.000000e+00 : f32
          %parallel_loop3A_417 = vector.broadcast %parallel_loop3A_416 : f32 to vector<16xf32>
          %parallel_loop3A_418 = arith.maximumf %parallel_loop3A_415, %parallel_loop3A_417 : vector<16xf32>
          %parallel_loop3A_419 = vector.broadcast %parallel_loop3A_376 : i32 to vector<16xi32>
          %parallel_loop3A_420 = arith.addi %iota3A, %parallel_loop3A_419 : vector<16xi32>
          %parallel_loop3A_421 = tpu.vector_load_idx %arg8[%parallel_loop3A_420, %broadcast_in_dim3A_15] : memref<128x32xf32, #tpu.memory_space<vmem>>[vector<16xi32>, vector<16xi32>], vector<16xf32>,
          %parallel_loop3A_422 = arith.constant 0.000000e+00 : f32
          %parallel_loop3A_423 = vector.broadcast %parallel_loop3A_422 : f32 to vector<16xf32>
          %parallel_loop3A_424 = arith.maximumf %parallel_loop3A_421, %parallel_loop3A_423 : vector<16xf32>
          %parallel_loop3A_425 = vector.broadcast %parallel_loop3A_376 : i32 to vector<16xi32>
          %parallel_loop3A_426 = arith.addi %iota3A, %parallel_loop3A_425 : vector<16xi32>
          %parallel_loop3A_427 = tpu.vector_load_idx %arg8[%parallel_loop3A_426, %broadcast_in_dim3A_17] : memref<128x32xf32, #tpu.memory_space<vmem>>[vector<16xi32>, vector<16xi32>], vector<16xf32>,
          %parallel_loop3A_428 = arith.constant 0.000000e+00 : f32
          %parallel_loop3A_429 = vector.broadcast %parallel_loop3A_428 : f32 to vector<16xf32>
          %parallel_loop3A_430 = arith.maximumf %parallel_loop3A_427, %parallel_loop3A_429 : vector<16xf32>
          %parallel_loop3A_431 = vector.broadcast %parallel_loop3A_376 : i32 to vector<16xi32>
          %parallel_loop3A_432 = arith.addi %iota3A, %parallel_loop3A_431 : vector<16xi32>
          %parallel_loop3A_433 = tpu.vector_load_idx %arg8[%parallel_loop3A_432, %broadcast_in_dim3A_19] : memref<128x32xf32, #tpu.memory_space<vmem>>[vector<16xi32>, vector<16xi32>], vector<16xf32>,
          %parallel_loop3A_434 = arith.constant 0.000000e+00 : f32
          %parallel_loop3A_435 = vector.broadcast %parallel_loop3A_434 : f32 to vector<16xf32>
          %parallel_loop3A_436 = arith.maximumf %parallel_loop3A_433, %parallel_loop3A_435 : vector<16xf32>
          %parallel_loop3A_437 = vector.broadcast %parallel_loop3A_376 : i32 to vector<16xi32>
          %parallel_loop3A_438 = arith.addi %iota3A, %parallel_loop3A_437 : vector<16xi32>
          %parallel_loop3A_439 = tpu.vector_load_idx %arg8[%parallel_loop3A_438, %broadcast_in_dim3A_21] : memref<128x32xf32, #tpu.memory_space<vmem>>[vector<16xi32>, vector<16xi32>], vector<16xf32>,
          %parallel_loop3A_440 = arith.constant 0.000000e+00 : f32
          %parallel_loop3A_441 = vector.broadcast %parallel_loop3A_440 : f32 to vector<16xf32>
          %parallel_loop3A_442 = arith.maximumf %parallel_loop3A_439, %parallel_loop3A_441 : vector<16xf32>
          %parallel_loop3A_443 = vector.broadcast %parallel_loop3A_376 : i32 to vector<16xi32>
          %parallel_loop3A_444 = arith.addi %iota3A, %parallel_loop3A_443 : vector<16xi32>
          %parallel_loop3A_445 = tpu.vector_load_idx %arg8[%parallel_loop3A_444, %broadcast_in_dim3A_23] : memref<128x32xf32, #tpu.memory_space<vmem>>[vector<16xi32>, vector<16xi32>], vector<16xf32>,
          %parallel_loop3A_446 = arith.constant 0.000000e+00 : f32
          %parallel_loop3A_447 = vector.broadcast %parallel_loop3A_446 : f32 to vector<16xf32>
          %parallel_loop3A_448 = arith.maximumf %parallel_loop3A_445, %parallel_loop3A_447 : vector<16xf32>
          %parallel_loop3A_449 = vector.broadcast %parallel_loop3A_376 : i32 to vector<16xi32>
          %parallel_loop3A_450 = arith.addi %iota3A, %parallel_loop3A_449 : vector<16xi32>
          %parallel_loop3A_451 = tpu.vector_load_idx %arg8[%parallel_loop3A_450, %broadcast_in_dim3A_25] : memref<128x32xf32, #tpu.memory_space<vmem>>[vector<16xi32>, vector<16xi32>], vector<16xf32>,
          %parallel_loop3A_452 = arith.constant 0.000000e+00 : f32
          %parallel_loop3A_453 = vector.broadcast %parallel_loop3A_452 : f32 to vector<16xf32>
          %parallel_loop3A_454 = arith.maximumf %parallel_loop3A_451, %parallel_loop3A_453 : vector<16xf32>
          %parallel_loop3A_455 = vector.broadcast %parallel_loop3A_376 : i32 to vector<16xi32>
          %parallel_loop3A_456 = arith.addi %iota3A, %parallel_loop3A_455 : vector<16xi32>
          %parallel_loop3A_457 = tpu.vector_load_idx %arg8[%parallel_loop3A_456, %broadcast_in_dim3A_27] : memref<128x32xf32, #tpu.memory_space<vmem>>[vector<16xi32>, vector<16xi32>], vector<16xf32>,
          %parallel_loop3A_458 = arith.constant 0.000000e+00 : f32
          %parallel_loop3A_459 = vector.broadcast %parallel_loop3A_458 : f32 to vector<16xf32>
          %parallel_loop3A_460 = arith.maximumf %parallel_loop3A_457, %parallel_loop3A_459 : vector<16xf32>
          %parallel_loop3A_461 = vector.broadcast %parallel_loop3A_376 : i32 to vector<16xi32>
          %parallel_loop3A_462 = arith.addi %iota3A, %parallel_loop3A_461 : vector<16xi32>
          %parallel_loop3A_463 = tpu.vector_load_idx %arg8[%parallel_loop3A_462, %broadcast_in_dim3A_29] : memref<128x32xf32, #tpu.memory_space<vmem>>[vector<16xi32>, vector<16xi32>], vector<16xf32>,
          %parallel_loop3A_464 = arith.constant 0.000000e+00 : f32
          %parallel_loop3A_465 = vector.broadcast %parallel_loop3A_464 : f32 to vector<16xf32>
          %parallel_loop3A_466 = arith.maximumf %parallel_loop3A_463, %parallel_loop3A_465 : vector<16xf32>
          %parallel_loop3A_467 = vector.broadcast %parallel_loop3A_376 : i32 to vector<16xi32>
          %parallel_loop3A_468 = arith.addi %iota3A, %parallel_loop3A_467 : vector<16xi32>
          %parallel_loop3A_469 = tpu.vector_load_idx %arg8[%parallel_loop3A_468, %broadcast_in_dim3A_31] : memref<128x32xf32, #tpu.memory_space<vmem>>[vector<16xi32>, vector<16xi32>], vector<16xf32>,
          %parallel_loop3A_470 = arith.constant 0.000000e+00 : f32
          %parallel_loop3A_471 = vector.broadcast %parallel_loop3A_470 : f32 to vector<16xf32>
          %parallel_loop3A_472 = arith.maximumf %parallel_loop3A_469, %parallel_loop3A_471 : vector<16xf32>
          %parallel_loop3A_473 = vector.broadcast %parallel_loop3A_376 : i32 to vector<16xi32>
          %parallel_loop3A_474 = arith.addi %iota3A, %parallel_loop3A_473 : vector<16xi32>
          %parallel_loop3A_475 = tpu.vector_load_idx %arg8[%parallel_loop3A_474, %broadcast_in_dim3A_33] : memref<128x32xf32, #tpu.memory_space<vmem>>[vector<16xi32>, vector<16xi32>], vector<16xf32>,
          %parallel_loop3A_476 = arith.constant 0.000000e+00 : f32
          %parallel_loop3A_477 = vector.broadcast %parallel_loop3A_476 : f32 to vector<16xf32>
          %parallel_loop3A_478 = arith.maximumf %parallel_loop3A_475, %parallel_loop3A_477 : vector<16xf32>
          %parallel_loop3A_479 = vector.broadcast %parallel_loop3A_376 : i32 to vector<16xi32>
          %parallel_loop3A_480 = arith.addi %iota3A, %parallel_loop3A_479 : vector<16xi32>
          %parallel_loop3A_481 = tpu.vector_load_idx %arg8[%parallel_loop3A_480, %broadcast_in_dim3A_35] : memref<128x32xf32, #tpu.memory_space<vmem>>[vector<16xi32>, vector<16xi32>], vector<16xf32>,
          %parallel_loop3A_482 = arith.constant 0.000000e+00 : f32
          %parallel_loop3A_483 = vector.broadcast %parallel_loop3A_482 : f32 to vector<16xf32>
          %parallel_loop3A_484 = arith.maximumf %parallel_loop3A_481, %parallel_loop3A_483 : vector<16xf32>
          %parallel_loop3A_485 = vector.broadcast %parallel_loop3A_376 : i32 to vector<16xi32>
          %parallel_loop3A_486 = arith.addi %iota3A, %parallel_loop3A_485 : vector<16xi32>
          %parallel_loop3A_487 = tpu.vector_load_idx %arg8[%parallel_loop3A_486, %broadcast_in_dim3A_37] : memref<128x32xf32, #tpu.memory_space<vmem>>[vector<16xi32>, vector<16xi32>], vector<16xf32>,
          %parallel_loop3A_488 = arith.constant 0.000000e+00 : f32
          %parallel_loop3A_489 = vector.broadcast %parallel_loop3A_488 : f32 to vector<16xf32>
          %parallel_loop3A_490 = arith.maximumf %parallel_loop3A_487, %parallel_loop3A_489 : vector<16xf32>
          %parallel_loop3A_491 = vector.broadcast %parallel_loop3A_376 : i32 to vector<16xi32>
          %parallel_loop3A_492 = arith.addi %iota3A, %parallel_loop3A_491 : vector<16xi32>
          %parallel_loop3A_493 = tpu.vector_load_idx %arg8[%parallel_loop3A_492, %broadcast_in_dim3A_39] : memref<128x32xf32, #tpu.memory_space<vmem>>[vector<16xi32>, vector<16xi32>], vector<16xf32>,
          %parallel_loop3A_494 = arith.constant 0.000000e+00 : f32
          %parallel_loop3A_495 = vector.broadcast %parallel_loop3A_494 : f32 to vector<16xf32>
          %parallel_loop3A_496 = arith.maximumf %parallel_loop3A_493, %parallel_loop3A_495 : vector<16xf32>
          %parallel_loop3A_497 = vector.broadcast %parallel_loop3A_376 : i32 to vector<16xi32>
          %parallel_loop3A_498 = arith.addi %iota3A, %parallel_loop3A_497 : vector<16xi32>
          %parallel_loop3A_499 = tpu.vector_load_idx %arg8[%parallel_loop3A_498, %broadcast_in_dim3A_41] : memref<128x32xf32, #tpu.memory_space<vmem>>[vector<16xi32>, vector<16xi32>], vector<16xf32>,
          %parallel_loop3A_500 = arith.constant 0.000000e+00 : f32
          %parallel_loop3A_501 = vector.broadcast %parallel_loop3A_500 : f32 to vector<16xf32>
          %parallel_loop3A_502 = arith.maximumf %parallel_loop3A_499, %parallel_loop3A_501 : vector<16xf32>
          %parallel_loop3A_503 = vector.broadcast %parallel_loop3A_376 : i32 to vector<16xi32>
          %parallel_loop3A_504 = arith.addi %iota3A, %parallel_loop3A_503 : vector<16xi32>
          %parallel_loop3A_505 = tpu.vector_load_idx %arg8[%parallel_loop3A_504, %broadcast_in_dim3A_43] : memref<128x32xf32, #tpu.memory_space<vmem>>[vector<16xi32>, vector<16xi32>], vector<16xf32>,
          %parallel_loop3A_506 = arith.constant 0.000000e+00 : f32
          %parallel_loop3A_507 = vector.broadcast %parallel_loop3A_506 : f32 to vector<16xf32>
          %parallel_loop3A_508 = arith.maximumf %parallel_loop3A_505, %parallel_loop3A_507 : vector<16xf32>
          %parallel_loop3A_509 = vector.broadcast %parallel_loop3A_376 : i32 to vector<16xi32>
          %parallel_loop3A_510 = arith.addi %iota3A, %parallel_loop3A_509 : vector<16xi32>
          %parallel_loop3A_511 = tpu.vector_load_idx %arg8[%parallel_loop3A_510, %broadcast_in_dim3A_45] : memref<128x32xf32, #tpu.memory_space<vmem>>[vector<16xi32>, vector<16xi32>], vector<16xf32>,
          %parallel_loop3A_512 = arith.constant 0.000000e+00 : f32
          %parallel_loop3A_513 = vector.broadcast %parallel_loop3A_512 : f32 to vector<16xf32>
          %parallel_loop3A_514 = arith.maximumf %parallel_loop3A_511, %parallel_loop3A_513 : vector<16xf32>
          %parallel_loop3A_515 = vector.broadcast %parallel_loop3A_376 : i32 to vector<16xi32>
          %parallel_loop3A_516 = arith.addi %iota3A, %parallel_loop3A_515 : vector<16xi32>
          %parallel_loop3A_517 = tpu.vector_load_idx %arg8[%parallel_loop3A_516, %broadcast_in_dim3A_47] : memref<128x32xf32, #tpu.memory_space<vmem>>[vector<16xi32>, vector<16xi32>], vector<16xf32>,
          %parallel_loop3A_518 = arith.constant 0.000000e+00 : f32
          %parallel_loop3A_519 = vector.broadcast %parallel_loop3A_518 : f32 to vector<16xf32>
          %parallel_loop3A_520 = arith.maximumf %parallel_loop3A_517, %parallel_loop3A_519 : vector<16xf32>
          %parallel_loop3A_521 = vector.broadcast %parallel_loop3A_376 : i32 to vector<16xi32>
          %parallel_loop3A_522 = arith.addi %iota3A, %parallel_loop3A_521 : vector<16xi32>
          %parallel_loop3A_523 = tpu.vector_load_idx %arg8[%parallel_loop3A_522, %broadcast_in_dim3A_49] : memref<128x32xf32, #tpu.memory_space<vmem>>[vector<16xi32>, vector<16xi32>], vector<16xf32>,
          %parallel_loop3A_524 = arith.constant 0.000000e+00 : f32
          %parallel_loop3A_525 = vector.broadcast %parallel_loop3A_524 : f32 to vector<16xf32>
          %parallel_loop3A_526 = arith.maximumf %parallel_loop3A_523, %parallel_loop3A_525 : vector<16xf32>
          %parallel_loop3A_527 = vector.broadcast %parallel_loop3A_376 : i32 to vector<16xi32>
          %parallel_loop3A_528 = arith.addi %iota3A, %parallel_loop3A_527 : vector<16xi32>
          %parallel_loop3A_529 = tpu.vector_load_idx %arg8[%parallel_loop3A_528, %broadcast_in_dim3A_51] : memref<128x32xf32, #tpu.memory_space<vmem>>[vector<16xi32>, vector<16xi32>], vector<16xf32>,
          %parallel_loop3A_530 = arith.constant 0.000000e+00 : f32
          %parallel_loop3A_531 = vector.broadcast %parallel_loop3A_530 : f32 to vector<16xf32>
          %parallel_loop3A_532 = arith.maximumf %parallel_loop3A_529, %parallel_loop3A_531 : vector<16xf32>
          %parallel_loop3A_533 = vector.broadcast %parallel_loop3A_376 : i32 to vector<16xi32>
          %parallel_loop3A_534 = arith.addi %iota3A, %parallel_loop3A_533 : vector<16xi32>
          %parallel_loop3A_535 = tpu.vector_load_idx %arg8[%parallel_loop3A_534, %broadcast_in_dim3A_53] : memref<128x32xf32, #tpu.memory_space<vmem>>[vector<16xi32>, vector<16xi32>], vector<16xf32>,
          %parallel_loop3A_536 = arith.constant 0.000000e+00 : f32
          %parallel_loop3A_537 = vector.broadcast %parallel_loop3A_536 : f32 to vector<16xf32>
          %parallel_loop3A_538 = arith.maximumf %parallel_loop3A_535, %parallel_loop3A_537 : vector<16xf32>
          %parallel_loop3A_539 = vector.broadcast %parallel_loop3A_376 : i32 to vector<16xi32>
          %parallel_loop3A_540 = arith.addi %iota3A, %parallel_loop3A_539 : vector<16xi32>
          %parallel_loop3A_541 = tpu.vector_load_idx %arg8[%parallel_loop3A_540, %broadcast_in_dim3A_55] : memref<128x32xf32, #tpu.memory_space<vmem>>[vector<16xi32>, vector<16xi32>], vector<16xf32>,
          %parallel_loop3A_542 = arith.constant 0.000000e+00 : f32
          %parallel_loop3A_543 = vector.broadcast %parallel_loop3A_542 : f32 to vector<16xf32>
          %parallel_loop3A_544 = arith.maximumf %parallel_loop3A_541, %parallel_loop3A_543 : vector<16xf32>
          %parallel_loop3A_545 = vector.broadcast %parallel_loop3A_376 : i32 to vector<16xi32>
          %parallel_loop3A_546 = arith.addi %iota3A, %parallel_loop3A_545 : vector<16xi32>
          %parallel_loop3A_547 = tpu.vector_load_idx %arg8[%parallel_loop3A_546, %broadcast_in_dim3A_57] : memref<128x32xf32, #tpu.memory_space<vmem>>[vector<16xi32>, vector<16xi32>], vector<16xf32>,
          %parallel_loop3A_548 = arith.constant 0.000000e+00 : f32
          %parallel_loop3A_549 = vector.broadcast %parallel_loop3A_548 : f32 to vector<16xf32>
          %parallel_loop3A_550 = arith.maximumf %parallel_loop3A_547, %parallel_loop3A_549 : vector<16xf32>
          %parallel_loop3A_551 = vector.broadcast %parallel_loop3A_376 : i32 to vector<16xi32>
          %parallel_loop3A_552 = arith.addi %iota3A, %parallel_loop3A_551 : vector<16xi32>
          %parallel_loop3A_553 = tpu.vector_load_idx %arg8[%parallel_loop3A_552, %broadcast_in_dim3A_59] : memref<128x32xf32, #tpu.memory_space<vmem>>[vector<16xi32>, vector<16xi32>], vector<16xf32>,
          %parallel_loop3A_554 = arith.constant 0.000000e+00 : f32
          %parallel_loop3A_555 = vector.broadcast %parallel_loop3A_554 : f32 to vector<16xf32>
          %parallel_loop3A_556 = arith.maximumf %parallel_loop3A_553, %parallel_loop3A_555 : vector<16xf32>
          %parallel_loop3A_557 = vector.broadcast %parallel_loop3A_376 : i32 to vector<16xi32>
          %parallel_loop3A_558 = arith.addi %iota3A, %parallel_loop3A_557 : vector<16xi32>
          %parallel_loop3A_559 = tpu.vector_load_idx %arg8[%parallel_loop3A_558, %broadcast_in_dim3A_61] : memref<128x32xf32, #tpu.memory_space<vmem>>[vector<16xi32>, vector<16xi32>], vector<16xf32>,
          %parallel_loop3A_560 = arith.constant 0.000000e+00 : f32
          %parallel_loop3A_561 = vector.broadcast %parallel_loop3A_560 : f32 to vector<16xf32>
          %parallel_loop3A_562 = arith.maximumf %parallel_loop3A_559, %parallel_loop3A_561 : vector<16xf32>
          %parallel_loop3A_563 = vector.broadcast %parallel_loop3A_376 : i32 to vector<16xi32>
          %parallel_loop3A_564 = arith.addi %iota3A, %parallel_loop3A_563 : vector<16xi32>
          %parallel_loop3A_565 = tpu.vector_load_idx %arg8[%parallel_loop3A_564, %broadcast_in_dim3A_63] : memref<128x32xf32, #tpu.memory_space<vmem>>[vector<16xi32>, vector<16xi32>], vector<16xf32>,
          %parallel_loop3A_566 = arith.constant 0.000000e+00 : f32
          %parallel_loop3A_567 = vector.broadcast %parallel_loop3A_566 : f32 to vector<16xf32>
          %parallel_loop3A_568 = arith.maximumf %parallel_loop3A_565, %parallel_loop3A_567 : vector<16xf32>
          %parallel_loop3A_569 = arith.constant 0 : i32
          %parallel_loop3A_570 = arith.index_cast %parallel_loop3A_569 : i32 to index
          %parallel_loop3A_571 = arith.index_cast %parallel_loop3A_376 : i32 to index
          %parallel_loop3A_572 = tpu.vector_load %arg10[%parallel_loop3A_570, %parallel_loop3A_571] {strides = array<i32>} : memref<32x128xf32, #tpu.memory_space<vmem>>, vector<16xf32>,
          tpu.vector_store %arg10[%parallel_loop3A_570, %parallel_loop3A_571], %parallel_loop3A_382 {strides = array<i32>} : memref<32x128xf32, #tpu.memory_space<vmem>>, vector<16xf32>,
          %parallel_loop3A_573 = arith.constant 1 : i32
          %parallel_loop3A_574 = arith.index_cast %parallel_loop3A_573 : i32 to index
          %parallel_loop3A_575 = arith.index_cast %parallel_loop3A_376 : i32 to index
          %parallel_loop3A_576 = tpu.vector_load %arg10[%parallel_loop3A_574, %parallel_loop3A_575] {strides = array<i32>} : memref<32x128xf32, #tpu.memory_space<vmem>>, vector<16xf32>,
          tpu.vector_store %arg10[%parallel_loop3A_574, %parallel_loop3A_575], %parallel_loop3A_388 {strides = array<i32>} : memref<32x128xf32, #tpu.memory_space<vmem>>, vector<16xf32>,
          %parallel_loop3A_577 = arith.constant 2 : i32
          %parallel_loop3A_578 = arith.index_cast %parallel_loop3A_577 : i32 to index
          %parallel_loop3A_579 = arith.index_cast %parallel_loop3A_376 : i32 to index
          %parallel_loop3A_580 = tpu.vector_load %arg10[%parallel_loop3A_578, %parallel_loop3A_579] {strides = array<i32>} : memref<32x128xf32, #tpu.memory_space<vmem>>, vector<16xf32>,
          tpu.vector_store %arg10[%parallel_loop3A_578, %parallel_loop3A_579], %parallel_loop3A_394 {strides = array<i32>} : memref<32x128xf32, #tpu.memory_space<vmem>>, vector<16xf32>,
          %parallel_loop3A_581 = arith.constant 3 : i32
          %parallel_loop3A_582 = arith.index_cast %parallel_loop3A_581 : i32 to index
          %parallel_loop3A_583 = arith.index_cast %parallel_loop3A_376 : i32 to index
          %parallel_loop3A_584 = tpu.vector_load %arg10[%parallel_loop3A_582, %parallel_loop3A_583] {strides = array<i32>} : memref<32x128xf32, #tpu.memory_space<vmem>>, vector<16xf32>,
          tpu.vector_store %arg10[%parallel_loop3A_582, %parallel_loop3A_583], %parallel_loop3A_400 {strides = array<i32>} : memref<32x128xf32, #tpu.memory_space<vmem>>, vector<16xf32>,
          %parallel_loop3A_585 = arith.constant 4 : i32
          %parallel_loop3A_586 = arith.index_cast %parallel_loop3A_585 : i32 to index
          %parallel_loop3A_587 = arith.index_cast %parallel_loop3A_376 : i32 to index
          %parallel_loop3A_588 = tpu.vector_load %arg10[%parallel_loop3A_586, %parallel_loop3A_587] {strides = array<i32>} : memref<32x128xf32, #tpu.memory_space<vmem>>, vector<16xf32>,
          tpu.vector_store %arg10[%parallel_loop3A_586, %parallel_loop3A_587], %parallel_loop3A_406 {strides = array<i32>} : memref<32x128xf32, #tpu.memory_space<vmem>>, vector<16xf32>,
          %parallel_loop3A_589 = arith.constant 5 : i32
          %parallel_loop3A_590 = arith.index_cast %parallel_loop3A_589 : i32 to index
          %parallel_loop3A_591 = arith.index_cast %parallel_loop3A_376 : i32 to index
          %parallel_loop3A_592 = tpu.vector_load %arg10[%parallel_loop3A_590, %parallel_loop3A_591] {strides = array<i32>} : memref<32x128xf32, #tpu.memory_space<vmem>>, vector<16xf32>,
          tpu.vector_store %arg10[%parallel_loop3A_590, %parallel_loop3A_591], %parallel_loop3A_412 {strides = array<i32>} : memref<32x128xf32, #tpu.memory_space<vmem>>, vector<16xf32>,
          %parallel_loop3A_593 = arith.constant 6 : i32
          %parallel_loop3A_594 = arith.index_cast %parallel_loop3A_593 : i32 to index
          %parallel_loop3A_595 = arith.index_cast %parallel_loop3A_376 : i32 to index
          %parallel_loop3A_596 = tpu.vector_load %arg10[%parallel_loop3A_594, %parallel_loop3A_595] {strides = array<i32>} : memref<32x128xf32, #tpu.memory_space<vmem>>, vector<16xf32>,
          tpu.vector_store %arg10[%parallel_loop3A_594, %parallel_loop3A_595], %parallel_loop3A_418 {strides = array<i32>} : memref<32x128xf32, #tpu.memory_space<vmem>>, vector<16xf32>,
          %parallel_loop3A_597 = arith.constant 7 : i32
          %parallel_loop3A_598 = arith.index_cast %parallel_loop3A_597 : i32 to index
          %parallel_loop3A_599 = arith.index_cast %parallel_loop3A_376 : i32 to index
          %parallel_loop3A_600 = tpu.vector_load %arg10[%parallel_loop3A_598, %parallel_loop3A_599] {strides = array<i32>} : memref<32x128xf32, #tpu.memory_space<vmem>>, vector<16xf32>,
          tpu.vector_store %arg10[%parallel_loop3A_598, %parallel_loop3A_599], %parallel_loop3A_424 {strides = array<i32>} : memref<32x128xf32, #tpu.memory_space<vmem>>, vector<16xf32>,
          %parallel_loop3A_601 = arith.constant 8 : i32
          %parallel_loop3A_602 = arith.index_cast %parallel_loop3A_601 : i32 to index
          %parallel_loop3A_603 = arith.index_cast %parallel_loop3A_376 : i32 to index
          %parallel_loop3A_604 = tpu.vector_load %arg10[%parallel_loop3A_602, %parallel_loop3A_603] {strides = array<i32>} : memref<32x128xf32, #tpu.memory_space<vmem>>, vector<16xf32>,
          tpu.vector_store %arg10[%parallel_loop3A_602, %parallel_loop3A_603], %parallel_loop3A_430 {strides = array<i32>} : memref<32x128xf32, #tpu.memory_space<vmem>>, vector<16xf32>,
          %parallel_loop3A_605 = arith.constant 9 : i32
          %parallel_loop3A_606 = arith.index_cast %parallel_loop3A_605 : i32 to index
          %parallel_loop3A_607 = arith.index_cast %parallel_loop3A_376 : i32 to index
          %parallel_loop3A_608 = tpu.vector_load %arg10[%parallel_loop3A_606, %parallel_loop3A_607] {strides = array<i32>} : memref<32x128xf32, #tpu.memory_space<vmem>>, vector<16xf32>,
          tpu.vector_store %arg10[%parallel_loop3A_606, %parallel_loop3A_607], %parallel_loop3A_436 {strides = array<i32>} : memref<32x128xf32, #tpu.memory_space<vmem>>, vector<16xf32>,
          %parallel_loop3A_609 = arith.constant 10 : i32
          %parallel_loop3A_610 = arith.index_cast %parallel_loop3A_609 : i32 to index
          %parallel_loop3A_611 = arith.index_cast %parallel_loop3A_376 : i32 to index
          %parallel_loop3A_612 = tpu.vector_load %arg10[%parallel_loop3A_610, %parallel_loop3A_611] {strides = array<i32>} : memref<32x128xf32, #tpu.memory_space<vmem>>, vector<16xf32>,
          tpu.vector_store %arg10[%parallel_loop3A_610, %parallel_loop3A_611], %parallel_loop3A_442 {strides = array<i32>} : memref<32x128xf32, #tpu.memory_space<vmem>>, vector<16xf32>,
          %parallel_loop3A_613 = arith.constant 11 : i32
          %parallel_loop3A_614 = arith.index_cast %parallel_loop3A_613 : i32 to index
          %parallel_loop3A_615 = arith.index_cast %parallel_loop3A_376 : i32 to index
          %parallel_loop3A_616 = tpu.vector_load %arg10[%parallel_loop3A_614, %parallel_loop3A_615] {strides = array<i32>} : memref<32x128xf32, #tpu.memory_space<vmem>>, vector<16xf32>,
          tpu.vector_store %arg10[%parallel_loop3A_614, %parallel_loop3A_615], %parallel_loop3A_448 {strides = array<i32>} : memref<32x128xf32, #tpu.memory_space<vmem>>, vector<16xf32>,
          %parallel_loop3A_617 = arith.constant 12 : i32
          %parallel_loop3A_618 = arith.index_cast %parallel_loop3A_617 : i32 to index
          %parallel_loop3A_619 = arith.index_cast %parallel_loop3A_376 : i32 to index
          %parallel_loop3A_620 = tpu.vector_load %arg10[%parallel_loop3A_618, %parallel_loop3A_619] {strides = array<i32>} : memref<32x128xf32, #tpu.memory_space<vmem>>, vector<16xf32>,
          tpu.vector_store %arg10[%parallel_loop3A_618, %parallel_loop3A_619], %parallel_loop3A_454 {strides = array<i32>} : memref<32x128xf32, #tpu.memory_space<vmem>>, vector<16xf32>,
          %parallel_loop3A_621 = arith.constant 13 : i32
          %parallel_loop3A_622 = arith.index_cast %parallel_loop3A_621 : i32 to index
          %parallel_loop3A_623 = arith.index_cast %parallel_loop3A_376 : i32 to index
          %parallel_loop3A_624 = tpu.vector_load %arg10[%parallel_loop3A_622, %parallel_loop3A_623] {strides = array<i32>} : memref<32x128xf32, #tpu.memory_space<vmem>>, vector<16xf32>,
          tpu.vector_store %arg10[%parallel_loop3A_622, %parallel_loop3A_623], %parallel_loop3A_460 {strides = array<i32>} : memref<32x128xf32, #tpu.memory_space<vmem>>, vector<16xf32>,
          %parallel_loop3A_625 = arith.constant 14 : i32
          %parallel_loop3A_626 = arith.index_cast %parallel_loop3A_625 : i32 to index
          %parallel_loop3A_627 = arith.index_cast %parallel_loop3A_376 : i32 to index
          %parallel_loop3A_628 = tpu.vector_load %arg10[%parallel_loop3A_626, %parallel_loop3A_627] {strides = array<i32>} : memref<32x128xf32, #tpu.memory_space<vmem>>, vector<16xf32>,
          tpu.vector_store %arg10[%parallel_loop3A_626, %parallel_loop3A_627], %parallel_loop3A_466 {strides = array<i32>} : memref<32x128xf32, #tpu.memory_space<vmem>>, vector<16xf32>,
          %parallel_loop3A_629 = arith.constant 15 : i32
          %parallel_loop3A_630 = arith.index_cast %parallel_loop3A_629 : i32 to index
          %parallel_loop3A_631 = arith.index_cast %parallel_loop3A_376 : i32 to index
          %parallel_loop3A_632 = tpu.vector_load %arg10[%parallel_loop3A_630, %parallel_loop3A_631] {strides = array<i32>} : memref<32x128xf32, #tpu.memory_space<vmem>>, vector<16xf32>,
          tpu.vector_store %arg10[%parallel_loop3A_630, %parallel_loop3A_631], %parallel_loop3A_472 {strides = array<i32>} : memref<32x128xf32, #tpu.memory_space<vmem>>, vector<16xf32>,
          %parallel_loop3A_633 = arith.constant 16 : i32
          %parallel_loop3A_634 = arith.index_cast %parallel_loop3A_633 : i32 to index
          %parallel_loop3A_635 = arith.index_cast %parallel_loop3A_376 : i32 to index
          %parallel_loop3A_636 = tpu.vector_load %arg10[%parallel_loop3A_634, %parallel_loop3A_635] {strides = array<i32>} : memref<32x128xf32, #tpu.memory_space<vmem>>, vector<16xf32>,
          tpu.vector_store %arg10[%parallel_loop3A_634, %parallel_loop3A_635], %parallel_loop3A_478 {strides = array<i32>} : memref<32x128xf32, #tpu.memory_space<vmem>>, vector<16xf32>,
          %parallel_loop3A_637 = arith.constant 17 : i32
          %parallel_loop3A_638 = arith.index_cast %parallel_loop3A_637 : i32 to index
          %parallel_loop3A_639 = arith.index_cast %parallel_loop3A_376 : i32 to index
          %parallel_loop3A_640 = tpu.vector_load %arg10[%parallel_loop3A_638, %parallel_loop3A_639] {strides = array<i32>} : memref<32x128xf32, #tpu.memory_space<vmem>>, vector<16xf32>,
          tpu.vector_store %arg10[%parallel_loop3A_638, %parallel_loop3A_639], %parallel_loop3A_484 {strides = array<i32>} : memref<32x128xf32, #tpu.memory_space<vmem>>, vector<16xf32>,
          %parallel_loop3A_641 = arith.constant 18 : i32
          %parallel_loop3A_642 = arith.index_cast %parallel_loop3A_641 : i32 to index
          %parallel_loop3A_643 = arith.index_cast %parallel_loop3A_376 : i32 to index
          %parallel_loop3A_644 = tpu.vector_load %arg10[%parallel_loop3A_642, %parallel_loop3A_643] {strides = array<i32>} : memref<32x128xf32, #tpu.memory_space<vmem>>, vector<16xf32>,
          tpu.vector_store %arg10[%parallel_loop3A_642, %parallel_loop3A_643], %parallel_loop3A_490 {strides = array<i32>} : memref<32x128xf32, #tpu.memory_space<vmem>>, vector<16xf32>,
          %parallel_loop3A_645 = arith.constant 19 : i32
          %parallel_loop3A_646 = arith.index_cast %parallel_loop3A_645 : i32 to index
          %parallel_loop3A_647 = arith.index_cast %parallel_loop3A_376 : i32 to index
          %parallel_loop3A_648 = tpu.vector_load %arg10[%parallel_loop3A_646, %parallel_loop3A_647] {strides = array<i32>} : memref<32x128xf32, #tpu.memory_space<vmem>>, vector<16xf32>,
          tpu.vector_store %arg10[%parallel_loop3A_646, %parallel_loop3A_647], %parallel_loop3A_496 {strides = array<i32>} : memref<32x128xf32, #tpu.memory_space<vmem>>, vector<16xf32>,
          %parallel_loop3A_649 = arith.constant 20 : i32
          %parallel_loop3A_650 = arith.index_cast %parallel_loop3A_649 : i32 to index
          %parallel_loop3A_651 = arith.index_cast %parallel_loop3A_376 : i32 to index
          %parallel_loop3A_652 = tpu.vector_load %arg10[%parallel_loop3A_650, %parallel_loop3A_651] {strides = array<i32>} : memref<32x128xf32, #tpu.memory_space<vmem>>, vector<16xf32>,
          tpu.vector_store %arg10[%parallel_loop3A_650, %parallel_loop3A_651], %parallel_loop3A_502 {strides = array<i32>} : memref<32x128xf32, #tpu.memory_space<vmem>>, vector<16xf32>,
          %parallel_loop3A_653 = arith.constant 21 : i32
          %parallel_loop3A_654 = arith.index_cast %parallel_loop3A_653 : i32 to index
          %parallel_loop3A_655 = arith.index_cast %parallel_loop3A_376 : i32 to index
          %parallel_loop3A_656 = tpu.vector_load %arg10[%parallel_loop3A_654, %parallel_loop3A_655] {strides = array<i32>} : memref<32x128xf32, #tpu.memory_space<vmem>>, vector<16xf32>,
          tpu.vector_store %arg10[%parallel_loop3A_654, %parallel_loop3A_655], %parallel_loop3A_508 {strides = array<i32>} : memref<32x128xf32, #tpu.memory_space<vmem>>, vector<16xf32>,
          %parallel_loop3A_657 = arith.constant 22 : i32
          %parallel_loop3A_658 = arith.index_cast %parallel_loop3A_657 : i32 to index
          %parallel_loop3A_659 = arith.index_cast %parallel_loop3A_376 : i32 to index
          %parallel_loop3A_660 = tpu.vector_load %arg10[%parallel_loop3A_658, %parallel_loop3A_659] {strides = array<i32>} : memref<32x128xf32, #tpu.memory_space<vmem>>, vector<16xf32>,
          tpu.vector_store %arg10[%parallel_loop3A_658, %parallel_loop3A_659], %parallel_loop3A_514 {strides = array<i32>} : memref<32x128xf32, #tpu.memory_space<vmem>>, vector<16xf32>,
          %parallel_loop3A_661 = arith.constant 23 : i32
          %parallel_loop3A_662 = arith.index_cast %parallel_loop3A_661 : i32 to index
          %parallel_loop3A_663 = arith.index_cast %parallel_loop3A_376 : i32 to index
          %parallel_loop3A_664 = tpu.vector_load %arg10[%parallel_loop3A_662, %parallel_loop3A_663] {strides = array<i32>} : memref<32x128xf32, #tpu.memory_space<vmem>>, vector<16xf32>,
          tpu.vector_store %arg10[%parallel_loop3A_662, %parallel_loop3A_663], %parallel_loop3A_520 {strides = array<i32>} : memref<32x128xf32, #tpu.memory_space<vmem>>, vector<16xf32>,
          %parallel_loop3A_665 = arith.constant 24 : i32
          %parallel_loop3A_666 = arith.index_cast %parallel_loop3A_665 : i32 to index
          %parallel_loop3A_667 = arith.index_cast %parallel_loop3A_376 : i32 to index
          %parallel_loop3A_668 = tpu.vector_load %arg10[%parallel_loop3A_666, %parallel_loop3A_667] {strides = array<i32>} : memref<32x128xf32, #tpu.memory_space<vmem>>, vector<16xf32>,
          tpu.vector_store %arg10[%parallel_loop3A_666, %parallel_loop3A_667], %parallel_loop3A_526 {strides = array<i32>} : memref<32x128xf32, #tpu.memory_space<vmem>>, vector<16xf32>,
          %parallel_loop3A_669 = arith.constant 25 : i32
          %parallel_loop3A_670 = arith.index_cast %parallel_loop3A_669 : i32 to index
          %parallel_loop3A_671 = arith.index_cast %parallel_loop3A_376 : i32 to index
          %parallel_loop3A_672 = tpu.vector_load %arg10[%parallel_loop3A_670, %parallel_loop3A_671] {strides = array<i32>} : memref<32x128xf32, #tpu.memory_space<vmem>>, vector<16xf32>,
          tpu.vector_store %arg10[%parallel_loop3A_670, %parallel_loop3A_671], %parallel_loop3A_532 {strides = array<i32>} : memref<32x128xf32, #tpu.memory_space<vmem>>, vector<16xf32>,
          %parallel_loop3A_673 = arith.constant 26 : i32
          %parallel_loop3A_674 = arith.index_cast %parallel_loop3A_673 : i32 to index
          %parallel_loop3A_675 = arith.index_cast %parallel_loop3A_376 : i32 to index
          %parallel_loop3A_676 = tpu.vector_load %arg10[%parallel_loop3A_674, %parallel_loop3A_675] {strides = array<i32>} : memref<32x128xf32, #tpu.memory_space<vmem>>, vector<16xf32>,
          tpu.vector_store %arg10[%parallel_loop3A_674, %parallel_loop3A_675], %parallel_loop3A_538 {strides = array<i32>} : memref<32x128xf32, #tpu.memory_space<vmem>>, vector<16xf32>,
          %parallel_loop3A_677 = arith.constant 27 : i32
          %parallel_loop3A_678 = arith.index_cast %parallel_loop3A_677 : i32 to index
          %parallel_loop3A_679 = arith.index_cast %parallel_loop3A_376 : i32 to index
          %parallel_loop3A_680 = tpu.vector_load %arg10[%parallel_loop3A_678, %parallel_loop3A_679] {strides = array<i32>} : memref<32x128xf32, #tpu.memory_space<vmem>>, vector<16xf32>,
          tpu.vector_store %arg10[%parallel_loop3A_678, %parallel_loop3A_679], %parallel_loop3A_544 {strides = array<i32>} : memref<32x128xf32, #tpu.memory_space<vmem>>, vector<16xf32>,
          %parallel_loop3A_681 = arith.constant 28 : i32
          %parallel_loop3A_682 = arith.index_cast %parallel_loop3A_681 : i32 to index
          %parallel_loop3A_683 = arith.index_cast %parallel_loop3A_376 : i32 to index
          %parallel_loop3A_684 = tpu.vector_load %arg10[%parallel_loop3A_682, %parallel_loop3A_683] {strides = array<i32>} : memref<32x128xf32, #tpu.memory_space<vmem>>, vector<16xf32>,
          tpu.vector_store %arg10[%parallel_loop3A_682, %parallel_loop3A_683], %parallel_loop3A_550 {strides = array<i32>} : memref<32x128xf32, #tpu.memory_space<vmem>>, vector<16xf32>,
          %parallel_loop3A_685 = arith.constant 29 : i32
          %parallel_loop3A_686 = arith.index_cast %parallel_loop3A_685 : i32 to index
          %parallel_loop3A_687 = arith.index_cast %parallel_loop3A_376 : i32 to index
          %parallel_loop3A_688 = tpu.vector_load %arg10[%parallel_loop3A_686, %parallel_loop3A_687] {strides = array<i32>} : memref<32x128xf32, #tpu.memory_space<vmem>>, vector<16xf32>,
          tpu.vector_store %arg10[%parallel_loop3A_686, %parallel_loop3A_687], %parallel_loop3A_556 {strides = array<i32>} : memref<32x128xf32, #tpu.memory_space<vmem>>, vector<16xf32>,
          %parallel_loop3A_689 = arith.constant 30 : i32
          %parallel_loop3A_690 = arith.index_cast %parallel_loop3A_689 : i32 to index
          %parallel_loop3A_691 = arith.index_cast %parallel_loop3A_376 : i32 to index
          %parallel_loop3A_692 = tpu.vector_load %arg10[%parallel_loop3A_690, %parallel_loop3A_691] {strides = array<i32>} : memref<32x128xf32, #tpu.memory_space<vmem>>, vector<16xf32>,
          tpu.vector_store %arg10[%parallel_loop3A_690, %parallel_loop3A_691], %parallel_loop3A_562 {strides = array<i32>} : memref<32x128xf32, #tpu.memory_space<vmem>>, vector<16xf32>,
          %parallel_loop3A_693 = arith.constant 31 : i32
          %parallel_loop3A_694 = arith.index_cast %parallel_loop3A_693 : i32 to index
          %parallel_loop3A_695 = arith.index_cast %parallel_loop3A_376 : i32 to index
          %parallel_loop3A_696 = tpu.vector_load %arg10[%parallel_loop3A_694, %parallel_loop3A_695] {strides = array<i32>} : memref<32x128xf32, #tpu.memory_space<vmem>>, vector<16xf32>,
          tpu.vector_store %arg10[%parallel_loop3A_694, %parallel_loop3A_695], %parallel_loop3A_568 {strides = array<i32>} : memref<32x128xf32, #tpu.memory_space<vmem>>, vector<16xf32>,
        } {sc.loop_unroll_factor = 2 : i64, sc.parallel_access}
        %dma_start3A_316 = arith.constant 0 : i32
        %dma_start3A_317 = arith.constant 0 : i32
        %dma_start3A_318 = arith.constant 0 : i32
        %dma_start3A_319 = tpu.memref_slice %arg10[%dma_start3A_317, %dma_start3A_318] : memref<32x128xf32, #tpu.memory_space<vmem>> -> memref<8x128xf32, #tpu.memory_space<vmem>>
        %dma_start3A_320 = arith.constant 0 : i32
        %dma_start3A_321 = arith.constant 0 : i32
        %dma_start3A_322 = tpu.memref_slice %arg4[%add3A_226, %dma_start3A_316, %add3A_72, %dma_start3A_320, %dma_start3A_321] : memref<50x4x128x8x128xf32, #tpu.memory_space<hbm>> -> memref<1x1x1x8x128xf32, #tpu.memory_space<hbm>>
        %dma_start3A_323 = tpu.memref_squeeze %dma_start3A_322 : memref<1x1x1x8x128xf32, #tpu.memory_space<hbm>> -> memref<8x128xf32, #tpu.memory_space<hbm>>
        %dma_start3A_324 = arith.constant 0 : i32
        %dma_start3A_325 = arith.constant 0 : i32
        %dma_start3A_326 = tpu.memref_slice %arg4[%add3A_226, %dma_start3A_316, %add3A_72, %dma_start3A_324, %dma_start3A_325] : memref<50x4x128x8x128xf32, #tpu.memory_space<hbm>> -> memref<1x1x1x8x128xf32, #tpu.memory_space<hbm>>
        %dma_start3A_327 = tpu.memref_squeeze %dma_start3A_326 : memref<1x1x1x8x128xf32, #tpu.memory_space<hbm>> -> memref<8x128xf32, #tpu.memory_space<hbm>>
        %dma_start3A_328 = arith.constant 0 : i32
        %dma_start3A_329 = arith.constant 0 : i32
        %dma_start3A_330 = tpu.memref_slice %arg10[%dma_start3A_328, %dma_start3A_329] : memref<32x128xf32, #tpu.memory_space<vmem>> -> memref<8x128xf32, #tpu.memory_space<vmem>>
        tpu.enqueue_dma source(%dma_start3A_330 : memref<8x128xf32, #tpu.memory_space<vmem>>) target(%dma_start3A_327 : memref<8x128xf32, #tpu.memory_space<hbm>>) target_semaphore(%arg14 : memref<!tpu.dma_semaphore, #tpu.memory_space<semaphore_mem>>)
        %dma_start3A_331 = arith.constant 1 : i32
        %dma_start3A_332 = arith.constant 8 : i32
        %dma_start3A_333 = arith.constant 0 : i32
        %dma_start3A_334 = tpu.memref_slice %arg10[%dma_start3A_332, %dma_start3A_333] : memref<32x128xf32, #tpu.memory_space<vmem>> -> memref<8x128xf32, #tpu.memory_space<vmem>>
        %dma_start3A_335 = arith.constant 0 : i32
        %dma_start3A_336 = arith.constant 0 : i32
        %dma_start3A_337 = tpu.memref_slice %arg4[%add3A_226, %dma_start3A_331, %add3A_72, %dma_start3A_335, %dma_start3A_336] : memref<50x4x128x8x128xf32, #tpu.memory_space<hbm>> -> memref<1x1x1x8x128xf32, #tpu.memory_space<hbm>>
        %dma_start3A_338 = tpu.memref_squeeze %dma_start3A_337 : memref<1x1x1x8x128xf32, #tpu.memory_space<hbm>> -> memref<8x128xf32, #tpu.memory_space<hbm>>
        %dma_start3A_339 = arith.constant 0 : i32
        %dma_start3A_340 = arith.constant 0 : i32
        %dma_start3A_341 = tpu.memref_slice %arg4[%add3A_226, %dma_start3A_331, %add3A_72, %dma_start3A_339, %dma_start3A_340] : memref<50x4x128x8x128xf32, #tpu.memory_space<hbm>> -> memref<1x1x1x8x128xf32, #tpu.memory_space<hbm>>
        %dma_start3A_342 = tpu.memref_squeeze %dma_start3A_341 : memref<1x1x1x8x128xf32, #tpu.memory_space<hbm>> -> memref<8x128xf32, #tpu.memory_space<hbm>>
        %dma_start3A_343 = arith.constant 8 : i32
        %dma_start3A_344 = arith.constant 0 : i32
        %dma_start3A_345 = tpu.memref_slice %arg10[%dma_start3A_343, %dma_start3A_344] : memref<32x128xf32, #tpu.memory_space<vmem>> -> memref<8x128xf32, #tpu.memory_space<vmem>>
        tpu.enqueue_dma source(%dma_start3A_345 : memref<8x128xf32, #tpu.memory_space<vmem>>) target(%dma_start3A_342 : memref<8x128xf32, #tpu.memory_space<hbm>>) target_semaphore(%arg14 : memref<!tpu.dma_semaphore, #tpu.memory_space<semaphore_mem>>)
        %dma_start3A_346 = arith.constant 2 : i32
        %dma_start3A_347 = arith.constant 16 : i32
        %dma_start3A_348 = arith.constant 0 : i32
        %dma_start3A_349 = tpu.memref_slice %arg10[%dma_start3A_347, %dma_start3A_348] : memref<32x128xf32, #tpu.memory_space<vmem>> -> memref<8x128xf32, #tpu.memory_space<vmem>>
        %dma_start3A_350 = arith.constant 0 : i32
        %dma_start3A_351 = arith.constant 0 : i32
        %dma_start3A_352 = tpu.memref_slice %arg4[%add3A_226, %dma_start3A_346, %add3A_72, %dma_start3A_350, %dma_start3A_351] : memref<50x4x128x8x128xf32, #tpu.memory_space<hbm>> -> memref<1x1x1x8x128xf32, #tpu.memory_space<hbm>>
        %dma_start3A_353 = tpu.memref_squeeze %dma_start3A_352 : memref<1x1x1x8x128xf32, #tpu.memory_space<hbm>> -> memref<8x128xf32, #tpu.memory_space<hbm>>
        %dma_start3A_354 = arith.constant 0 : i32
        %dma_start3A_355 = arith.constant 0 : i32
        %dma_start3A_356 = tpu.memref_slice %arg4[%add3A_226, %dma_start3A_346, %add3A_72, %dma_start3A_354, %dma_start3A_355] : memref<50x4x128x8x128xf32, #tpu.memory_space<hbm>> -> memref<1x1x1x8x128xf32, #tpu.memory_space<hbm>>
        %dma_start3A_357 = tpu.memref_squeeze %dma_start3A_356 : memref<1x1x1x8x128xf32, #tpu.memory_space<hbm>> -> memref<8x128xf32, #tpu.memory_space<hbm>>
        %dma_start3A_358 = arith.constant 16 : i32
        %dma_start3A_359 = arith.constant 0 : i32
        %dma_start3A_360 = tpu.memref_slice %arg10[%dma_start3A_358, %dma_start3A_359] : memref<32x128xf32, #tpu.memory_space<vmem>> -> memref<8x128xf32, #tpu.memory_space<vmem>>
        tpu.enqueue_dma source(%dma_start3A_360 : memref<8x128xf32, #tpu.memory_space<vmem>>) target(%dma_start3A_357 : memref<8x128xf32, #tpu.memory_space<hbm>>) target_semaphore(%arg14 : memref<!tpu.dma_semaphore, #tpu.memory_space<semaphore_mem>>)
        %dma_start3A_361 = arith.constant 3 : i32
        %dma_start3A_362 = arith.constant 24 : i32
        %dma_start3A_363 = arith.constant 0 : i32
        %dma_start3A_364 = tpu.memref_slice %arg10[%dma_start3A_362, %dma_start3A_363] : memref<32x128xf32, #tpu.memory_space<vmem>> -> memref<8x128xf32, #tpu.memory_space<vmem>>
        %dma_start3A_365 = arith.constant 0 : i32
        %dma_start3A_366 = arith.constant 0 : i32
        %dma_start3A_367 = tpu.memref_slice %arg4[%add3A_226, %dma_start3A_361, %add3A_72, %dma_start3A_365, %dma_start3A_366] : memref<50x4x128x8x128xf32, #tpu.memory_space<hbm>> -> memref<1x1x1x8x128xf32, #tpu.memory_space<hbm>>
        %dma_start3A_368 = tpu.memref_squeeze %dma_start3A_367 : memref<1x1x1x8x128xf32, #tpu.memory_space<hbm>> -> memref<8x128xf32, #tpu.memory_space<hbm>>
        %dma_start3A_369 = arith.constant 0 : i32
        %dma_start3A_370 = arith.constant 0 : i32
        %dma_start3A_371 = tpu.memref_slice %arg4[%add3A_226, %dma_start3A_361, %add3A_72, %dma_start3A_369, %dma_start3A_370] : memref<50x4x128x8x128xf32, #tpu.memory_space<hbm>> -> memref<1x1x1x8x128xf32, #tpu.memory_space<hbm>>
        %dma_start3A_372 = tpu.memref_squeeze %dma_start3A_371 : memref<1x1x1x8x128xf32, #tpu.memory_space<hbm>> -> memref<8x128xf32, #tpu.memory_space<hbm>>
        %dma_start3A_373 = arith.constant 24 : i32
        %dma_start3A_374 = arith.constant 0 : i32
        %dma_start3A_375 = tpu.memref_slice %arg10[%dma_start3A_373, %dma_start3A_374] : memref<32x128xf32, #tpu.memory_space<vmem>> -> memref<8x128xf32, #tpu.memory_space<vmem>>
        tpu.enqueue_dma source(%dma_start3A_375 : memref<8x128xf32, #tpu.memory_space<vmem>>) target(%dma_start3A_372 : memref<8x128xf32, #tpu.memory_space<hbm>>) target_semaphore(%arg14 : memref<!tpu.dma_semaphore, #tpu.memory_space<semaphore_mem>>)
      }
      %scan3A_94 = arith.constant 25 : i32
      %dma_wait3A = arith.constant 48 : i32
      %dma_wait3A_95 = arith.constant 0 : i32
      %dma_wait3A_96 = arith.constant 0 : i32
      %dma_wait3A_97 = arith.constant 0 : i32
      %dma_wait3A_98 = tpu.memref_slice %arg9[%dma_wait3A_96, %dma_wait3A_97] : memref<32x128xf32, #tpu.memory_space<vmem>> -> memref<8x128xf32, #tpu.memory_space<vmem>>
      %dma_wait3A_99 = arith.constant 0 : i32
      %dma_wait3A_100 = arith.constant 0 : i32
      %dma_wait3A_101 = tpu.memref_slice %arg4[%dma_wait3A, %dma_wait3A_95, %add3A_72, %dma_wait3A_99, %dma_wait3A_100] : memref<50x4x128x8x128xf32, #tpu.memory_space<hbm>> -> memref<1x1x1x8x128xf32, #tpu.memory_space<hbm>>
      %dma_wait3A_102 = tpu.memref_squeeze %dma_wait3A_101 : memref<1x1x1x8x128xf32, #tpu.memory_space<hbm>> -> memref<8x128xf32, #tpu.memory_space<hbm>>
      %dma_wait3A_103 = arith.constant 0 : i32
      %dma_wait3A_104 = arith.constant 0 : i32
      %dma_wait3A_105 = tpu.memref_slice %arg4[%dma_wait3A, %dma_wait3A_95, %add3A_72, %dma_wait3A_103, %dma_wait3A_104] : memref<50x4x128x8x128xf32, #tpu.memory_space<hbm>> -> memref<1x1x1x8x128xf32, #tpu.memory_space<hbm>>
      %dma_wait3A_106 = tpu.memref_squeeze %dma_wait3A_105 : memref<1x1x1x8x128xf32, #tpu.memory_space<hbm>> -> memref<8x128xf32, #tpu.memory_space<hbm>>
      %dma_wait3A_107 = arith.constant 0 : i32
      %dma_wait3A_108 = arith.constant 0 : i32
      %dma_wait3A_109 = tpu.memref_slice %arg9[%dma_wait3A_107, %dma_wait3A_108] : memref<32x128xf32, #tpu.memory_space<vmem>> -> memref<8x128xf32, #tpu.memory_space<vmem>>
      tpu.wait_dma2 semaphore(%arg13 : memref<!tpu.dma_semaphore, #tpu.memory_space<semaphore_mem>>) src(%dma_wait3A_109 : memref<8x128xf32, #tpu.memory_space<vmem>>) dst(%dma_wait3A_106 : memref<8x128xf32, #tpu.memory_space<hbm>>)
      %dma_wait3A_110 = arith.constant 48 : i32
      %dma_wait3A_111 = arith.constant 1 : i32
      %dma_wait3A_112 = arith.constant 8 : i32
      %dma_wait3A_113 = arith.constant 0 : i32
      %dma_wait3A_114 = tpu.memref_slice %arg9[%dma_wait3A_112, %dma_wait3A_113] : memref<32x128xf32, #tpu.memory_space<vmem>> -> memref<8x128xf32, #tpu.memory_space<vmem>>
      %dma_wait3A_115 = arith.constant 0 : i32
      %dma_wait3A_116 = arith.constant 0 : i32
      %dma_wait3A_117 = tpu.memref_slice %arg4[%dma_wait3A_110, %dma_wait3A_111, %add3A_72, %dma_wait3A_115, %dma_wait3A_116] : memref<50x4x128x8x128xf32, #tpu.memory_space<hbm>> -> memref<1x1x1x8x128xf32, #tpu.memory_space<hbm>>
      %dma_wait3A_118 = tpu.memref_squeeze %dma_wait3A_117 : memref<1x1x1x8x128xf32, #tpu.memory_space<hbm>> -> memref<8x128xf32, #tpu.memory_space<hbm>>
      %dma_wait3A_119 = arith.constant 0 : i32
      %dma_wait3A_120 = arith.constant 0 : i32
      %dma_wait3A_121 = tpu.memref_slice %arg4[%dma_wait3A_110, %dma_wait3A_111, %add3A_72, %dma_wait3A_119, %dma_wait3A_120] : memref<50x4x128x8x128xf32, #tpu.memory_space<hbm>> -> memref<1x1x1x8x128xf32, #tpu.memory_space<hbm>>
      %dma_wait3A_122 = tpu.memref_squeeze %dma_wait3A_121 : memref<1x1x1x8x128xf32, #tpu.memory_space<hbm>> -> memref<8x128xf32, #tpu.memory_space<hbm>>
      %dma_wait3A_123 = arith.constant 8 : i32
      %dma_wait3A_124 = arith.constant 0 : i32
      %dma_wait3A_125 = tpu.memref_slice %arg9[%dma_wait3A_123, %dma_wait3A_124] : memref<32x128xf32, #tpu.memory_space<vmem>> -> memref<8x128xf32, #tpu.memory_space<vmem>>
      tpu.wait_dma2 semaphore(%arg13 : memref<!tpu.dma_semaphore, #tpu.memory_space<semaphore_mem>>) src(%dma_wait3A_125 : memref<8x128xf32, #tpu.memory_space<vmem>>) dst(%dma_wait3A_122 : memref<8x128xf32, #tpu.memory_space<hbm>>)
      %dma_wait3A_126 = arith.constant 48 : i32
      %dma_wait3A_127 = arith.constant 2 : i32
      %dma_wait3A_128 = arith.constant 16 : i32
      %dma_wait3A_129 = arith.constant 0 : i32
      %dma_wait3A_130 = tpu.memref_slice %arg9[%dma_wait3A_128, %dma_wait3A_129] : memref<32x128xf32, #tpu.memory_space<vmem>> -> memref<8x128xf32, #tpu.memory_space<vmem>>
      %dma_wait3A_131 = arith.constant 0 : i32
      %dma_wait3A_132 = arith.constant 0 : i32
      %dma_wait3A_133 = tpu.memref_slice %arg4[%dma_wait3A_126, %dma_wait3A_127, %add3A_72, %dma_wait3A_131, %dma_wait3A_132] : memref<50x4x128x8x128xf32, #tpu.memory_space<hbm>> -> memref<1x1x1x8x128xf32, #tpu.memory_space<hbm>>
      %dma_wait3A_134 = tpu.memref_squeeze %dma_wait3A_133 : memref<1x1x1x8x128xf32, #tpu.memory_space<hbm>> -> memref<8x128xf32, #tpu.memory_space<hbm>>
      %dma_wait3A_135 = arith.constant 0 : i32
      %dma_wait3A_136 = arith.constant 0 : i32
      %dma_wait3A_137 = tpu.memref_slice %arg4[%dma_wait3A_126, %dma_wait3A_127, %add3A_72, %dma_wait3A_135, %dma_wait3A_136] : memref<50x4x128x8x128xf32, #tpu.memory_space<hbm>> -> memref<1x1x1x8x128xf32, #tpu.memory_space<hbm>>
      %dma_wait3A_138 = tpu.memref_squeeze %dma_wait3A_137 : memref<1x1x1x8x128xf32, #tpu.memory_space<hbm>> -> memref<8x128xf32, #tpu.memory_space<hbm>>
      %dma_wait3A_139 = arith.constant 16 : i32
      %dma_wait3A_140 = arith.constant 0 : i32
      %dma_wait3A_141 = tpu.memref_slice %arg9[%dma_wait3A_139, %dma_wait3A_140] : memref<32x128xf32, #tpu.memory_space<vmem>> -> memref<8x128xf32, #tpu.memory_space<vmem>>
      tpu.wait_dma2 semaphore(%arg13 : memref<!tpu.dma_semaphore, #tpu.memory_space<semaphore_mem>>) src(%dma_wait3A_141 : memref<8x128xf32, #tpu.memory_space<vmem>>) dst(%dma_wait3A_138 : memref<8x128xf32, #tpu.memory_space<hbm>>)
      %dma_wait3A_142 = arith.constant 48 : i32
      %dma_wait3A_143 = arith.constant 3 : i32
      %dma_wait3A_144 = arith.constant 24 : i32
      %dma_wait3A_145 = arith.constant 0 : i32
      %dma_wait3A_146 = tpu.memref_slice %arg9[%dma_wait3A_144, %dma_wait3A_145] : memref<32x128xf32, #tpu.memory_space<vmem>> -> memref<8x128xf32, #tpu.memory_space<vmem>>
      %dma_wait3A_147 = arith.constant 0 : i32
      %dma_wait3A_148 = arith.constant 0 : i32
      %dma_wait3A_149 = tpu.memref_slice %arg4[%dma_wait3A_142, %dma_wait3A_143, %add3A_72, %dma_wait3A_147, %dma_wait3A_148] : memref<50x4x128x8x128xf32, #tpu.memory_space<hbm>> -> memref<1x1x1x8x128xf32, #tpu.memory_space<hbm>>
      %dma_wait3A_150 = tpu.memref_squeeze %dma_wait3A_149 : memref<1x1x1x8x128xf32, #tpu.memory_space<hbm>> -> memref<8x128xf32, #tpu.memory_space<hbm>>
      %dma_wait3A_151 = arith.constant 0 : i32
      %dma_wait3A_152 = arith.constant 0 : i32
      %dma_wait3A_153 = tpu.memref_slice %arg4[%dma_wait3A_142, %dma_wait3A_143, %add3A_72, %dma_wait3A_151, %dma_wait3A_152] : memref<50x4x128x8x128xf32, #tpu.memory_space<hbm>> -> memref<1x1x1x8x128xf32, #tpu.memory_space<hbm>>
      %dma_wait3A_154 = tpu.memref_squeeze %dma_wait3A_153 : memref<1x1x1x8x128xf32, #tpu.memory_space<hbm>> -> memref<8x128xf32, #tpu.memory_space<hbm>>
      %dma_wait3A_155 = arith.constant 24 : i32
      %dma_wait3A_156 = arith.constant 0 : i32
      %dma_wait3A_157 = tpu.memref_slice %arg9[%dma_wait3A_155, %dma_wait3A_156] : memref<32x128xf32, #tpu.memory_space<vmem>> -> memref<8x128xf32, #tpu.memory_space<vmem>>
      tpu.wait_dma2 semaphore(%arg13 : memref<!tpu.dma_semaphore, #tpu.memory_space<semaphore_mem>>) src(%dma_wait3A_157 : memref<8x128xf32, #tpu.memory_space<vmem>>) dst(%dma_wait3A_154 : memref<8x128xf32, #tpu.memory_space<hbm>>)
      %dma_wait3A_158 = arith.constant 49 : i32
      %dma_wait3A_159 = arith.constant 0 : i32
      %dma_wait3A_160 = arith.constant 0 : i32
      %dma_wait3A_161 = arith.constant 0 : i32
      %dma_wait3A_162 = tpu.memref_slice %arg10[%dma_wait3A_160, %dma_wait3A_161] : memref<32x128xf32, #tpu.memory_space<vmem>> -> memref<8x128xf32, #tpu.memory_space<vmem>>
      %dma_wait3A_163 = arith.constant 0 : i32
      %dma_wait3A_164 = arith.constant 0 : i32
      %dma_wait3A_165 = tpu.memref_slice %arg4[%dma_wait3A_158, %dma_wait3A_159, %add3A_72, %dma_wait3A_163, %dma_wait3A_164] : memref<50x4x128x8x128xf32, #tpu.memory_space<hbm>> -> memref<1x1x1x8x128xf32, #tpu.memory_space<hbm>>
      %dma_wait3A_166 = tpu.memref_squeeze %dma_wait3A_165 : memref<1x1x1x8x128xf32, #tpu.memory_space<hbm>> -> memref<8x128xf32, #tpu.memory_space<hbm>>
      %dma_wait3A_167 = arith.constant 0 : i32
      %dma_wait3A_168 = arith.constant 0 : i32
      %dma_wait3A_169 = tpu.memref_slice %arg4[%dma_wait3A_158, %dma_wait3A_159, %add3A_72, %dma_wait3A_167, %dma_wait3A_168] : memref<50x4x128x8x128xf32, #tpu.memory_space<hbm>> -> memref<1x1x1x8x128xf32, #tpu.memory_space<hbm>>
      %dma_wait3A_170 = tpu.memref_squeeze %dma_wait3A_169 : memref<1x1x1x8x128xf32, #tpu.memory_space<hbm>> -> memref<8x128xf32, #tpu.memory_space<hbm>>
      %dma_wait3A_171 = arith.constant 0 : i32
      %dma_wait3A_172 = arith.constant 0 : i32
      %dma_wait3A_173 = tpu.memref_slice %arg10[%dma_wait3A_171, %dma_wait3A_172] : memref<32x128xf32, #tpu.memory_space<vmem>> -> memref<8x128xf32, #tpu.memory_space<vmem>>
      tpu.wait_dma2 semaphore(%arg14 : memref<!tpu.dma_semaphore, #tpu.memory_space<semaphore_mem>>) src(%dma_wait3A_173 : memref<8x128xf32, #tpu.memory_space<vmem>>) dst(%dma_wait3A_170 : memref<8x128xf32, #tpu.memory_space<hbm>>)
      %dma_wait3A_174 = arith.constant 49 : i32
      %dma_wait3A_175 = arith.constant 1 : i32
      %dma_wait3A_176 = arith.constant 8 : i32
      %dma_wait3A_177 = arith.constant 0 : i32
      %dma_wait3A_178 = tpu.memref_slice %arg10[%dma_wait3A_176, %dma_wait3A_177] : memref<32x128xf32, #tpu.memory_space<vmem>> -> memref<8x128xf32, #tpu.memory_space<vmem>>
      %dma_wait3A_179 = arith.constant 0 : i32
      %dma_wait3A_180 = arith.constant 0 : i32
      %dma_wait3A_181 = tpu.memref_slice %arg4[%dma_wait3A_174, %dma_wait3A_175, %add3A_72, %dma_wait3A_179, %dma_wait3A_180] : memref<50x4x128x8x128xf32, #tpu.memory_space<hbm>> -> memref<1x1x1x8x128xf32, #tpu.memory_space<hbm>>
      %dma_wait3A_182 = tpu.memref_squeeze %dma_wait3A_181 : memref<1x1x1x8x128xf32, #tpu.memory_space<hbm>> -> memref<8x128xf32, #tpu.memory_space<hbm>>
      %dma_wait3A_183 = arith.constant 0 : i32
      %dma_wait3A_184 = arith.constant 0 : i32
      %dma_wait3A_185 = tpu.memref_slice %arg4[%dma_wait3A_174, %dma_wait3A_175, %add3A_72, %dma_wait3A_183, %dma_wait3A_184] : memref<50x4x128x8x128xf32, #tpu.memory_space<hbm>> -> memref<1x1x1x8x128xf32, #tpu.memory_space<hbm>>
      %dma_wait3A_186 = tpu.memref_squeeze %dma_wait3A_185 : memref<1x1x1x8x128xf32, #tpu.memory_space<hbm>> -> memref<8x128xf32, #tpu.memory_space<hbm>>
      %dma_wait3A_187 = arith.constant 8 : i32
      %dma_wait3A_188 = arith.constant 0 : i32
      %dma_wait3A_189 = tpu.memref_slice %arg10[%dma_wait3A_187, %dma_wait3A_188] : memref<32x128xf32, #tpu.memory_space<vmem>> -> memref<8x128xf32, #tpu.memory_space<vmem>>
      tpu.wait_dma2 semaphore(%arg14 : memref<!tpu.dma_semaphore, #tpu.memory_space<semaphore_mem>>) src(%dma_wait3A_189 : memref<8x128xf32, #tpu.memory_space<vmem>>) dst(%dma_wait3A_186 : memref<8x128xf32, #tpu.memory_space<hbm>>)
      %dma_wait3A_190 = arith.constant 49 : i32
      %dma_wait3A_191 = arith.constant 2 : i32
      %dma_wait3A_192 = arith.constant 16 : i32
      %dma_wait3A_193 = arith.constant 0 : i32
      %dma_wait3A_194 = tpu.memref_slice %arg10[%dma_wait3A_192, %dma_wait3A_193] : memref<32x128xf32, #tpu.memory_space<vmem>> -> memref<8x128xf32, #tpu.memory_space<vmem>>
      %dma_wait3A_195 = arith.constant 0 : i32
      %dma_wait3A_196 = arith.constant 0 : i32
      %dma_wait3A_197 = tpu.memref_slice %arg4[%dma_wait3A_190, %dma_wait3A_191, %add3A_72, %dma_wait3A_195, %dma_wait3A_196] : memref<50x4x128x8x128xf32, #tpu.memory_space<hbm>> -> memref<1x1x1x8x128xf32, #tpu.memory_space<hbm>>
      %dma_wait3A_198 = tpu.memref_squeeze %dma_wait3A_197 : memref<1x1x1x8x128xf32, #tpu.memory_space<hbm>> -> memref<8x128xf32, #tpu.memory_space<hbm>>
      %dma_wait3A_199 = arith.constant 0 : i32
      %dma_wait3A_200 = arith.constant 0 : i32
      %dma_wait3A_201 = tpu.memref_slice %arg4[%dma_wait3A_190, %dma_wait3A_191, %add3A_72, %dma_wait3A_199, %dma_wait3A_200] : memref<50x4x128x8x128xf32, #tpu.memory_space<hbm>> -> memref<1x1x1x8x128xf32, #tpu.memory_space<hbm>>
      %dma_wait3A_202 = tpu.memref_squeeze %dma_wait3A_201 : memref<1x1x1x8x128xf32, #tpu.memory_space<hbm>> -> memref<8x128xf32, #tpu.memory_space<hbm>>
      %dma_wait3A_203 = arith.constant 16 : i32
      %dma_wait3A_204 = arith.constant 0 : i32
      %dma_wait3A_205 = tpu.memref_slice %arg10[%dma_wait3A_203, %dma_wait3A_204] : memref<32x128xf32, #tpu.memory_space<vmem>> -> memref<8x128xf32, #tpu.memory_space<vmem>>
      tpu.wait_dma2 semaphore(%arg14 : memref<!tpu.dma_semaphore, #tpu.memory_space<semaphore_mem>>) src(%dma_wait3A_205 : memref<8x128xf32, #tpu.memory_space<vmem>>) dst(%dma_wait3A_202 : memref<8x128xf32, #tpu.memory_space<hbm>>)
      %dma_wait3A_206 = arith.constant 49 : i32
      %dma_wait3A_207 = arith.constant 3 : i32
      %dma_wait3A_208 = arith.constant 24 : i32
      %dma_wait3A_209 = arith.constant 0 : i32
      %dma_wait3A_210 = tpu.memref_slice %arg10[%dma_wait3A_208, %dma_wait3A_209] : memref<32x128xf32, #tpu.memory_space<vmem>> -> memref<8x128xf32, #tpu.memory_space<vmem>>
      %dma_wait3A_211 = arith.constant 0 : i32
      %dma_wait3A_212 = arith.constant 0 : i32
      %dma_wait3A_213 = tpu.memref_slice %arg4[%dma_wait3A_206, %dma_wait3A_207, %add3A_72, %dma_wait3A_211, %dma_wait3A_212] : memref<50x4x128x8x128xf32, #tpu.memory_space<hbm>> -> memref<1x1x1x8x128xf32, #tpu.memory_space<hbm>>
      %dma_wait3A_214 = tpu.memref_squeeze %dma_wait3A_213 : memref<1x1x1x8x128xf32, #tpu.memory_space<hbm>> -> memref<8x128xf32, #tpu.memory_space<hbm>>
      %dma_wait3A_215 = arith.constant 0 : i32
      %dma_wait3A_216 = arith.constant 0 : i32
      %dma_wait3A_217 = tpu.memref_slice %arg4[%dma_wait3A_206, %dma_wait3A_207, %add3A_72, %dma_wait3A_215, %dma_wait3A_216] : memref<50x4x128x8x128xf32, #tpu.memory_space<hbm>> -> memref<1x1x1x8x128xf32, #tpu.memory_space<hbm>>
      %dma_wait3A_218 = tpu.memref_squeeze %dma_wait3A_217 : memref<1x1x1x8x128xf32, #tpu.memory_space<hbm>> -> memref<8x128xf32, #tpu.memory_space<hbm>>
      %dma_wait3A_219 = arith.constant 24 : i32
      %dma_wait3A_220 = arith.constant 0 : i32
      %dma_wait3A_221 = tpu.memref_slice %arg10[%dma_wait3A_219, %dma_wait3A_220] : memref<32x128xf32, #tpu.memory_space<vmem>> -> memref<8x128xf32, #tpu.memory_space<vmem>>
      tpu.wait_dma2 semaphore(%arg14 : memref<!tpu.dma_semaphore, #tpu.memory_space<semaphore_mem>>) src(%dma_wait3A_221 : memref<8x128xf32, #tpu.memory_space<vmem>>) dst(%dma_wait3A_218 : memref<8x128xf32, #tpu.memory_space<hbm>>)
    }
    %scan3A_68 = arith.constant 4 : i32
    return
  }
}

</mosaic_0001>

<sc_bundles>
// kernel: kernel.3.cloned.1.call-start
scs
__scs_entry_jumppad:
0x0: {  	(pc) =	sbr.rel $0x88, $3  }
0x1: {  	(tag) =	ssettag $0x0;
	lr =	simm.s32 $0x1  }
0x2: {  	[smem:$0x3F9F] =	sst lr;
	_ =	strace $0xD0000000  }
0x3: {  	_ = 	snop  }
0x4: {  	_ = 	snop  }
0x5: {  	_ = 	snop  }
0x6: {  	_ = 	snop  }
0x7: {  	_ = 	snop  }
__scs_overlays_trampoline_lowered:
0x8: {  	[smem:$0x3FAE] =	sst s0  }
0x9: {  	[smem:$0x3FAF] =	sst s1  }
0xa: {  	[smem:$0x3FB0] =	sst s2  }
0xb: {  	[smem:$0x3FB1] =	sst s3  }
0xc: {  	[smem:$0x3FB2] =	sst s4  }
0xd: {  	[smem:$0x3FB3] =	sst s5  }
0xe: {  	[smem:$0x3FB4] =	sst s6  }
0xf: {  	[smem:$0x3FB5] =	sst s7  }
0x10: {  	[smem:$0x3FB6] =	sst s8  }
0x11: {  	[smem:$0x3FB7] =	sst s9;
	s0 =	simm.s32 @!p0 $0x0  }
0x12: {  	s1 =	sld [smem:$0x3F9D];
	s0 =	simm.s32 @p0 $0x1  }
0x13: {  	[smem:$0x3FB8] =	sst s0;
	s0 =	simm.s32 @!p1 $0x0  }
0x14: {  	s2 =	sld [smem:$0x3F9C];
	s0 =	simm.s32 @p1 $0x1  }
0x15: {  	[smem:$0x3FB9] =	sst s0;
	s0 =	simm.s32 @!p2 $0x0  }
0x16: {  	s3 =	sld [smem:$0x3FDB];
	s0 =	simm.s32 @p2 $0x1  }
0x17: {  	s4 =	simm.s32 $0x1BF5;
	[smem:$0x3FBB] =	sst s0  }
0x18: {  	s0 =	sld [smem:$0x3F9E];
	_ =	swait.ge [sflag:s4], $0x0  }
0x19: {  	s7 =	sld [smem:$0x3F9F]  }
0x1a: {  	s8 =	sadd.s32 $0xFFFFE003, lr  }
0x1b: {  	s9 =	sadd.s32 $0xFFFFFEF7, lr;
	s5 =	simm.s32 $0xFFFFFFFF;
	p2 =	slt.u32 s8, $0xFFFFF086  }
0x1c: {  	p1 =	slt.u32 s9, $0xF7A;
	s5 =	simm.s32 @!p2 $0x0  }
0x1d: {  	s5 =	simm.s32 @p1 $0x1;
	p0 =	seq.s32 s7, s2  }
0x1e: {  	s7 =	smul.u32 @!p0 $0xF7A, s2;
	p2 =	seq.s32 @!p0 s5, $0x0  }
0x1f: {  	s9 =	smul.u32 $0xF7A, s1;
	s8 =	simm.s32 @!p0 $0x1BF5;
	p2 =	por !p2, p0  }
0x20: {  	[sflag:s8] =	ssyncset.s32 @!p0 $0xFFFFF086;
	s6 =	sadd.s32 @!p0 s3, s7;
	s7 =	simm.s32 @!p0 $0x108  }
0x21: {  	s3 =	sadd.s32 s3, s9;
	s6 =	sadd.s32 @!p0 $0x88, s6;
	s7 =	simm.s32 @p2 $0x1082  }
0x22: {  	[simem:s7], [sflag:s8] =	dma.local @!p0 [hbm:s6], $0xF7A  }
0x23: {  	s9 =	sor.u32 $0xD0000000, s2;
	s6 =	simm.s32 $0x108;
	_ =	swait.ge @!p0 [sflag:s8], $0x0  }
0x24: {  	s3 =	sadd.s32 $0x88, s3;
	s6 =	simm.s32 @!p1 $0x1082;
	[sflag:s4] =	ssyncset.s32 $0xFFFFF086  }
0x25: {  	[simem:s6], [sflag:s4] =	dma.local [hbm:s3], $0xF7A  }
0x26: {  	[smem:$0x3F9F] =	sst s1;
	(tag) =	ssettag s2;
	_ =	strace s9  }
0x27: {  	s1 =	sld [smem:$0x3FAF]  }
0x28: {  	s2 =	sld [smem:$0x3FB0]  }
0x29: {  	s4 =	sld [smem:$0x3FB2]  }
0x2a: {  	p0 =	seq.s32 s5, $0x0;
	s5 =	sld [smem:$0x3FB3]  }
0x2b: {  	s6 =	sld [smem:$0x3FB4]  }
0x2c: {  	s7 =	sld [smem:$0x3FB5]  }
0x2d: {  	s3 =	simm.s32 $0x108;
	s8 =	sld [smem:$0x3FB6]  }
0x2e: {  	s3 =	simm.s32 @!p0 $0x1082;
	s9 =	sld [smem:$0x3FB7]  }
0x2f: {  	lr =	sadd.s32 s0, s3;
	s0 =	sld [smem:$0x3FAE]  }
0x30: {  	s3 =	sld [smem:$0x3FB1]  }
0x31: {  	[smem:$0x3FBA] =	sst s10  }
0x32: {  	s10 =	sld [smem:$0x3FB8];
	_ =	sdelay $0x3  }
0x33: {  	p0 =	seq.s32 s10, $0x1;
	s10 =	sld [smem:$0x3FBA];
	_ =	sdelay $0x3  }
0x34: {  	[smem:$0x3FBA] =	sst s10  }
0x35: {  	s10 =	sld [smem:$0x3FB9];
	_ =	sdelay $0x3  }
0x36: {  	p1 =	seq.s32 s10, $0x1;
	s10 =	sld [smem:$0x3FBA];
	_ =	sdelay $0x3  }
0x37: {  	[smem:$0x3FBA] =	sst s10  }
0x38: {  	s10 =	sld [smem:$0x3FBB]  }
0x39: {  	_ = 	snop;
	(pc) =	sbr.ind lr, $3  }
0x3a: {  	_ = 	snop  }
0x3b: {  	_ = 	snop  }
0x3c: {  	p2 =	seq.s32 s10, $0x1;
	s10 =	sld [smem:$0x3FBA]  }
0x3d: {  	_ =	shalt  }
0x3e: {  	_ =	shalt  }
0x3f: {  	_ =	shalt  }
0x40: {  	_ =	shalt  }
0x41: {  	_ =	shalt  }
0x42: {  	_ =	shalt  }
0x43: {  	_ =	shalt  }
0x44: {  	_ =	shalt  }
0x45: {  	_ =	shalt  }
0x46: {  	_ =	shalt  }
0x47: {  	_ =	shalt  }
0x48: {  	_ =	shalt  }
0x49: {  	_ =	shalt  }
0x4a: {  	_ =	shalt  }
0x4b: {  	_ =	shalt  }
0x4c: {  	_ =	shalt  }
0x4d: {  	_ =	shalt  }
0x4e: {  	_ =	shalt  }
0x4f: {  	_ =	shalt  }
0x50: {  	_ =	shalt  }
0x51: {  	_ =	shalt  }
0x52: {  	_ =	shalt  }
0x53: {  	_ =	shalt  }
0x54: {  	_ =	shalt  }
0x55: {  	_ =	shalt  }
0x56: {  	_ =	shalt  }
0x57: {  	_ =	shalt  }
0x58: {  	_ =	shalt  }
0x59: {  	_ =	shalt  }
0x5a: {  	_ =	shalt  }
0x5b: {  	_ =	shalt  }
0x5c: {  	_ =	shalt  }
0x5d: {  	_ =	shalt  }
0x5e: {  	_ =	shalt  }
0x5f: {  	_ =	shalt  }
0x60: {  	_ =	shalt  }
0x61: {  	_ =	shalt  }
0x62: {  	_ =	shalt  }
0x63: {  	_ =	shalt  }
0x64: {  	_ =	shalt  }
0x65: {  	_ =	shalt  }
0x66: {  	_ =	shalt  }
0x67: {  	_ =	shalt  }
0x68: {  	_ =	shalt  }
0x69: {  	_ =	shalt  }
0x6a: {  	_ =	shalt  }
0x6b: {  	_ =	shalt  }
0x6c: {  	_ =	shalt  }
0x6d: {  	_ =	shalt  }
0x6e: {  	_ =	shalt  }
0x6f: {  	_ =	shalt  }
0x70: {  	_ =	shalt  }
0x71: {  	_ =	shalt  }
0x72: {  	_ =	shalt  }
0x73: {  	_ =	shalt  }
0x74: {  	_ =	shalt  }
0x75: {  	_ =	shalt  }
0x76: {  	_ =	shalt  }
0x77: {  	_ =	shalt  }
0x78: {  	_ =	shalt  }
0x79: {  	_ =	shalt  }
0x7a: {  	_ =	shalt  }
0x7b: {  	_ =	shalt  }
0x7c: {  	_ =	shalt  }
0x7d: {  	_ =	shalt  }
0x7e: {  	_ =	shalt  }
0x7f: {  	_ =	shalt  }
0x80: {  	_ =	shalt  }
0x81: {  	_ =	shalt  }
0x82: {  	_ =	shalt  }
0x83: {  	_ =	shalt  }
0x84: {  	_ =	shalt  }
0x85: {  	_ =	shalt  }
0x86: {  	_ =	shalt  }
0x87: {  	_ =	shalt  }
.Lfunc_end0:
.L_simem_size_0:
called_computation_lowered:
.L_overlay_start_0:
0x88: {  	s2 =	sld [smem:$0x3FD9]  }
0x89: {  	s3 =	sld [smem:$0x3FFE];
	_ =	sdelay $0x1  }
0x8a: {  	s1 =	srdreg.scid  }
0x8b: {  	s0 =	sand.u32 $0x1, s1  }
0x8c: {  	s17 =	sshll.u32 s0, $0xA;
	s2 =	sadd.s32 s3, s2  }
0x8d: {  	s2 =	sadd.s32 s2, s17  }
0x8e: {  	[smem:$0x3FC6] =	sst s2  }
0x8f: {  	_ = 	snop  }
0x90: {  	s2 =	sld [smem:$0x3FD0];
	(tm) =	ssettm $0x1  }
0x91: {  	s18 =	sld [smem:$0x3FFB];
	_ =	sdelay $0x3  }
0x92: {  	_ =	strace s18  }
0x93: {  	s3 =	sld [smem:$0x3FFC];
	_ =	sdelay $0x3  }
0x94: {  	_ =	strace s3  }
0x95: {  	s3 =	sld [smem:$0x3FFD];
	_ =	sdelay $0x3  }
0x96: {  	_ =	strace s3  }
0x97: {  	_ =	strace $0x8FFFFFFF  }
0x98: {  	s19 =	sld [smem:$0x3FDB];
	_ =	sdelay $0x1  }
0x99: {  	s4 =	simm.s32 $_scs_section_size  }
0x9a: {  	s5 =	simm.s32 $_size__tile_overlayer_lowered;
	s6 =	simm.s32 $_tile_overlayer_lowered  }
0x9b: {  	s22 =	simm.s32 $0x1BFF;
	s21 =	sshll.u32 s6, $0x1;
	s3 =	sadd.s32 s4, s19  }
0x9c: {  	s7 =	simm.s32 $0x0;
	s20 =	sshll.u32 s5, $0x1;
	s5 =	sadd.s32 s21, s3  }
0x9d: {  	[timem:s7], [sflag:s22] =	dma.local [hbm:s5], s20  }
0x9e: {  	_ =	swait.ge [sflag:s22], s20  }
0x9f: {  	s4 =	ssub.s32 $0x0, s20;
	[sflag:s22] =	ssyncset.done $0x0  }
0xa0: {  	[sflag:s22] =	ssyncadd.s32 s4;
	_ =	sdelay $0x1  }
0xa1: {  	s23 =	simm.s32 $0x1B8B  }
0xa2: {  	_ =	swait.ge [sflag:s23], $0x1  }
0xa3: {  	[sflag:s23] =	ssyncset.done $0x0  }
0xa4: {  	s25 =	simm.s32 $0x1B8E;
	s24 =	sld [smem:$0x3FFE];
	[sflag:s23] =	ssyncadd.s32 $0xFFFFFFFF  }
0xa5: {  	s26 =	simm.s32 $execute0_lowered;
	[smem:$0x3FD2] =	sst s25  }
0xa6: {  	s5 =	sshll.u32 s26, $0x1;
	_ =	strace $0x80000046;
	[dreg:$0x1] =	wrdreg $0xFFFFFFFF  }
0xa7: {  	s28 =	simm.s32 $_size_execute0_lowered;
	s3 =	sadd.s32 s3, s5;
	[dreg:$0x0] =	wrdreg $0x0  }
0xa8: {  	s5 =	sshll.u32 s28, $0x1;
	[dreg:$0x2] =	wrdreg s3  }
0xa9: {  	[dreg:$0x3] =	wrdreg s5  }
0xaa: {  	[dreg:$0x4] =	wrdreg $0xC0  }
0xab: {  	_ =	task [dreg:s7], $0x5FFFF  }
0xac: {  	[dreg:$0x1] =	wrdreg $0xFFFFFFFF  }
0xad: {  	[dreg:$0x0] =	wrdreg $0x60  }
0xae: {  	[dreg:$0x2] =	wrdreg s24  }
0xaf: {  	[dreg:$0x3] =	wrdreg s2  }
0xb0: {  	[dreg:$0x4] =	wrdreg $0x9  }
0xb1: {  	_ =	task.clear_ibuf [dreg:s7], $0x5FFFF;
	_ =	strace $0x90000046  }
0xb2: {  	s29 =	simm.s32 $0x9;
	_ =	strace $0x80000048  }
0xb3: {  	_ =	swait.ge [sflag:s29], $0x1  }
0xb4: {  	[sflag:s29] =	ssyncadd.s32 $0xFFFFFFFF  }
0xb5: {  	_ =	strace $0x90000048  }
0xb6: {  	_ =	sfence  }
0xb7: {  	s30 =	sld [smem:$0x0];
	_ =	sdelay $0x2  }
0xb8: {  	s31 =	sshll.u32 s1, $0xD;
	s1 =	sshrl.u32 s1, $0x2  }
0xb9: {  	s3 =	sand.u32 $0x4000, s31;
	s1 =	sadd.s32 s1, s30  }
0xba: {  	s0 =	sor.u32 s3, s0;
	s1 =	sshll.u32 s1, $0x11  }
0xbb: {  	s0 =	sor.u32 s1, s0  }
0xbc: {  	s0 =	sadd.s32 $0x8F2B, s0  }
0xbd: {  	[sflag:s0] =	ssyncadd.remote.s32 $0x1  }
0xbe: {  	_ =	sfence.sel $0xFFFF  }
0xbf: {  	[dreg:$0x0] =	wrdreg $0xFFFFFFFF;
	(pc) =	sbr.abs _section_cstart, $3  }
0xc0: {  	[dreg:$0x1] =	wrdreg $0xFFFFFFFF  }
0xc1: {  	_ =	task.clear_ibuf [dreg:s7], $0x2FFFF;
	_ =	strace $0x9FFFFFFF  }
0xc2: {  	(tm) =	ssettm $0x7FFFFFFF  }
0xc3: {  	_ =	shalt  }
tec
execute0_lowered:
.L_overlay_start_1:
0x0: {  	(tag) =	ssettag $0x1  }
0x1: {  	s0 =	rddreg [dreg:$0x0]  }
0x2: {  	s1 =	rddreg [dreg:$0x1];
	s2 =	simm.s32 $0x0  }
0x3: {  	s3 =	srdreg.scid;
	s8 =	stileid.u32;
	s9 =	simm.s32 $0x80  }
0x4: {  	s10 =	simm.s32 $0x1900;
	s11 =	simm.s32 $0x3200;
	s12 =	simm.s32 $0x4200  }
0x5: {  	s13 =	simm.s32 $0x1;
	s14 =	simm.s32 $0x5200;
	s15 =	simm.s32 $0x5600  }
0x6: {  	s16 =	simm.s32 $0x5A00;
	s17 =	simm.s32 $0x5E00;
	s18 =	simm.s32 $0x2  }
0x7: {  	s19 =	simm.s32 $0x6200;
	s20 =	simm.s32 $0x6600;
	s21 =	simm.s32 $0x6A00  }
0x8: {  	v8 =	vlaneseq.u32;
	s22 =	simm.s32 $0x6E00;
	s23 =	simm.s32 $0x3;
	s3 =	sand.u32 $0x1, s3  }
0x9: {  	s24 =	simm.s32 $0x4;
	s25 =	simm.s32 $0x0;
	v0 =	vmul.u32 $0x32, v8;
	s5 =	ssub.s32 $0x2, s3  }
0xa: {  	[smem:$0x7FF] =	sst s2;
	s4 =	sadd.s32 $0x600, s0;
	s6 =	sshrl.u32 s5, $0x1  }
0xb: {  	s30 =	sshll.u32 s8, $0x3;
	s8 =	simm.s32 $0x5;
	v8 =	vmul.u32 $0x20, v8;
	v1 =	vadd.s32 $0x320, v0;
	s7 =	ssub.s32 s5, s6  }
0xc: {  	_ =	strace $0x80000047;
	s3 =	sshll.u32 s3, $0x2;
	v2 =	vadd.s32 $0x640, v0;
	v3 =	vadd.s32 $0x960, v0;
	v4 =	vadd.s32 $0xC80, v0;
	s31 =	smax.u32 s7, $0x1  }
0xd: {  	v5 =	vadd.s32 $0xFA0, v0;
	v6 =	vadd.s32 $0x12C0, v0;
	v7 =	vadd.s32 $0x15E0, v0;
	s5 =	sadd.s32 $0xF42A00, s0;
	s6 =	sor.u32 s3, s30;
	[dreg:$0x3] =	wrdreg s31  }
.LBB2_1:
0xe: {  	s26 =	simm.s32 $0x0  }
.LBB2_2:
0xf: {  	s0 =	sadd.s32 s6, s26  }
0x10: {  	s3 =	smul.u32 $0x320, s0  }
0x11: {  	s28 =	simm.s32 $0x0  }
0x12: {  	v9 =	vadd.s32 s28, v0;
	s3 =	sadd.s32 s4, s3  }
0x13: {  	[tilespmem:s28], [sflag:$0x5] =	stream.linear.gather [hbm4b:s3+s28], $0x1900, $0x38;
	[tilespmem:$0x7200] =	vst v63  }
0x14: {  	_ =	swait.ge [sflag:s8], $0x1900  }
0x15: {  	[sflag:s8] =	ssyncset.done $0x0  }
0x16: {  	[sflag:s8] =	ssyncadd.s32 $0xFFFFE700  }
0x17: {  	v9 =	vld.idx.msk [tilespmem:v9+s2+$0x0], $0xffff  }
0x18: {  	v10 =	vadd.s32 s28, v1;
	_ =	sdelay $0x2  }
0x19: {  	s3 =	simm.s32 $0x1940  }
0x1a: {  	[tilespmem:s3+$0xFFFFFFC0] =	vst v9  }
0x1b: {  	v9 =	vld.idx.msk [tilespmem:v10+s2+$0x0], $0xffff  }
0x1c: {  	v10 =	vadd.s32 s28, v2;
	_ =	sdelay $0x3  }
0x1d: {  	[tilespmem:s3+$0xFFFFFFD0] =	vst v9  }
0x1e: {  	v9 =	vld.idx.msk [tilespmem:v10+s2+$0x0], $0xffff  }
0x1f: {  	v10 =	vadd.s32 s28, v3;
	_ =	sdelay $0x3  }
0x20: {  	[tilespmem:s3+$0xFFFFFFE0] =	vst v9  }
0x21: {  	v9 =	vld.idx.msk [tilespmem:v10+s2+$0x0], $0xffff  }
0x22: {  	v10 =	vadd.s32 s28, v4;
	_ =	sdelay $0x3  }
0x23: {  	[tilespmem:s3+$0xFFFFFFF0] =	vst v9  }
0x24: {  	v9 =	vld.idx.msk [tilespmem:v10+s2+$0x0], $0xffff  }
0x25: {  	v10 =	vadd.s32 s28, v5;
	_ =	sdelay $0x3  }
0x26: {  	[tilespmem:s3+$0x0] =	vst v9  }
0x27: {  	v9 =	vld.idx.msk [tilespmem:v10+s2+$0x0], $0xffff  }
0x28: {  	v10 =	vadd.s32 s28, v6;
	_ =	sdelay $0x3  }
0x29: {  	[tilespmem:s3+$0x10] =	vst v9  }
0x2a: {  	v9 =	vld.idx.msk [tilespmem:v10+s2+$0x0], $0xffff  }
0x2b: {  	v10 =	vadd.s32 s28, v7;
	_ =	sdelay $0x3  }
0x2c: {  	[tilespmem:s3+$0x20] =	vst v9  }
0x2d: {  	s28 =	simm.s32 $0x1;
	v9 =	vld.idx.msk [tilespmem:v10+s2+$0x0], $0xffff  }
0x2e: {  	s29 =	simm.s32 $0x2;
	v10 =	vadd.s32 s28, v0  }
.LBB2_3:
0x2f: {  	p0 =	sne.s32 s29, $0x31;
	_ =	sdelay $0x2  }
0x30: {  	[tilespmem:s3+$0x30] =	vst v9  }
0x31: {  	v9 =	vld.idx.msk [tilespmem:v10+s2+$0x0], $0xffff;
	_ =	sdelay $0x1  }
0x32: {  	v10 =	vadd.s32 s28, v1;
	_ =	sdelay $0x2  }
0x33: {  	s3 =	sadd.s32 $0x80, s3  }
0x34: {  	[tilespmem:s3+$0xFFFFFFC0] =	vst v9  }
0x35: {  	v9 =	vld.idx.msk [tilespmem:v10+s2+$0x0], $0xffff;
	_ =	sdelay $0x1  }
0x36: {  	v10 =	vadd.s32 s28, v2;
	_ =	sdelay $0x3  }
0x37: {  	[tilespmem:s3+$0xFFFFFFD0] =	vst v9  }
0x38: {  	v9 =	vld.idx.msk [tilespmem:v10+s2+$0x0], $0xffff;
	_ =	sdelay $0x1  }
0x39: {  	v10 =	vadd.s32 s28, v3;
	_ =	sdelay $0x3  }
0x3a: {  	[tilespmem:s3+$0xFFFFFFE0] =	vst v9  }
0x3b: {  	v9 =	vld.idx.msk [tilespmem:v10+s2+$0x0], $0xffff;
	_ =	sdelay $0x1  }
0x3c: {  	v10 =	vadd.s32 s28, v4;
	_ =	sdelay $0x3  }
0x3d: {  	[tilespmem:s3+$0xFFFFFFF0] =	vst v9  }
0x3e: {  	v9 =	vld.idx.msk [tilespmem:v10+s2+$0x0], $0xffff;
	_ =	sdelay $0x1  }
0x3f: {  	v10 =	vadd.s32 s28, v5;
	_ =	sdelay $0x3  }
0x40: {  	[tilespmem:s3+$0x0] =	vst v9  }
0x41: {  	v9 =	vld.idx.msk [tilespmem:v10+s2+$0x0], $0xffff;
	_ =	sdelay $0x1  }
0x42: {  	v10 =	vadd.s32 s28, v6;
	_ =	sdelay $0x3  }
0x43: {  	[tilespmem:s3+$0x10] =	vst v9  }
0x44: {  	v9 =	vld.idx.msk [tilespmem:v10+s2+$0x0], $0xffff;
	_ =	sdelay $0x1  }
0x45: {  	v10 =	vadd.s32 s28, v7;
	s28 =	smov.u32 s29;
	_ =	sdelay $0x2  }
.Ltmp0:
0x46: {  	(pc) =	sbr.rel @p0 .LBB2_3-.Ltmp0, $3  }
0x47: {  	[tilespmem:s3+$0x20] =	vst v9  }
0x48: {  	v9 =	vld.idx.msk [tilespmem:v10+s2+$0x0], $0xffff;
	_ =	sdelay $0x1  }
0x49: {  	s29 =	sadd.s32 $0x1, s29;
	v10 =	vadd.s32 s28, v0  }
0x4a: {  	_ =	sdelay $0x2  }
0x4b: {  	[tilespmem:s3+$0x30] =	vst v9  }
0x4c: {  	v9 =	vld.idx.msk [tilespmem:v10+s2+$0x0], $0xffff  }
0x4d: {  	v10 =	vadd.s32 s28, v1;
	_ =	sdelay $0x2  }
0x4e: {  	s31 =	sadd.s32 $0x80, s3  }
0x4f: {  	[tilespmem:s31+$0xFFFFFFC0] =	vst v9  }
0x50: {  	v9 =	vld.idx.msk [tilespmem:v10+s2+$0x0], $0xffff  }
0x51: {  	v10 =	vadd.s32 s28, v2;
	_ =	sdelay $0x3  }
0x52: {  	[tilespmem:s31+$0xFFFFFFD0] =	vst v9  }
0x53: {  	v9 =	vld.idx.msk [tilespmem:v10+s2+$0x0], $0xffff  }
0x54: {  	v10 =	vadd.s32 s28, v3;
	_ =	sdelay $0x3  }
0x55: {  	[tilespmem:s31+$0xFFFFFFE0] =	vst v9  }
0x56: {  	v9 =	vld.idx.msk [tilespmem:v10+s2+$0x0], $0xffff  }
0x57: {  	v10 =	vadd.s32 s28, v4;
	_ =	sdelay $0x3  }
0x58: {  	[tilespmem:s31+$0xFFFFFFF0] =	vst v9  }
0x59: {  	v9 =	vld.idx.msk [tilespmem:v10+s2+$0x0], $0xffff  }
0x5a: {  	v10 =	vadd.s32 s28, v5;
	_ =	sdelay $0x3  }
0x5b: {  	[tilespmem:s31+$0x0] =	vst v9  }
0x5c: {  	v9 =	vld.idx.msk [tilespmem:v10+s2+$0x0], $0xffff  }
0x5d: {  	v10 =	vadd.s32 s28, v6;
	_ =	sdelay $0x3  }
0x5e: {  	[tilespmem:s31+$0x10] =	vst v9  }
0x5f: {  	v9 =	vld.idx.msk [tilespmem:v10+s2+$0x0], $0xffff  }
0x60: {  	v10 =	vadd.s32 s28, v7;
	_ =	sdelay $0x3  }
0x61: {  	[tilespmem:s31+$0x20] =	vst v9  }
0x62: {  	v9 =	vld.idx.msk [tilespmem:v10+s2+$0x0], $0xffff;
	_ =	sdelay $0x4  }
0x63: {  	s29 =	simm.s32 $0x0;
	s30 =	simm.s32 $0x0;
	s28 =	sshll.u32 s0, $0xA;
	[tilespmem:s31+$0x30] =	vst v9  }
0x64: {  	[tilespmem:s11], [sflag:$0x1] =	stream.indirect.gather [hbm4b:s5+s9], $0x20, s10, s9, $0xb8;
	[tilespmem:$0x7200] =	vst v63  }
.LBB2_5:
0x65: {  	p0 =	seq.s32 s30, $0x0  }
0x66: {  	s0 =	simm.s32 @!p0 $0x4  }
0x67: {  	_ =	swait.ge @!p0 [sflag:s0], $0x400  }
0x68: {  	[sflag:s0] =	ssyncset.done @!p0 $0x0  }
0x69: {  	[sflag:s0] =	ssyncadd.s32 @!p0 $0xFFFFFC00  }
0x6a: {  	_ =	swait.ge @!p0 [sflag:s0], $0x400  }
0x6b: {  	[sflag:s0] =	ssyncset.done @!p0 $0x0  }
0x6c: {  	[sflag:s0] =	ssyncadd.s32 @!p0 $0xFFFFFC00  }
0x6d: {  	_ =	swait.ge @!p0 [sflag:s0], $0x400  }
0x6e: {  	[sflag:s0] =	ssyncset.done @!p0 $0x0  }
0x6f: {  	s31 =	sshllo.u32 s30, $0x1;
	[sflag:s0] =	ssyncadd.s32 @!p0 $0xFFFFFC00  }
0x70: {  	v9 =	vmov s29;
	s7 =	simm.s32 $0x10;
	s3 =	sshll.u32 s31, $0x7;
	_ =	swait.ge @!p0 [sflag:s0], $0x400  }
0x71: {  	v11 =	vmov s7;
	v9 =	vshll.u32 v9, $0x5;
	s3 =	sand.u32 $0x3FFFFF80, s3;
	[sflag:s0] =	ssyncset.done @!p0 $0x0  }
0x72: {  	v10 =	vor.u32 v8, v9;
	v9 =	vshll.u32 v11, $0x5;
	s3 =	sadd.s32 $0x1900, s3;
	[sflag:s0] =	ssyncadd.s32 @!p0 $0xFFFFFC00  }
0x73: {  	v11 =	vor.u32 v8, v9;
	[tilespmem:s12], [sflag:$0x2] =	stream.indirect.gather [hbm4b:s5+s9], $0x20, s3, s9, $0xb8;
	[tilespmem:$0x7200] =	vst v63  }
0x74: {  	v13 =	vor.u32 $0x1, v11;
	_ =	swait.ge [sflag:s13], $0x1000  }
0x75: {  	v14 =	vor.u32 $0x2, v11;
	[sflag:s13] =	ssyncset.done $0x0  }
0x76: {  	v15 =	vor.u32 $0x3, v11;
	[sflag:s13] =	ssyncadd.s32 $0xFFFFF000  }
0x77: {  	v16 =	vor.u32 $0x4, v11;
	v9 =	vld.idx.msk [tilespmem:v10+s11+$0x0], $0xffff  }
0x78: {  	v17 =	vor.u32 $0x5, v11;
	v12 =	vld.idx.msk [tilespmem:v11+s11+$0x0], $0xffff  }
0x79: {  	v18 =	vor.u32 $0x6, v11;
	v13 =	vld.idx.msk [tilespmem:v13+s11+$0x0], $0xffff  }
0x7a: {  	v19 =	vor.u32 $0x7, v11;
	v14 =	vld.idx.msk [tilespmem:v14+s11+$0x0], $0xffff  }
0x7b: {  	v20 =	vor.u32 $0x8, v11;
	v15 =	vld.idx.msk [tilespmem:v15+s11+$0x0], $0xffff  }
0x7c: {  	v21 =	vor.u32 $0x9, v11;
	v16 =	vld.idx.msk [tilespmem:v16+s11+$0x0], $0xffff  }
0x7d: {  	v22 =	vor.u32 $0xA, v11;
	v17 =	vld.idx.msk [tilespmem:v17+s11+$0x0], $0xffff  }
0x7e: {  	v23 =	vor.u32 $0xB, v11;
	v18 =	vld.idx.msk [tilespmem:v18+s11+$0x0], $0xffff  }
0x7f: {  	v24 =	vor.u32 $0xC, v11;
	v19 =	vld.idx.msk [tilespmem:v19+s11+$0x0], $0xffff  }
0x80: {  	v25 =	vor.u32 $0xD, v11;
	v20 =	vld.idx.msk [tilespmem:v20+s11+$0x0], $0xffff  }
0x81: {  	v26 =	vor.u32 $0xE, v11;
	v21 =	vld.idx.msk [tilespmem:v21+s11+$0x0], $0xffff  }
0x82: {  	v27 =	vor.u32 $0xF, v11;
	v22 =	vld.idx.msk [tilespmem:v22+s11+$0x0], $0xffff  }
0x83: {  	v28 =	vor.u32 $0x10, v11;
	v23 =	vld.idx.msk [tilespmem:v23+s11+$0x0], $0xffff  }
0x84: {  	v29 =	vor.u32 $0x11, v11;
	v24 =	vld.idx.msk [tilespmem:v24+s11+$0x0], $0xffff  }
0x85: {  	v30 =	vor.u32 $0x12, v11;
	v25 =	vld.idx.msk [tilespmem:v25+s11+$0x0], $0xffff  }
0x86: {  	v31 =	vor.u32 $0x13, v11;
	v26 =	vld.idx.msk [tilespmem:v26+s11+$0x0], $0xffff  }
0x87: {  	v32 =	vor.u32 $0x14, v11;
	v27 =	vld.idx.msk [tilespmem:v27+s11+$0x0], $0xffff  }
0x88: {  	v33 =	vor.u32 $0x15, v11;
	v28 =	vld.idx.msk [tilespmem:v28+s11+$0x0], $0xffff  }
0x89: {  	v34 =	vor.u32 $0x16, v11;
	v29 =	vld.idx.msk [tilespmem:v29+s11+$0x0], $0xffff  }
0x8a: {  	v51 =	vor.u32 $0x18, v11;
	v35 =	vld.idx.msk [tilespmem:v30+s11+$0x0], $0xffff  }
0x8b: {  	v52 =	vor.u32 $0x19, v11;
	v36 =	vld.idx.msk [tilespmem:v31+s11+$0x0], $0xffff  }
0x8c: {  	v30 =	vor.u32 $0x17, v11;
	v37 =	vld.idx.msk [tilespmem:v32+s11+$0x0], $0xffff  }
0x8d: {  	v53 =	vor.u32 $0x1A, v11;
	v38 =	vld.idx.msk [tilespmem:v33+s11+$0x0], $0xffff  }
0x8e: {  	v41 =	vor.u32 $0x1C, v11;
	v39 =	vld.idx.msk [tilespmem:v34+s11+$0x0], $0xffff  }
0x8f: {  	v54 =	vor.u32 $0x1D, v11;
	v43 =	vld.idx.msk [tilespmem:v51+s11+$0x0], $0xffff  }
0x90: {  	v31 =	vor.u32 $0x1F, v11;
	v44 =	vld.idx.msk [tilespmem:v52+s11+$0x0], $0xffff  }
0x91: {  	v40 =	vld.idx.msk [tilespmem:v30+s11+$0x0], $0xffff;
	v30 =	vor.u32 $0x1B, v11  }
0x92: {  	v45 =	vld.idx.msk [tilespmem:v53+s11+$0x0], $0xffff;
	v11 =	vor.u32 $0x1E, v11  }
0x93: {  	v55 =	vor.u32 $0x1, v10;
	v41 =	vld.idx.msk [tilespmem:v41+s11+$0x0], $0xffff  }
0x94: {  	v42 =	vor.u32 $0x4, v10;
	v47 =	vld.idx.msk [tilespmem:v54+s11+$0x0], $0xffff  }
0x95: {  	v57 =	vor.u32 $0x5, v10;
	v31 =	vld.idx.msk [tilespmem:v31+s11+$0x0], $0xffff  }
0x96: {  	v58 =	vor.u32 $0x7, v10;
	s0 =	simm.s32 $0x5A00;
	v13 =	vmax.f32 v13, $0.0e+00;
	v46 =	vld.idx.msk [tilespmem:v30+s11+$0x0], $0xffff  }
0x97: {  	v56 =	vor.u32 $0x2, v10;
	v14 =	vmax.f32 v14, $0.0e+00;
	v11 =	vld.idx.msk [tilespmem:v11+s11+$0x0], $0xffff;
	[tilespmem:s0+$0xFFFFF890] =	vst v13  }
0x98: {  	v48 =	vld.idx.msk [tilespmem:v55+s11+$0x0], $0xffff;
	v15 =	vmax.f32 v15, $0.0e+00;
	v30 =	vor.u32 $0x3, v10;
	[tilespmem:s0+$0xFFFFF910] =	vst v14  }
0x99: {  	v50 =	vld.idx.msk [tilespmem:v42+s11+$0x0], $0xffff;
	v16 =	vmax.f32 v16, $0.0e+00;
	v14 =	vor.u32 $0x8, v10;
	[tilespmem:s0+$0xFFFFF990] =	vst v15  }
0x9a: {  	v51 =	vld.idx.msk [tilespmem:v57+s11+$0x0], $0xffff;
	v17 =	vmax.f32 v17, $0.0e+00;
	v15 =	vor.u32 $0x9, v10;
	[tilespmem:s0+$0xFFFFFA10] =	vst v16  }
0x9b: {  	v53 =	vld.idx.msk [tilespmem:v58+s11+$0x0], $0xffff;
	v18 =	vmax.f32 v18, $0.0e+00;
	v16 =	vor.u32 $0xA, v10;
	[tilespmem:s0+$0xFFFFFA90] =	vst v17  }
0x9c: {  	v19 =	vmax.f32 v19, $0.0e+00;
	v13 =	vld.idx.msk [tilespmem:v56+s11+$0x0], $0xffff;
	v17 =	vor.u32 $0xB, v10;
	[tilespmem:s0+$0xFFFFFB10] =	vst v18  }
0x9d: {  	v31 =	vmax.f32 v31, $0.0e+00;
	v18 =	vor.u32 $0xC, v10;
	[tilespmem:s0+$0xFFFFFB90] =	vst v19;
	v49 =	vld.idx.msk [tilespmem:v30+s11+$0x0], $0xffff  }
0x9e: {  	v20 =	vmax.f32 v20, $0.0e+00;
	[tilespmem:s0+$0x790] =	vst v31;
	v31 =	vor.u32 $0x6, v10;
	v54 =	vld.idx.msk [tilespmem:v14+s11+$0x0], $0xffff  }
0x9f: {  	[tilespmem:s0+$0xFFFFFC10] =	vst v20;
	v20 =	vmax.f32 v22, $0.0e+00;
	v14 =	vor.u32 $0xD, v10;
	v55 =	vld.idx.msk [tilespmem:v15+s11+$0x0], $0xffff  }
0xa0: {  	[tilespmem:s0+$0xFFFFFD10] =	vst v20;
	v20 =	vmax.f32 v24, $0.0e+00;
	v15 =	vor.u32 $0xE, v10;
	v56 =	vld.idx.msk [tilespmem:v16+s11+$0x0], $0xffff  }
0xa1: {  	[tilespmem:s0+$0xFFFFFE10] =	vst v20;
	v20 =	vmax.f32 v26, $0.0e+00;
	v16 =	vor.u32 $0xF, v10;
	v57 =	vld.idx.msk [tilespmem:v17+s11+$0x0], $0xffff  }
0xa2: {  	[tilespmem:s0+$0xFFFFFF10] =	vst v20;
	v20 =	vmax.f32 v28, $0.0e+00;
	v17 =	vor.u32 $0x10, v10;
	v58 =	vld.idx.msk [tilespmem:v18+s11+$0x0], $0xffff  }
0xa3: {  	[tilespmem:s0+$0x10] =	vst v20;
	v20 =	vmax.f32 v35, $0.0e+00;
	v18 =	vor.u32 $0x11, v10;
	v52 =	vld.idx.msk [tilespmem:v31+s11+$0x0], $0xffff  }
0xa4: {  	[tilespmem:s0+$0x110] =	vst v20;
	v20 =	vmax.f32 v37, $0.0e+00;
	v30 =	vld.idx.msk [tilespmem:v14+s11+$0x0], $0xffff;
	v14 =	vor.u32 $0x12, v10  }
0xa5: {  	v19 =	vmax.f32 v21, $0.0e+00;
	[tilespmem:s0+$0x210] =	vst v20;
	v20 =	vor.u32 $0x1A, v10;
	v31 =	vld.idx.msk [tilespmem:v15+s11+$0x0], $0xffff  }
0xa6: {  	v21 =	vmax.f32 v40, $0.0e+00;
	[tilespmem:s0+$0xFFFFFC90] =	vst v19;
	v32 =	vld.idx.msk [tilespmem:v16+s11+$0x0], $0xffff;
	v16 =	vor.u32 $0x14, v10  }
0xa7: {  	v19 =	vmax.f32 v23, $0.0e+00;
	[tilespmem:s0+$0x390] =	vst v21;
	v15 =	vor.u32 $0x13, v10;
	v33 =	vld.idx.msk [tilespmem:v17+s11+$0x0], $0xffff  }
0xa8: {  	v21 =	vmax.f32 v44, $0.0e+00;
	[tilespmem:s0+$0xFFFFFD90] =	vst v19;
	v17 =	vor.u32 $0x15, v10;
	v34 =	vld.idx.msk [tilespmem:v18+s11+$0x0], $0xffff  }
0xa9: {  	v19 =	vmax.f32 v25, $0.0e+00;
	[tilespmem:s0+$0x490] =	vst v21;
	v35 =	vld.idx.msk [tilespmem:v14+s11+$0x0], $0xffff;
	v14 =	vor.u32 $0x17, v10  }
0xaa: {  	[tilespmem:s0+$0xFFFFFE90] =	vst v19;
	v19 =	vmax.f32 v27, $0.0e+00;
	v18 =	vor.u32 $0x16, v10;
	v21 =	vld.idx.msk [tilespmem:v20+s11+$0x0], $0xffff  }
0xab: {  	[tilespmem:s0+$0xFFFFFF90] =	vst v19;
	v19 =	vmax.f32 v29, $0.0e+00;
	v26 =	vld.idx.msk [tilespmem:v16+s11+$0x0], $0xffff;
	v16 =	vor.u32 $0x19, v10  }
0xac: {  	v27 =	vor.u32 $0x1D, v10;
	[tilespmem:s0+$0x90] =	vst v19;
	v19 =	vmax.f32 v36, $0.0e+00;
	v42 =	vld.idx.msk [tilespmem:v15+s11+$0x0], $0xffff  }
0xad: {  	[tilespmem:s0+$0x190] =	vst v19;
	v19 =	vmax.f32 v38, $0.0e+00;
	v15 =	vor.u32 $0x18, v10;
	v25 =	vld.idx.msk [tilespmem:v17+s11+$0x0], $0xffff  }
0xae: {  	[tilespmem:s0+$0x290] =	vst v19;
	v17 =	vmax.f32 v39, $0.0e+00;
	v19 =	vld.idx.msk [tilespmem:v14+s11+$0x0], $0xffff;
	v14 =	vor.u32 $0x1C, v10  }
0xaf: {  	s7 =	simm.s32 $0x20;
	v59 =	vmax.f32 v47, $0.0e+00;
	v22 =	vld.idx.msk [tilespmem:v18+s11+$0x0], $0xffff;
	v18 =	vor.u32 $0x1B, v10;
	[tilespmem:s0+$0x310] =	vst v17;
	v17 =	vmax.f32 v43, $0.0e+00  }
0xb0: {  	v24 =	vmov s7;
	s7 =	simm.s32 $0x30;
	v20 =	vmax.f32 v46, $0.0e+00;
	[tilespmem:s0+$0x410] =	vst v17;
	v17 =	vld.idx.msk [tilespmem:v16+s11+$0x0], $0xffff;
	v16 =	vor.u32 $0x1E, v10  }
0xb1: {  	v28 =	vor.u32 $0x1F, v10;
	v29 =	vmov s7;
	[tilespmem:s0+$0x590] =	vst v20;
	v20 =	vld.idx.msk [tilespmem:v27+s11+$0x0], $0xffff;
	v10 =	vshll.u32 v24, $0x5  }
0xb2: {  	[tilespmem:s0+$0x690] =	vst v59;
	v23 =	vmax.f32 v45, $0.0e+00;
	v29 =	vshll.u32 v29, $0x5;
	v15 =	vld.idx.msk [tilespmem:v15+s11+$0x0], $0xffff;
	v10 =	vor.u32 v8, v10  }
0xb3: {  	[tilespmem:s0+$0x510] =	vst v23;
	v11 =	vmax.f32 v11, $0.0e+00;
	v23 =	vld.idx.msk [tilespmem:v14+s11+$0x0], $0xffff;
	v14 =	vor.u32 v8, v29  }
0xb4: {  	[tilespmem:s0+$0x710] =	vst v11;
	v24 =	vld.idx.msk [tilespmem:v18+s11+$0x0], $0xffff;
	v18 =	vmax.f32 v41, $0.0e+00;
	v27 =	vor.u32 $0x1, v14  }
0xb5: {  	v60 =	vmax.f32 v48, $0.0e+00;
	[tilespmem:s0+$0x610] =	vst v18;
	v18 =	vld.idx.msk [tilespmem:v16+s11+$0x0], $0xffff;
	v29 =	vor.u32 $0x2, v14  }
0xb6: {  	v13 =	vmax.f32 v13, $0.0e+00;
	v16 =	vld.idx.msk [tilespmem:v28+s11+$0x0], $0xffff;
	[tilespmem:s0+$0xFFFFF880] =	vst v60;
	v28 =	vor.u32 $0x3, v14  }
0xb7: {  	v62 =	vmax.f32 v49, $0.0e+00;
	[tilespmem:s0+$0xFFFFF900] =	vst v13;
	v11 =	vld.idx.msk [tilespmem:v10+s11+$0x0], $0xffff;
	v61 =	vor.u32 $0x4, v14  }
0xb8: {  	v48 =	vmax.f32 v50, $0.0e+00;
	[tilespmem:s0+$0xFFFFF980] =	vst v62;
	v63 =	vor.u32 $0x5, v14;
	v13 =	vld.idx.msk [tilespmem:v14+s11+$0x0], $0xffff  }
0xb9: {  	v50 =	vmax.f32 v51, $0.0e+00;
	[tilespmem:s0+$0xFFFFFA00] =	vst v48;
	v49 =	vor.u32 $0x6, v14;
	v27 =	vld.idx.msk [tilespmem:v27+s11+$0x0], $0xffff  }
0xba: {  	v52 =	vmax.f32 v52, $0.0e+00;
	[tilespmem:s0+$0xFFFFFA80] =	vst v50;
	v51 =	vor.u32 $0x7, v14;
	v29 =	vld.idx.msk [tilespmem:v29+s11+$0x0], $0xffff  }
0xbb: {  	v59 =	vmax.f32 v54, $0.0e+00;
	[tilespmem:s0+$0xFFFFFB00] =	vst v52;
	v43 =	vor.u32 $0x8, v14;
	v40 =	vld.idx.msk [tilespmem:v28+s11+$0x0], $0xffff  }
0xbc: {  	[tilespmem:s0+$0xFFFFFC00] =	vst v59;
	v62 =	vmax.f32 v56, $0.0e+00;
	v41 =	vor.u32 $0x9, v14;
	v36 =	vld.idx.msk [tilespmem:v61+s11+$0x0], $0xffff  }
0xbd: {  	v12 =	vmax.f32 v12, $0.0e+00;
	v52 =	vmax.f32 v57, $0.0e+00;
	v60 =	vor.u32 $0xA, v14;
	[tilespmem:s0+$0xFFFFFD00] =	vst v62;
	v38 =	vld.idx.msk [tilespmem:v63+s11+$0x0], $0xffff  }
0xbe: {  	v42 =	vmax.f32 v42, $0.0e+00;
	v57 =	vmax.f32 v30, $0.0e+00;
	[tilespmem:s0+$0xFFFFFD80] =	vst v52;
	v44 =	vld.idx.msk [tilespmem:v49+s11+$0x0], $0xffff;
	v61 =	vor.u32 $0xB, v14  }
0xbf: {  	v59 =	vmax.f32 v31, $0.0e+00;
	v54 =	vor.u32 $0xD, v14;
	[tilespmem:s0+$0xFFFFFE80] =	vst v57;
	v39 =	vld.idx.msk [tilespmem:v51+s11+$0x0], $0xffff;
	v63 =	vor.u32 $0xC, v14  }
0xc0: {  	v56 =	vor.u32 $0xE, v14;
	[tilespmem:s0+$0xFFFFFF00] =	vst v59;
	v45 =	vor.u32 $0x12, v14;
	v28 =	vmax.f32 v53, $0.0e+00;
	v53 =	vld.idx.msk [tilespmem:v43+s11+$0x0], $0xffff  }
0xc1: {  	v62 =	vmax.f32 v34, $0.0e+00;
	v46 =	vor.u32 $0x13, v14;
	v41 =	vld.idx.msk [tilespmem:v41+s11+$0x0], $0xffff;
	[tilespmem:s0+$0xFFFFFB80] =	vst v28;
	v28 =	vmax.f32 v55, $0.0e+00  }
0xc2: {  	[tilespmem:s0+$0x80] =	vst v62;
	v55 =	vmax.f32 v58, $0.0e+00;
	v58 =	vor.u32 $0xF, v14;
	v30 =	vmax.f32 v36, $0.0e+00;
	v36 =	vld.idx.msk [tilespmem:v60+s11+$0x0], $0xffff  }
0xc3: {  	v47 =	vor.u32 $0x14, v14;
	v43 =	vor.u32 $0x10, v14;
	[tilespmem:s0+$0xFFFFFC80] =	vst v28;
	v31 =	vmax.f32 v38, $0.0e+00;
	v37 =	vld.idx.msk [tilespmem:v61+s11+$0x0], $0xffff  }
0xc4: {  	[tilespmem:s0+$0xFFFFFE00] =	vst v55;
	v60 =	vmax.f32 v32, $0.0e+00;
	v32 =	vmax.f32 v44, $0.0e+00;
	v38 =	vld.idx.msk [tilespmem:v63+s11+$0x0], $0xffff;
	v44 =	vor.u32 $0x11, v14  }
0xc5: {  	v13 =	vmax.f32 v13, $0.0e+00;
	v61 =	vmax.f32 v33, $0.0e+00;
	v33 =	vmax.f32 v39, $0.0e+00;
	v39 =	vld.idx.msk [tilespmem:v54+s11+$0x0], $0xffff;
	[tilespmem:s0+$0xFFFFFF80] =	vst v60  }
0xc6: {  	v28 =	vmax.f32 v29, $0.0e+00;
	v29 =	vmax.f32 v40, $0.0e+00;
	v40 =	vld.idx.msk [tilespmem:v56+s11+$0x0], $0xffff;
	v63 =	vmax.f32 v35, $0.0e+00;
	[tilespmem:s0+$0x0] =	vst v61  }
0xc7: {  	s3 =	simm.s32 $0x40;
	v27 =	vmax.f32 v27, $0.0e+00;
	v34 =	vmax.f32 v53, $0.0e+00;
	v35 =	vmax.f32 v41, $0.0e+00;
	v41 =	vld.idx.msk [tilespmem:v58+s11+$0x0], $0xffff;
	[tilespmem:s0+$0x100] =	vst v63  }
.LBB2_6:
0xc8: {  	p0 =	slt.u32 s3, $0x60;
	v36 =	vmax.f32 v36, $0.0e+00;
	v43 =	vld.idx.msk [tilespmem:v43+s11+$0x0], $0xffff;
	v48 =	vor.u32 $0x15, v14;
	v49 =	vmax.f32 v26, $0.0e+00;
	[tilespmem:s0+$0x180] =	vst v42  }
0xc9: {  	v26 =	vmax.f32 v37, $0.0e+00;
	v42 =	vor.u32 $0x16, v14;
	v37 =	vld.idx.msk [tilespmem:v44+s11+$0x0], $0xffff;
	v44 =	vmax.f32 v25, $0.0e+00;
	[tilespmem:s0+$0x200] =	vst v49  }
0xca: {  	v25 =	vmax.f32 v38, $0.0e+00;
	v49 =	vmax.f32 v22, $0.0e+00;
	v38 =	vld.idx.msk [tilespmem:v45+s11+$0x0], $0xffff;
	v45 =	vor.u32 $0x17, v14;
	[tilespmem:s0+$0x280] =	vst v44  }
0xcb: {  	v22 =	vmax.f32 v39, $0.0e+00;
	v44 =	vor.u32 $0x1F, v14;
	v39 =	vld.idx.msk [tilespmem:v46+s11+$0x0], $0xffff;
	v46 =	vmax.f32 v19, $0.0e+00;
	[tilespmem:s0+$0x300] =	vst v49  }
0xcc: {  	v19 =	vmax.f32 v40, $0.0e+00;
	v49 =	vmax.f32 v15, $0.0e+00;
	v40 =	vld.idx.msk [tilespmem:v47+s11+$0x0], $0xffff;
	v47 =	vor.u32 $0x18, v14;
	[tilespmem:s0+$0x380] =	vst v46  }
0xcd: {  	v17 =	vmax.f32 v17, $0.0e+00;
	v15 =	vmax.f32 v41, $0.0e+00;
	v46 =	vor.u32 $0x19, v14;
	v41 =	vld.idx.msk [tilespmem:v48+s11+$0x0], $0xffff;
	[tilespmem:s0+$0x400] =	vst v49  }
0xce: {  	v21 =	vmax.f32 v21, $0.0e+00;
	v48 =	vmax.f32 v43, $0.0e+00;
	v43 =	vor.u32 $0x1A, v14;
	v42 =	vld.idx.msk [tilespmem:v42+s11+$0x0], $0xffff;
	[tilespmem:s0+$0x480] =	vst v17  }
0xcf: {  	v24 =	vmax.f32 v24, $0.0e+00;
	v17 =	vmax.f32 v37, $0.0e+00;
	v37 =	vld.idx.msk [tilespmem:v45+s11+$0x0], $0xffff;
	v45 =	vor.u32 $0x1B, v14;
	[tilespmem:s0+$0x500] =	vst v21  }
0xd0: {  	v23 =	vmax.f32 v23, $0.0e+00;
	v21 =	vmax.f32 v38, $0.0e+00;
	v38 =	vor.u32 $0x1C, v14;
	v44 =	vld.idx.msk [tilespmem:v44+s11+$0x0], $0xffff;
	[tilespmem:s0+$0x580] =	vst v24  }
0xd1: {  	v20 =	vmax.f32 v20, $0.0e+00;
	v24 =	vmax.f32 v39, $0.0e+00;
	v39 =	vld.idx.msk [tilespmem:v47+s11+$0x0], $0xffff;
	v47 =	vor.u32 $0x1D, v14;
	[tilespmem:s0+$0x600] =	vst v23  }
0xd2: {  	v18 =	vmax.f32 v18, $0.0e+00;
	v23 =	vmax.f32 v40, $0.0e+00;
	v14 =	vor.u32 $0x1E, v14;
	v40 =	vld.idx.msk [tilespmem:v46+s11+$0x0], $0xffff;
	[tilespmem:s0+$0x680] =	vst v20  }
0xd3: {  	v16 =	vmax.f32 v16, $0.0e+00;
	v20 =	vor.u32 $0x1, v10;
	v46 =	vmax.f32 v41, $0.0e+00;
	v41 =	vld.idx.msk [tilespmem:v43+s11+$0x0], $0xffff;
	[tilespmem:s0+$0x700] =	vst v18  }
0xd4: {  	v18 =	vor.u32 $0x2, v10;
	v49 =	vmax.f32 v42, $0.0e+00;
	v42 =	vld.idx.msk [tilespmem:v45+s11+$0x0], $0xffff;
	[tilespmem:s0+$0x780] =	vst v16  }
0xd5: {  	v16 =	vor.u32 $0x3, v10;
	v45 =	vmax.f32 v37, $0.0e+00;
	v37 =	vld.idx.msk [tilespmem:v38+s11+$0x0], $0xffff;
	v38 =	vmax.f32 v9, $0.0e+00;
	[tilespmem:s0+$0xFFFFF810] =	vst v12;
	v9 =	vmovc v11;
	v12 =	vmovc v13  }
0xd6: {  	v11 =	vor.u32 $0x4, v10;
	v43 =	vmax.f32 v44, $0.0e+00;
	v13 =	vld.idx.msk [tilespmem:v47+s11+$0x0], $0xffff;
	[tilespmem:s0+$0xFFFFF800] =	vst v38;
	s0 =	sadd.s32 $0x20, s0  }
0xd7: {  	v44 =	vor.u32 $0x5, v10;
	v47 =	vmax.f32 v39, $0.0e+00;
	v14 =	vld.idx.msk [tilespmem:v14+s11+$0x0], $0xffff;
	[tilespmem:s0+$0x790] =	vst v43  }
0xd8: {  	v51 =	vmax.f32 v40, $0.0e+00;
	v50 =	vld.idx.msk [tilespmem:v20+s11+$0x0], $0xffff;
	v20 =	vor.u32 $0x6, v10;
	[tilespmem:s0+$0xFFFFF890] =	vst v27  }
0xd9: {  	v53 =	vmax.f32 v41, $0.0e+00;
	v52 =	vld.idx.msk [tilespmem:v18+s11+$0x0], $0xffff;
	v18 =	vor.u32 $0x7, v10;
	[tilespmem:s0+$0xFFFFF910] =	vst v28  }
0xda: {  	v54 =	vmax.f32 v42, $0.0e+00;
	v38 =	vld.idx.msk [tilespmem:v16+s11+$0x0], $0xffff;
	v16 =	vor.u32 $0x8, v10;
	[tilespmem:s0+$0xFFFFF990] =	vst v29  }
0xdb: {  	v55 =	vmax.f32 v37, $0.0e+00;
	v39 =	vld.idx.msk [tilespmem:v11+s11+$0x0], $0xffff;
	v11 =	vor.u32 $0x9, v10;
	[tilespmem:s0+$0xFFFFFA10] =	vst v30  }
0xdc: {  	v27 =	vor.u32 $0xA, v10;
	v40 =	vld.idx.msk [tilespmem:v44+s11+$0x0], $0xffff;
	v44 =	vmax.f32 v13, $0.0e+00;
	[tilespmem:s0+$0xFFFFFA90] =	vst v31  }
0xdd: {  	v56 =	vmax.f32 v14, $0.0e+00;
	v41 =	vld.idx.msk [tilespmem:v20+s11+$0x0], $0xffff;
	v20 =	vor.u32 $0xB, v10;
	[tilespmem:s0+$0xFFFFFB10] =	vst v32  }
0xde: {  	v14 =	vor.u32 $0xC, v10;
	v43 =	vld.idx.msk [tilespmem:v18+s11+$0x0], $0xffff;
	[tilespmem:s0+$0xFFFFFB90] =	vst v33  }
0xdf: {  	v37 =	vld.idx.msk [tilespmem:v16+s11+$0x0], $0xffff;
	v16 =	vor.u32 $0xD, v10;
	[tilespmem:s0+$0xFFFFFC10] =	vst v34  }
0xe0: {  	v13 =	vld.idx.msk [tilespmem:v11+s11+$0x0], $0xffff;
	v11 =	vor.u32 $0xE, v10;
	[tilespmem:s0+$0xFFFFFC90] =	vst v35  }
0xe1: {  	v18 =	vor.u32 $0xF, v10;
	v27 =	vld.idx.msk [tilespmem:v27+s11+$0x0], $0xffff;
	[tilespmem:s0+$0xFFFFFD10] =	vst v36  }
0xe2: {  	v28 =	vld.idx.msk [tilespmem:v20+s11+$0x0], $0xffff;
	v20 =	vor.u32 $0x10, v10;
	[tilespmem:s0+$0xFFFFFD90] =	vst v26  }
0xe3: {  	v29 =	vld.idx.msk [tilespmem:v14+s11+$0x0], $0xffff;
	v14 =	vor.u32 $0x11, v10;
	[tilespmem:s0+$0xFFFFFE10] =	vst v25  }
0xe4: {  	v30 =	vld.idx.msk [tilespmem:v16+s11+$0x0], $0xffff;
	v16 =	vor.u32 $0x12, v10;
	[tilespmem:s0+$0xFFFFFE90] =	vst v22  }
0xe5: {  	v31 =	vld.idx.msk [tilespmem:v11+s11+$0x0], $0xffff;
	v11 =	vor.u32 $0x13, v10;
	[tilespmem:s0+$0xFFFFFF10] =	vst v19  }
0xe6: {  	v32 =	vld.idx.msk [tilespmem:v18+s11+$0x0], $0xffff;
	v18 =	vor.u32 $0x14, v10;
	[tilespmem:s0+$0xFFFFFF90] =	vst v15  }
0xe7: {  	v15 =	vor.u32 $0x15, v10;
	v33 =	vld.idx.msk [tilespmem:v20+s11+$0x0], $0xffff;
	[tilespmem:s0+$0x10] =	vst v48  }
0xe8: {  	v34 =	vld.idx.msk [tilespmem:v14+s11+$0x0], $0xffff;
	v14 =	vor.u32 $0x16, v10;
	[tilespmem:s0+$0x90] =	vst v17  }
0xe9: {  	v35 =	vld.idx.msk [tilespmem:v16+s11+$0x0], $0xffff;
	v16 =	vor.u32 $0x17, v10;
	[tilespmem:s0+$0x110] =	vst v21  }
0xea: {  	v42 =	vld.idx.msk [tilespmem:v11+s11+$0x0], $0xffff;
	v11 =	vor.u32 $0x18, v10;
	[tilespmem:s0+$0x190] =	vst v24  }
0xeb: {  	v17 =	vor.u32 $0x19, v10;
	v26 =	vld.idx.msk [tilespmem:v18+s11+$0x0], $0xffff;
	[tilespmem:s0+$0x210] =	vst v23  }
0xec: {  	v18 =	vor.u32 $0x1A, v10;
	v25 =	vld.idx.msk [tilespmem:v15+s11+$0x0], $0xffff;
	[tilespmem:s0+$0x290] =	vst v46  }
0xed: {  	v22 =	vld.idx.msk [tilespmem:v14+s11+$0x0], $0xffff;
	v14 =	vor.u32 $0x1B, v10;
	[tilespmem:s0+$0x310] =	vst v49  }
0xee: {  	v19 =	vld.idx.msk [tilespmem:v16+s11+$0x0], $0xffff;
	v16 =	vor.u32 $0x1C, v10;
	[tilespmem:s0+$0x390] =	vst v45  }
0xef: {  	v15 =	vld.idx.msk [tilespmem:v11+s11+$0x0], $0xffff;
	v11 =	vor.u32 $0x1D, v10;
	[tilespmem:s0+$0x410] =	vst v47  }
0xf0: {  	s7 =	sadd.s32 $0x10, s3;
	v36 =	vor.u32 $0x1E, v10;
	v20 =	vmov s3;
	v17 =	vld.idx.msk [tilespmem:v17+s11+$0x0], $0xffff;
	[tilespmem:s0+$0x490] =	vst v51  }
0xf1: {  	v20 =	vshll.u32 v20, $0x5;
	v23 =	vmov s7;
	v45 =	vor.u32 $0x1F, v10;
	v21 =	vld.idx.msk [tilespmem:v18+s11+$0x0], $0xffff;
	[tilespmem:s0+$0x510] =	vst v53  }
0xf2: {  	v10 =	vor.u32 v8, v20;
	v18 =	vshll.u32 v23, $0x5;
	v24 =	vld.idx.msk [tilespmem:v14+s11+$0x0], $0xffff;
	[tilespmem:s0+$0x590] =	vst v54  }
0xf3: {  	v14 =	vor.u32 v8, v18;
	v23 =	vld.idx.msk [tilespmem:v16+s11+$0x0], $0xffff;
	[tilespmem:s0+$0x610] =	vst v55  }
0xf4: {  	v46 =	vor.u32 $0x1, v14;
	v20 =	vld.idx.msk [tilespmem:v11+s11+$0x0], $0xffff;
	[tilespmem:s0+$0x690] =	vst v44  }
0xf5: {  	v44 =	vor.u32 $0x2, v14;
	v11 =	vmax.f32 v50, $0.0e+00;
	v18 =	vld.idx.msk [tilespmem:v36+s11+$0x0], $0xffff;
	[tilespmem:s0+$0x710] =	vst v56  }
0xf6: {  	v47 =	vmax.f32 v52, $0.0e+00;
	v36 =	vor.u32 $0x3, v14;
	v16 =	vld.idx.msk [tilespmem:v45+s11+$0x0], $0xffff;
	[tilespmem:s0+$0xFFFFF880] =	vst v11  }
0xf7: {  	v38 =	vmax.f32 v38, $0.0e+00;
	v45 =	vor.u32 $0x4, v14;
	v11 =	vld.idx.msk [tilespmem:v10+s11+$0x0], $0xffff;
	[tilespmem:s0+$0xFFFFF900] =	vst v47  }
0xf8: {  	v39 =	vmax.f32 v39, $0.0e+00;
	v48 =	vor.u32 $0x5, v14;
	v47 =	vld.idx.msk [tilespmem:v14+s11+$0x0], $0xffff;
	[tilespmem:s0+$0xFFFFF980] =	vst v38  }
0xf9: {  	v40 =	vmax.f32 v40, $0.0e+00;
	v38 =	vld.idx.msk [tilespmem:v46+s11+$0x0], $0xffff;
	v46 =	vor.u32 $0x6, v14;
	[tilespmem:s0+$0xFFFFFA00] =	vst v39  }
0xfa: {  	v41 =	vmax.f32 v41, $0.0e+00;
	v39 =	vld.idx.msk [tilespmem:v44+s11+$0x0], $0xffff;
	v44 =	vor.u32 $0x7, v14;
	[tilespmem:s0+$0xFFFFFA80] =	vst v40  }
0xfb: {  	v43 =	vmax.f32 v43, $0.0e+00;
	v40 =	vor.u32 $0x8, v14;
	v36 =	vld.idx.msk [tilespmem:v36+s11+$0x0], $0xffff;
	[tilespmem:s0+$0xFFFFFB00] =	vst v41  }
0xfc: {  	v37 =	vmax.f32 v37, $0.0e+00;
	v41 =	vld.idx.msk [tilespmem:v45+s11+$0x0], $0xffff;
	v45 =	vor.u32 $0x9, v14;
	[tilespmem:s0+$0xFFFFFB80] =	vst v43  }
0xfd: {  	v49 =	vmax.f32 v13, $0.0e+00;
	v43 =	vld.idx.msk [tilespmem:v48+s11+$0x0], $0xffff;
	v48 =	vor.u32 $0xA, v14;
	[tilespmem:s0+$0xFFFFFC00] =	vst v37  }
0xfe: {  	v13 =	vmax.f32 v47, $0.0e+00;
	v37 =	vor.u32 $0xB, v14;
	v47 =	vmax.f32 v27, $0.0e+00;
	v46 =	vld.idx.msk [tilespmem:v46+s11+$0x0], $0xffff;
	[tilespmem:s0+$0xFFFFFC80] =	vst v49  }
0xff: {  	v27 =	vmax.f32 v38, $0.0e+00;
	v38 =	vor.u32 $0xC, v14;
	v49 =	vld.idx.msk [tilespmem:v44+s11+$0x0], $0xffff;
	v44 =	vmax.f32 v28, $0.0e+00;
	[tilespmem:s0+$0xFFFFFD00] =	vst v47  }
0x100: {  	v28 =	vmax.f32 v39, $0.0e+00;
	v39 =	vor.u32 $0xD, v14;
	v47 =	vmax.f32 v29, $0.0e+00;
	v40 =	vld.idx.msk [tilespmem:v40+s11+$0x0], $0xffff;
	[tilespmem:s0+$0xFFFFFD80] =	vst v44  }
0x101: {  	v51 =	vor.u32 $0xE, v14;
	v29 =	vmax.f32 v36, $0.0e+00;
	v44 =	vmax.f32 v30, $0.0e+00;
	v50 =	vld.idx.msk [tilespmem:v45+s11+$0x0], $0xffff;
	[tilespmem:s0+$0xFFFFFE00] =	vst v47  }
0x102: {  	v30 =	vmax.f32 v41, $0.0e+00;
	v41 =	vor.u32 $0xF, v14;
	v45 =	vmax.f32 v31, $0.0e+00;
	v36 =	vld.idx.msk [tilespmem:v48+s11+$0x0], $0xffff;
	[tilespmem:s0+$0xFFFFFE80] =	vst v44  }
.Ltmp1:
0x103: {  	v47 =	vmax.f32 v32, $0.0e+00;
	v31 =	vmax.f32 v43, $0.0e+00;
	v43 =	vor.u32 $0x10, v14;
	v37 =	vld.idx.msk [tilespmem:v37+s11+$0x0], $0xffff;
	[tilespmem:s0+$0xFFFFFF00] =	vst v45;
	(pc) =	sbr.rel @p0 .LBB2_6-.Ltmp1, $4  }
0x104: {  	v44 =	vor.u32 $0x11, v14;
	v32 =	vmax.f32 v46, $0.0e+00;
	v46 =	vmax.f32 v33, $0.0e+00;
	v38 =	vld.idx.msk [tilespmem:v38+s11+$0x0], $0xffff;
	[tilespmem:s0+$0xFFFFFF80] =	vst v47  }
0x105: {  	v45 =	vor.u32 $0x12, v14;
	v33 =	vmax.f32 v49, $0.0e+00;
	v47 =	vmax.f32 v34, $0.0e+00;
	v39 =	vld.idx.msk [tilespmem:v39+s11+$0x0], $0xffff;
	[tilespmem:s0+$0x0] =	vst v46  }
0x106: {  	v48 =	vmax.f32 v35, $0.0e+00;
	v34 =	vmax.f32 v40, $0.0e+00;
	v46 =	vor.u32 $0x13, v14;
	v40 =	vld.idx.msk [tilespmem:v51+s11+$0x0], $0xffff;
	[tilespmem:s0+$0x80] =	vst v47  }
0x107: {  	s3 =	sadd.s32 $0x20, s3;
	v42 =	vmax.f32 v42, $0.0e+00;
	v35 =	vmax.f32 v50, $0.0e+00;
	v47 =	vor.u32 $0x14, v14;
	v41 =	vld.idx.msk [tilespmem:v41+s11+$0x0], $0xffff;
	[tilespmem:s0+$0x100] =	vst v48  }
0x108: {  	_ =	sdelay $0x3  }
0x109: {  	v43 =	vld.idx.msk [tilespmem:v43+s11+$0x0], $0xffff;
	v48 =	vor.u32 $0x15, v14;
	[tilespmem:s0+$0x180] =	vst v42  }
0x10a: {  	v26 =	vmax.f32 v26, $0.0e+00;
	v42 =	vld.idx.msk [tilespmem:v44+s11+$0x0], $0xffff;
	v62 =	vor.u32 $0x16, v14;
	[tilespmem:s0+$0xFFFFF810] =	vst v12  }
0x10b: {  	v25 =	vmax.f32 v25, $0.0e+00;
	v63 =	vor.u32 $0x17, v14;
	[tilespmem:s0+$0x200] =	vst v26;
	v26 =	vld.idx.msk [tilespmem:v45+s11+$0x0], $0xffff  }
0x10c: {  	v22 =	vmax.f32 v22, $0.0e+00;
	v52 =	vor.u32 $0x1F, v14;
	[tilespmem:s0+$0x280] =	vst v25;
	v25 =	vld.idx.msk [tilespmem:v46+s11+$0x0], $0xffff  }
0x10d: {  	v19 =	vmax.f32 v19, $0.0e+00;
	v53 =	vor.u32 $0x18, v14;
	[tilespmem:s0+$0x300] =	vst v22;
	v22 =	vld.idx.msk [tilespmem:v47+s11+$0x0], $0xffff  }
0x10e: {  	v15 =	vmax.f32 v15, $0.0e+00;
	v54 =	vor.u32 $0x19, v14;
	[tilespmem:s0+$0x380] =	vst v19;
	v19 =	vld.idx.msk [tilespmem:v48+s11+$0x0], $0xffff  }
0x10f: {  	v17 =	vmax.f32 v17, $0.0e+00;
	v55 =	vor.u32 $0x1A, v14;
	[tilespmem:s0+$0x400] =	vst v15;
	v15 =	vld.idx.msk [tilespmem:v62+s11+$0x0], $0xffff  }
0x110: {  	v21 =	vmax.f32 v21, $0.0e+00;
	v56 =	vor.u32 $0x1B, v14;
	[tilespmem:s0+$0x480] =	vst v17;
	v17 =	vld.idx.msk [tilespmem:v63+s11+$0x0], $0xffff  }
0x111: {  	v24 =	vmax.f32 v24, $0.0e+00;
	v57 =	vor.u32 $0x1D, v14;
	[tilespmem:s0+$0x500] =	vst v21;
	v46 =	vld.idx.msk [tilespmem:v52+s11+$0x0], $0xffff  }
0x112: {  	v23 =	vmax.f32 v23, $0.0e+00;
	v21 =	vor.u32 $0x1C, v14;
	[tilespmem:s0+$0x580] =	vst v24;
	v24 =	vld.idx.msk [tilespmem:v53+s11+$0x0], $0xffff  }
0x113: {  	v20 =	vmax.f32 v20, $0.0e+00;
	[tilespmem:s0+$0x600] =	vst v23;
	v14 =	vor.u32 $0x1E, v14;
	v23 =	vld.idx.msk [tilespmem:v54+s11+$0x0], $0xffff  }
0x114: {  	v18 =	vmax.f32 v18, $0.0e+00;
	[tilespmem:s0+$0x680] =	vst v20;
	v44 =	vld.idx.msk [tilespmem:v55+s11+$0x0], $0xffff  }
0x115: {  	v16 =	vmax.f32 v16, $0.0e+00;
	v12 =	vor.u32 $0x4, v10;
	[tilespmem:s0+$0x700] =	vst v18;
	v45 =	vld.idx.msk [tilespmem:v56+s11+$0x0], $0xffff  }
0x116: {  	v9 =	vmax.f32 v9, $0.0e+00;
	v20 =	vor.u32 $0x1, v10;
	[tilespmem:s0+$0x780] =	vst v16;
	v47 =	vld.idx.msk [tilespmem:v57+s11+$0x0], $0xffff  }
0x117: {  	s7 =	sadd.s32 $0x20, s0;
	v18 =	vor.u32 $0x2, v10;
	[tilespmem:s0+$0xFFFFF800] =	vst v9;
	v21 =	vld.idx.msk [tilespmem:v21+s11+$0x0], $0xffff  }
0x118: {  	v16 =	vor.u32 $0x3, v10;
	v14 =	vld.idx.msk [tilespmem:v14+s11+$0x0], $0xffff;
	[tilespmem:s7+$0xFFFFF890] =	vst v27  }
0x119: {  	v9 =	vor.u32 $0x5, v10;
	[tilespmem:s7+$0xFFFFF910] =	vst v28  }
0x11a: {  	v58 =	vor.u32 $0x6, v10;
	v12 =	vld.idx.msk [tilespmem:v12+s11+$0x0], $0xffff;
	[tilespmem:s7+$0xFFFFF990] =	vst v29  }
0x11b: {  	v59 =	vor.u32 $0xB, v10;
	v20 =	vld.idx.msk [tilespmem:v20+s11+$0x0], $0xffff;
	[tilespmem:s7+$0xFFFFFA10] =	vst v30  }
0x11c: {  	v60 =	vor.u32 $0xC, v10;
	v18 =	vld.idx.msk [tilespmem:v18+s11+$0x0], $0xffff;
	[tilespmem:s7+$0xFFFFFA90] =	vst v31  }
0x11d: {  	v61 =	vor.u32 $0xD, v10;
	v16 =	vld.idx.msk [tilespmem:v16+s11+$0x0], $0xffff;
	[tilespmem:s7+$0xFFFFFB10] =	vst v32  }
0x11e: {  	v49 =	vor.u32 $0x11, v10;
	v9 =	vld.idx.msk [tilespmem:v9+s11+$0x0], $0xffff;
	[tilespmem:s7+$0xFFFFFB90] =	vst v33  }
0x11f: {  	v36 =	vmax.f32 v36, $0.0e+00;
	v50 =	vor.u32 $0x12, v10;
	v31 =	vld.idx.msk [tilespmem:v58+s11+$0x0], $0xffff;
	[tilespmem:s7+$0xFFFFFC10] =	vst v34  }
0x120: {  	v51 =	vor.u32 $0x13, v10;
	[tilespmem:s7+$0xFFFFFD10] =	vst v36;
	v36 =	vld.idx.msk [tilespmem:v59+s11+$0x0], $0xffff  }
0x121: {  	v37 =	vmax.f32 v37, $0.0e+00;
	v62 =	vor.u32 $0xE, v10;
	[tilespmem:s7+$0xFFFFFC90] =	vst v35;
	v32 =	vld.idx.msk [tilespmem:v60+s11+$0x0], $0xffff  }
0x122: {  	v38 =	vmax.f32 v38, $0.0e+00;
	v63 =	vor.u32 $0xF, v10;
	[tilespmem:s7+$0xFFFFFD90] =	vst v37;
	v33 =	vld.idx.msk [tilespmem:v61+s11+$0x0], $0xffff  }
0x123: {  	v39 =	vmax.f32 v39, $0.0e+00;
	v48 =	vor.u32 $0x10, v10;
	[tilespmem:s7+$0xFFFFFE10] =	vst v38;
	v37 =	vld.idx.msk [tilespmem:v49+s11+$0x0], $0xffff  }
0x124: {  	v52 =	vor.u32 $0x14, v10;
	[tilespmem:s7+$0xFFFFFE90] =	vst v39;
	v26 =	vmax.f32 v26, $0.0e+00;
	v38 =	vld.idx.msk [tilespmem:v50+s11+$0x0], $0xffff  }
0x125: {  	v40 =	vmax.f32 v40, $0.0e+00;
	v54 =	vor.u32 $0x15, v10;
	[tilespmem:s7+$0x110] =	vst v26;
	v26 =	vld.idx.msk [tilespmem:v51+s11+$0x0], $0xffff  }
0x126: {  	v41 =	vmax.f32 v41, $0.0e+00;
	v27 =	vor.u32 $0x7, v10;
	[tilespmem:s7+$0xFFFFFF10] =	vst v40;
	v34 =	vld.idx.msk [tilespmem:v62+s11+$0x0], $0xffff  }
0x127: {  	v43 =	vmax.f32 v43, $0.0e+00;
	v28 =	vor.u32 $0x8, v10;
	[tilespmem:s7+$0xFFFFFF90] =	vst v41;
	v35 =	vld.idx.msk [tilespmem:v63+s11+$0x0], $0xffff  }
0x128: {  	v29 =	vor.u32 $0x9, v10;
	[tilespmem:s7+$0x10] =	vst v43;
	v25 =	vmax.f32 v25, $0.0e+00;
	v53 =	vld.idx.msk [tilespmem:v48+s11+$0x0], $0xffff  }
0x129: {  	v30 =	vor.u32 $0xA, v10;
	v22 =	vmax.f32 v22, $0.0e+00;
	[tilespmem:s7+$0x190] =	vst v25;
	v25 =	vld.idx.msk [tilespmem:v52+s11+$0x0], $0xffff  }
0x12a: {  	v42 =	vmax.f32 v42, $0.0e+00;
	v55 =	vor.u32 $0x16, v10;
	[tilespmem:s7+$0x210] =	vst v22;
	v22 =	vld.idx.msk [tilespmem:v54+s11+$0x0], $0xffff  }
0x12b: {  	v56 =	vor.u32 $0x17, v10;
	[tilespmem:s7+$0x90] =	vst v42;
	v27 =	vld.idx.msk [tilespmem:v27+s11+$0x0], $0xffff  }
0x12c: {  	v57 =	vor.u32 $0x18, v10;
	[tilespmem:s7+$0xFFFFF810] =	vst v13;
	v46 =	vmax.f32 v46, $0.0e+00;
	v28 =	vld.idx.msk [tilespmem:v28+s11+$0x0], $0xffff  }
0x12d: {  	v58 =	vor.u32 $0x19, v10;
	v19 =	vmax.f32 v19, $0.0e+00;
	[tilespmem:s7+$0x790] =	vst v46;
	v29 =	vld.idx.msk [tilespmem:v29+s11+$0x0], $0xffff  }
0x12e: {  	v59 =	vor.u32 $0x1A, v10;
	v15 =	vmax.f32 v15, $0.0e+00;
	v30 =	vld.idx.msk [tilespmem:v30+s11+$0x0], $0xffff;
	[tilespmem:s7+$0x290] =	vst v19  }
0x12f: {  	v60 =	vor.u32 $0x1B, v10;
	v17 =	vmax.f32 v17, $0.0e+00;
	v19 =	vld.idx.msk [tilespmem:v55+s11+$0x0], $0xffff;
	[tilespmem:s7+$0x310] =	vst v15  }
0x130: {  	v61 =	vor.u32 $0x1C, v10;
	v24 =	vmax.f32 v24, $0.0e+00;
	v15 =	vld.idx.msk [tilespmem:v56+s11+$0x0], $0xffff;
	[tilespmem:s7+$0x390] =	vst v17  }
0x131: {  	v62 =	vor.u32 $0x1D, v10;
	v23 =	vmax.f32 v23, $0.0e+00;
	v17 =	vld.idx.msk [tilespmem:v57+s11+$0x0], $0xffff;
	[tilespmem:s7+$0x410] =	vst v24  }
0x132: {  	v63 =	vor.u32 $0x1E, v10;
	v44 =	vmax.f32 v44, $0.0e+00;
	v24 =	vld.idx.msk [tilespmem:v58+s11+$0x0], $0xffff;
	[tilespmem:s7+$0x490] =	vst v23  }
0x133: {  	v10 =	vor.u32 $0x1F, v10;
	v45 =	vmax.f32 v45, $0.0e+00;
	v23 =	vld.idx.msk [tilespmem:v59+s11+$0x0], $0xffff;
	[tilespmem:s7+$0x510] =	vst v44  }
0x134: {  	v48 =	vmax.f32 v47, $0.0e+00;
	v43 =	vld.idx.msk [tilespmem:v60+s11+$0x0], $0xffff;
	[tilespmem:s7+$0x590] =	vst v45  }
0x135: {  	v21 =	vmax.f32 v21, $0.0e+00;
	v42 =	vld.idx.msk [tilespmem:v61+s11+$0x0], $0xffff;
	[tilespmem:s7+$0x690] =	vst v48  }
0x136: {  	v14 =	vmax.f32 v14, $0.0e+00;
	[tilespmem:s7+$0x610] =	vst v21;
	v21 =	vld.idx.msk [tilespmem:v62+s11+$0x0], $0xffff  }
0x137: {  	v20 =	vmax.f32 v20, $0.0e+00;
	[tilespmem:s7+$0x710] =	vst v14;
	v49 =	vld.idx.msk [tilespmem:v63+s11+$0x0], $0xffff  }
0x138: {  	v14 =	vmax.f32 v18, $0.0e+00;
	v10 =	vld.idx.msk [tilespmem:v10+s11+$0x0], $0xffff;
	[tilespmem:s7+$0xFFFFF880] =	vst v20  }
0x139: {  	v16 =	vmax.f32 v16, $0.0e+00;
	[tilespmem:s7+$0xFFFFF900] =	vst v14  }
0x13a: {  	v12 =	vmax.f32 v12, $0.0e+00;
	[tilespmem:s7+$0xFFFFF980] =	vst v16  }
0x13b: {  	v9 =	vmax.f32 v9, $0.0e+00;
	[tilespmem:s7+$0xFFFFFA00] =	vst v12  }
0x13c: {  	v12 =	vmax.f32 v31, $0.0e+00;
	[tilespmem:s7+$0xFFFFFA80] =	vst v9  }
0x13d: {  	v9 =	vmax.f32 v27, $0.0e+00;
	[tilespmem:s7+$0xFFFFFB00] =	vst v12  }
0x13e: {  	v12 =	vmax.f32 v28, $0.0e+00;
	[tilespmem:s7+$0xFFFFFB80] =	vst v9  }
0x13f: {  	v9 =	vmax.f32 v29, $0.0e+00;
	[tilespmem:s7+$0xFFFFFC00] =	vst v12  }
0x140: {  	v12 =	vmax.f32 v30, $0.0e+00;
	[tilespmem:s7+$0xFFFFFC80] =	vst v9  }
0x141: {  	v9 =	vmax.f32 v36, $0.0e+00;
	[tilespmem:s7+$0xFFFFFD00] =	vst v12  }
0x142: {  	v12 =	vmax.f32 v32, $0.0e+00;
	[tilespmem:s7+$0xFFFFFD80] =	vst v9  }
0x143: {  	v9 =	vmax.f32 v33, $0.0e+00;
	[tilespmem:s7+$0xFFFFFE00] =	vst v12  }
0x144: {  	v12 =	vmax.f32 v34, $0.0e+00;
	[tilespmem:s7+$0xFFFFFE80] =	vst v9  }
0x145: {  	v9 =	vmax.f32 v35, $0.0e+00;
	[tilespmem:s7+$0xFFFFFF00] =	vst v12  }
0x146: {  	v12 =	vmax.f32 v53, $0.0e+00;
	[tilespmem:s7+$0xFFFFFF80] =	vst v9  }
0x147: {  	v9 =	vmax.f32 v37, $0.0e+00;
	[tilespmem:s7+$0x0] =	vst v12  }
0x148: {  	v12 =	vmax.f32 v38, $0.0e+00;
	[tilespmem:s7+$0x80] =	vst v9  }
0x149: {  	v9 =	vmax.f32 v26, $0.0e+00;
	[tilespmem:s7+$0x100] =	vst v12  }
0x14a: {  	v12 =	vmax.f32 v25, $0.0e+00;
	[tilespmem:s7+$0x180] =	vst v9  }
0x14b: {  	v9 =	vmax.f32 v22, $0.0e+00;
	[tilespmem:s7+$0x200] =	vst v12  }
0x14c: {  	v12 =	vmax.f32 v19, $0.0e+00;
	[tilespmem:s7+$0x280] =	vst v9  }
0x14d: {  	v9 =	vmax.f32 v15, $0.0e+00;
	[tilespmem:s7+$0x300] =	vst v12  }
0x14e: {  	v12 =	vmax.f32 v17, $0.0e+00;
	[tilespmem:s7+$0x380] =	vst v9  }
0x14f: {  	v9 =	vmax.f32 v24, $0.0e+00;
	[tilespmem:s7+$0x400] =	vst v12  }
0x150: {  	v12 =	vmax.f32 v23, $0.0e+00;
	[tilespmem:s7+$0x480] =	vst v9  }
0x151: {  	v9 =	vmax.f32 v43, $0.0e+00;
	[tilespmem:s7+$0x500] =	vst v12  }
0x152: {  	v12 =	vmax.f32 v42, $0.0e+00;
	[tilespmem:s7+$0x580] =	vst v9  }
0x153: {  	v9 =	vmax.f32 v21, $0.0e+00;
	[tilespmem:s7+$0x600] =	vst v12  }
0x154: {  	s3 =	sshll.u32 s30, $0x14;
	v12 =	vmax.f32 v49, $0.0e+00;
	[tilespmem:s7+$0x680] =	vst v9  }
0x155: {  	s3 =	sadd.s32 s28, s3;
	v9 =	vmax.f32 v10, $0.0e+00;
	[tilespmem:s7+$0x700] =	vst v12  }
0x156: {  	s3 =	sshrl.u32 s3, $0x3;
	[tilespmem:s7+$0x780] =	vst v9;
	v9 =	vmax.f32 v11, $0.0e+00  }
0x157: {  	[tilespmem:s7+$0xFFFFF800] =	vst v9;
	s7 =	sadd.s32 s1, s3  }
0x158: {  	[hbm4b:s7+s2] =	stream.linear.scatter [tilespmem:s14], [sflag:$0x3], $0x400, $0x38;
	[tilespmem:$0x7200] =	vst v63  }
0x159: {  	s7 =	sor.u32 $0x4000, s3  }
0x15a: {  	s0 =	sadd.s32 s1, s7;
	s7 =	sor.u32 $0x8000, s3  }
0x15b: {  	[hbm4b:s0+s2] =	stream.linear.scatter [tilespmem:s15], [sflag:$0x3], $0x400, $0x38;
	[tilespmem:$0x7200] =	vst v63  }
0x15c: {  	s3 =	sor.u32 $0xC000, s3;
	s0 =	sadd.s32 s1, s7  }
0x15d: {  	[hbm4b:s0+s2] =	stream.linear.scatter [tilespmem:s16], [sflag:$0x3], $0x400, $0x38;
	[tilespmem:$0x7200] =	vst v63  }
0x15e: {  	s0 =	sadd.s32 s1, s3  }
0x15f: {  	[hbm4b:s0+s2] =	stream.linear.scatter [tilespmem:s17], [sflag:$0x3], $0x400, $0x38;
	[tilespmem:$0x7200] =	vst v63  }
0x160: {  	_ =	swait.ge [sflag:s18], $0x1000  }
0x161: {  	p0 =	seq.s32 s30, $0x18;
	[sflag:s18] =	ssyncset.done $0x0  }
0x162: {  	s0 =	simm.s32 @!p0 $0x3;
	[sflag:s18] =	ssyncadd.s32 $0xFFFFF000  }
0x163: {  	_ =	swait.ge @!p0 [sflag:s0], $0x400  }
0x164: {  	[sflag:s0] =	ssyncset.done @!p0 $0x0  }
0x165: {  	[sflag:s0] =	ssyncadd.s32 @!p0 $0xFFFFFC00  }
0x166: {  	_ =	swait.ge @!p0 [sflag:s0], $0x400  }
0x167: {  	[sflag:s0] =	ssyncset.done @!p0 $0x0  }
0x168: {  	s7 =	simm.s32 $0x0;
	[sflag:s0] =	ssyncadd.s32 @!p0 $0xFFFFFC00  }
0x169: {  	v9 =	vmov s7;
	s7 =	simm.s32 $0x10;
	_ =	swait.ge @!p0 [sflag:s0], $0x400  }
0x16a: {  	v9 =	vshll.u32 v9, $0x5;
	v11 =	vmov s7;
	[sflag:s0] =	ssyncset.done @!p0 $0x0  }
0x16b: {  	v10 =	vor.u32 v8, v9;
	v9 =	vshll.u32 v11, $0x5;
	[sflag:s0] =	ssyncadd.s32 @!p0 $0xFFFFFC00  }
0x16c: {  	v11 =	vor.u32 v8, v9;
	_ =	swait.ge @!p0 [sflag:s0], $0x400  }
0x16d: {  	s3 =	sshll.u32 @!p0 s30, $0x8;
	v13 =	vor.u32 $0x1, v11;
	[sflag:s0] =	ssyncset.done @!p0 $0x0  }
0x16e: {  	v14 =	vor.u32 $0x2, v11;
	[sflag:s0] =	ssyncadd.s32 @!p0 $0xFFFFFC00;
	s0 =	sand.u32 @!p0 $0x3FFFFF00, s3  }
0x16f: {  	s7 =	simm.s32 @!p0 $0x3200;
	v15 =	vor.u32 $0x3, v11;
	s3 =	simm.s32 @!p0 $0x80;
	s0 =	sadd.s32 @!p0 $0x1A00, s0  }
0x170: {  	v16 =	vor.u32 $0x4, v11;
	[tilespmem:s7], [sflag:$0x1] =	stream.indirect.gather @!p0 [hbm4b:s5+s3], $0x20, s0, s3, $0xb8;
	[tilespmem:$0x7200] =	vst v63  }
0x171: {  	v17 =	vor.u32 $0x5, v11;
	v12 =	vld.idx.msk [tilespmem:v11+s12+$0x0], $0xffff  }
0x172: {  	v18 =	vor.u32 $0x6, v11;
	v13 =	vld.idx.msk [tilespmem:v13+s12+$0x0], $0xffff  }
0x173: {  	v19 =	vor.u32 $0x7, v11;
	v14 =	vld.idx.msk [tilespmem:v14+s12+$0x0], $0xffff  }
0x174: {  	v20 =	vor.u32 $0x8, v11;
	v15 =	vld.idx.msk [tilespmem:v15+s12+$0x0], $0xffff  }
0x175: {  	v21 =	vor.u32 $0x9, v11;
	v16 =	vld.idx.msk [tilespmem:v16+s12+$0x0], $0xffff  }
0x176: {  	v22 =	vor.u32 $0xA, v11;
	v17 =	vld.idx.msk [tilespmem:v17+s12+$0x0], $0xffff  }
0x177: {  	v23 =	vor.u32 $0xB, v11;
	v18 =	vld.idx.msk [tilespmem:v18+s12+$0x0], $0xffff  }
0x178: {  	v24 =	vor.u32 $0xC, v11;
	v19 =	vld.idx.msk [tilespmem:v19+s12+$0x0], $0xffff  }
0x179: {  	v25 =	vor.u32 $0xD, v11;
	v20 =	vld.idx.msk [tilespmem:v20+s12+$0x0], $0xffff  }
0x17a: {  	v26 =	vor.u32 $0xE, v11;
	v21 =	vld.idx.msk [tilespmem:v21+s12+$0x0], $0xffff  }
0x17b: {  	v27 =	vor.u32 $0xF, v11;
	v22 =	vld.idx.msk [tilespmem:v22+s12+$0x0], $0xffff  }
0x17c: {  	v28 =	vor.u32 $0x10, v11;
	v23 =	vld.idx.msk [tilespmem:v23+s12+$0x0], $0xffff  }
0x17d: {  	v29 =	vor.u32 $0x11, v11;
	v24 =	vld.idx.msk [tilespmem:v24+s12+$0x0], $0xffff  }
0x17e: {  	v30 =	vor.u32 $0x12, v11;
	v25 =	vld.idx.msk [tilespmem:v25+s12+$0x0], $0xffff  }
0x17f: {  	v31 =	vor.u32 $0x13, v11;
	v26 =	vld.idx.msk [tilespmem:v26+s12+$0x0], $0xffff  }
0x180: {  	v50 =	vor.u32 $0x14, v11;
	v27 =	vld.idx.msk [tilespmem:v27+s12+$0x0], $0xffff  }
0x181: {  	v51 =	vor.u32 $0x15, v11;
	v28 =	vld.idx.msk [tilespmem:v28+s12+$0x0], $0xffff  }
0x182: {  	v52 =	vor.u32 $0x16, v11;
	v29 =	vld.idx.msk [tilespmem:v29+s12+$0x0], $0xffff  }
0x183: {  	v53 =	vor.u32 $0x18, v11;
	v35 =	vld.idx.msk [tilespmem:v30+s12+$0x0], $0xffff  }
0x184: {  	v54 =	vor.u32 $0x19, v11;
	v36 =	vld.idx.msk [tilespmem:v31+s12+$0x0], $0xffff  }
0x185: {  	v55 =	vor.u32 $0x1A, v11;
	v37 =	vld.idx.msk [tilespmem:v50+s12+$0x0], $0xffff  }
0x186: {  	v30 =	vor.u32 $0x17, v11;
	v38 =	vld.idx.msk [tilespmem:v51+s12+$0x0], $0xffff  }
0x187: {  	v56 =	vor.u32 $0x1C, v11;
	v39 =	vld.idx.msk [tilespmem:v52+s12+$0x0], $0xffff  }
0x188: {  	v57 =	vor.u32 $0x1D, v11;
	v43 =	vld.idx.msk [tilespmem:v53+s12+$0x0], $0xffff  }
0x189: {  	v58 =	vor.u32 $0x1, v10;
	v44 =	vld.idx.msk [tilespmem:v54+s12+$0x0], $0xffff  }
0x18a: {  	v31 =	vor.u32 $0x1F, v11;
	v45 =	vld.idx.msk [tilespmem:v55+s12+$0x0], $0xffff  }
0x18b: {  	v40 =	vld.idx.msk [tilespmem:v30+s12+$0x0], $0xffff;
	v30 =	vor.u32 $0x1B, v11  }
0x18c: {  	v41 =	vld.idx.msk [tilespmem:v56+s12+$0x0], $0xffff;
	v11 =	vor.u32 $0x1E, v11  }
0x18d: {  	v61 =	vld.idx.msk [tilespmem:v57+s12+$0x0], $0xffff  }
0x18e: {  	v60 =	vor.u32 $0x4, v10;
	v63 =	vld.idx.msk [tilespmem:v58+s12+$0x0], $0xffff  }
0x18f: {  	v62 =	vor.u32 $0x5, v10;
	v31 =	vld.idx.msk [tilespmem:v31+s12+$0x0], $0xffff  }
0x190: {  	s0 =	simm.s32 $0x6A00;
	v58 =	vor.u32 $0x7, v10;
	v13 =	vmax.f32 v13, $0.0e+00;
	v46 =	vld.idx.msk [tilespmem:v30+s12+$0x0], $0xffff  }
0x191: {  	v59 =	vor.u32 $0x2, v10;
	v14 =	vmax.f32 v14, $0.0e+00;
	v11 =	vld.idx.msk [tilespmem:v11+s12+$0x0], $0xffff;
	[tilespmem:s0+$0xFFFFF890] =	vst v13  }
0x192: {  	v9 =	vld.idx.msk [tilespmem:v10+s12+$0x0], $0xffff;
	v15 =	vmax.f32 v15, $0.0e+00;
	v30 =	vor.u32 $0x3, v10;
	[tilespmem:s0+$0xFFFFF910] =	vst v14  }
0x193: {  	v50 =	vld.idx.msk [tilespmem:v60+s12+$0x0], $0xffff;
	v16 =	vmax.f32 v16, $0.0e+00;
	v14 =	vor.u32 $0x8, v10;
	[tilespmem:s0+$0xFFFFF990] =	vst v15  }
0x194: {  	v51 =	vld.idx.msk [tilespmem:v62+s12+$0x0], $0xffff;
	v17 =	vmax.f32 v17, $0.0e+00;
	v15 =	vor.u32 $0x9, v10;
	[tilespmem:s0+$0xFFFFFA10] =	vst v16  }
0x195: {  	v18 =	vmax.f32 v18, $0.0e+00;
	v53 =	vld.idx.msk [tilespmem:v58+s12+$0x0], $0xffff;
	v16 =	vor.u32 $0xA, v10;
	[tilespmem:s0+$0xFFFFFA90] =	vst v17  }
0x196: {  	v19 =	vmax.f32 v19, $0.0e+00;
	v13 =	vld.idx.msk [tilespmem:v59+s12+$0x0], $0xffff;
	v17 =	vor.u32 $0xB, v10;
	[tilespmem:s0+$0xFFFFFB10] =	vst v18  }
0x197: {  	v31 =	vmax.f32 v31, $0.0e+00;
	v18 =	vor.u32 $0xC, v10;
	[tilespmem:s0+$0xFFFFFB90] =	vst v19;
	v49 =	vld.idx.msk [tilespmem:v30+s12+$0x0], $0xffff  }
0x198: {  	v20 =	vmax.f32 v20, $0.0e+00;
	[tilespmem:s0+$0x790] =	vst v31;
	v31 =	vor.u32 $0x6, v10;
	v54 =	vld.idx.msk [tilespmem:v14+s12+$0x0], $0xffff  }
0x199: {  	[tilespmem:s0+$0xFFFFFC10] =	vst v20;
	v20 =	vmax.f32 v22, $0.0e+00;
	v14 =	vor.u32 $0xD, v10;
	v55 =	vld.idx.msk [tilespmem:v15+s12+$0x0], $0xffff  }
0x19a: {  	[tilespmem:s0+$0xFFFFFD10] =	vst v20;
	v20 =	vmax.f32 v24, $0.0e+00;
	v15 =	vor.u32 $0xE, v10;
	v56 =	vld.idx.msk [tilespmem:v16+s12+$0x0], $0xffff  }
0x19b: {  	[tilespmem:s0+$0xFFFFFE10] =	vst v20;
	v20 =	vmax.f32 v26, $0.0e+00;
	v16 =	vor.u32 $0xF, v10;
	v57 =	vld.idx.msk [tilespmem:v17+s12+$0x0], $0xffff  }
0x19c: {  	[tilespmem:s0+$0xFFFFFF10] =	vst v20;
	v20 =	vmax.f32 v28, $0.0e+00;
	v17 =	vor.u32 $0x10, v10;
	v58 =	vld.idx.msk [tilespmem:v18+s12+$0x0], $0xffff  }
0x19d: {  	[tilespmem:s0+$0x10] =	vst v20;
	v20 =	vmax.f32 v35, $0.0e+00;
	v18 =	vor.u32 $0x11, v10;
	v52 =	vld.idx.msk [tilespmem:v31+s12+$0x0], $0xffff  }
0x19e: {  	[tilespmem:s0+$0x110] =	vst v20;
	v20 =	vmax.f32 v37, $0.0e+00;
	v30 =	vld.idx.msk [tilespmem:v14+s12+$0x0], $0xffff;
	v14 =	vor.u32 $0x12, v10  }
0x19f: {  	v19 =	vmax.f32 v21, $0.0e+00;
	[tilespmem:s0+$0x210] =	vst v20;
	v20 =	vor.u32 $0x1A, v10;
	v31 =	vld.idx.msk [tilespmem:v15+s12+$0x0], $0xffff  }
0x1a0: {  	v21 =	vmax.f32 v40, $0.0e+00;
	[tilespmem:s0+$0xFFFFFC90] =	vst v19;
	v32 =	vld.idx.msk [tilespmem:v16+s12+$0x0], $0xffff;
	v16 =	vor.u32 $0x14, v10  }
0x1a1: {  	v19 =	vmax.f32 v23, $0.0e+00;
	[tilespmem:s0+$0x390] =	vst v21;
	v15 =	vor.u32 $0x13, v10;
	v33 =	vld.idx.msk [tilespmem:v17+s12+$0x0], $0xffff  }
0x1a2: {  	v21 =	vmax.f32 v44, $0.0e+00;
	[tilespmem:s0+$0xFFFFFD90] =	vst v19;
	v17 =	vor.u32 $0x15, v10;
	v34 =	vld.idx.msk [tilespmem:v18+s12+$0x0], $0xffff  }
0x1a3: {  	v19 =	vmax.f32 v25, $0.0e+00;
	[tilespmem:s0+$0x490] =	vst v21;
	v35 =	vld.idx.msk [tilespmem:v14+s12+$0x0], $0xffff;
	v14 =	vor.u32 $0x17, v10  }
0x1a4: {  	[tilespmem:s0+$0xFFFFFE90] =	vst v19;
	v19 =	vmax.f32 v27, $0.0e+00;
	v18 =	vor.u32 $0x16, v10;
	v21 =	vld.idx.msk [tilespmem:v20+s12+$0x0], $0xffff  }
0x1a5: {  	[tilespmem:s0+$0xFFFFFF90] =	vst v19;
	v19 =	vmax.f32 v29, $0.0e+00;
	v26 =	vld.idx.msk [tilespmem:v16+s12+$0x0], $0xffff;
	v16 =	vor.u32 $0x19, v10  }
0x1a6: {  	v27 =	vor.u32 $0x1D, v10;
	[tilespmem:s0+$0x90] =	vst v19;
	v19 =	vmax.f32 v36, $0.0e+00;
	v42 =	vld.idx.msk [tilespmem:v15+s12+$0x0], $0xffff  }
0x1a7: {  	[tilespmem:s0+$0x190] =	vst v19;
	v19 =	vmax.f32 v38, $0.0e+00;
	v15 =	vor.u32 $0x18, v10;
	v25 =	vld.idx.msk [tilespmem:v17+s12+$0x0], $0xffff  }
0x1a8: {  	[tilespmem:s0+$0x290] =	vst v19;
	v17 =	vmax.f32 v39, $0.0e+00;
	v19 =	vld.idx.msk [tilespmem:v14+s12+$0x0], $0xffff;
	v14 =	vor.u32 $0x1C, v10  }
0x1a9: {  	s7 =	simm.s32 $0x20;
	v59 =	vmax.f32 v61, $0.0e+00;
	v22 =	vld.idx.msk [tilespmem:v18+s12+$0x0], $0xffff;
	v18 =	vor.u32 $0x1B, v10;
	[tilespmem:s0+$0x310] =	vst v17;
	v17 =	vmax.f32 v43, $0.0e+00  }
0x1aa: {  	v24 =	vmov s7;
	s7 =	simm.s32 $0x30;
	v20 =	vmax.f32 v46, $0.0e+00;
	[tilespmem:s0+$0x410] =	vst v17;
	v17 =	vld.idx.msk [tilespmem:v16+s12+$0x0], $0xffff;
	v16 =	vor.u32 $0x1E, v10  }
0x1ab: {  	v28 =	vor.u32 $0x1F, v10;
	v29 =	vmov s7;
	[tilespmem:s0+$0x590] =	vst v20;
	v20 =	vld.idx.msk [tilespmem:v27+s12+$0x0], $0xffff;
	v10 =	vshll.u32 v24, $0x5  }
0x1ac: {  	v23 =	vmax.f32 v45, $0.0e+00;
	[tilespmem:s0+$0x690] =	vst v59;
	v29 =	vshll.u32 v29, $0x5;
	v15 =	vld.idx.msk [tilespmem:v15+s12+$0x0], $0xffff;
	v10 =	vor.u32 v8, v10  }
0x1ad: {  	[tilespmem:s0+$0x510] =	vst v23;
	v11 =	vmax.f32 v11, $0.0e+00;
	v23 =	vld.idx.msk [tilespmem:v14+s12+$0x0], $0xffff;
	v14 =	vor.u32 v8, v29  }
0x1ae: {  	[tilespmem:s0+$0x710] =	vst v11;
	v24 =	vld.idx.msk [tilespmem:v18+s12+$0x0], $0xffff;
	v18 =	vmax.f32 v41, $0.0e+00;
	v27 =	vor.u32 $0x1, v14  }
0x1af: {  	v60 =	vmax.f32 v63, $0.0e+00;
	[tilespmem:s0+$0x610] =	vst v18;
	v18 =	vld.idx.msk [tilespmem:v16+s12+$0x0], $0xffff;
	v29 =	vor.u32 $0x2, v14  }
0x1b0: {  	v13 =	vmax.f32 v13, $0.0e+00;
	v16 =	vld.idx.msk [tilespmem:v28+s12+$0x0], $0xffff;
	[tilespmem:s0+$0xFFFFF880] =	vst v60;
	v28 =	vor.u32 $0x3, v14  }
0x1b1: {  	v62 =	vmax.f32 v49, $0.0e+00;
	[tilespmem:s0+$0xFFFFF900] =	vst v13;
	v11 =	vld.idx.msk [tilespmem:v10+s12+$0x0], $0xffff;
	v61 =	vor.u32 $0x4, v14  }
0x1b2: {  	v48 =	vmax.f32 v50, $0.0e+00;
	[tilespmem:s0+$0xFFFFF980] =	vst v62;
	v63 =	vor.u32 $0x5, v14;
	v13 =	vld.idx.msk [tilespmem:v14+s12+$0x0], $0xffff  }
0x1b3: {  	v50 =	vmax.f32 v51, $0.0e+00;
	[tilespmem:s0+$0xFFFFFA00] =	vst v48;
	v49 =	vor.u32 $0x6, v14;
	v27 =	vld.idx.msk [tilespmem:v27+s12+$0x0], $0xffff  }
0x1b4: {  	v52 =	vmax.f32 v52, $0.0e+00;
	[tilespmem:s0+$0xFFFFFA80] =	vst v50;
	v51 =	vor.u32 $0x7, v14;
	v29 =	vld.idx.msk [tilespmem:v29+s12+$0x0], $0xffff  }
0x1b5: {  	v59 =	vmax.f32 v54, $0.0e+00;
	[tilespmem:s0+$0xFFFFFB00] =	vst v52;
	v43 =	vor.u32 $0x8, v14;
	v40 =	vld.idx.msk [tilespmem:v28+s12+$0x0], $0xffff  }
0x1b6: {  	[tilespmem:s0+$0xFFFFFC00] =	vst v59;
	v62 =	vmax.f32 v56, $0.0e+00;
	v41 =	vor.u32 $0x9, v14;
	v36 =	vld.idx.msk [tilespmem:v61+s12+$0x0], $0xffff  }
0x1b7: {  	v12 =	vmax.f32 v12, $0.0e+00;
	v52 =	vmax.f32 v57, $0.0e+00;
	v60 =	vor.u32 $0xA, v14;
	[tilespmem:s0+$0xFFFFFD00] =	vst v62;
	v38 =	vld.idx.msk [tilespmem:v63+s12+$0x0], $0xffff  }
0x1b8: {  	v42 =	vmax.f32 v42, $0.0e+00;
	v57 =	vmax.f32 v30, $0.0e+00;
	[tilespmem:s0+$0xFFFFFD80] =	vst v52;
	v44 =	vld.idx.msk [tilespmem:v49+s12+$0x0], $0xffff;
	v61 =	vor.u32 $0xB, v14  }
0x1b9: {  	v59 =	vmax.f32 v31, $0.0e+00;
	v54 =	vor.u32 $0xD, v14;
	[tilespmem:s0+$0xFFFFFE80] =	vst v57;
	v39 =	vld.idx.msk [tilespmem:v51+s12+$0x0], $0xffff;
	v63 =	vor.u32 $0xC, v14  }
0x1ba: {  	v56 =	vor.u32 $0xE, v14;
	[tilespmem:s0+$0xFFFFFF00] =	vst v59;
	v45 =	vor.u32 $0x12, v14;
	v28 =	vmax.f32 v53, $0.0e+00;
	v53 =	vld.idx.msk [tilespmem:v43+s12+$0x0], $0xffff  }
0x1bb: {  	v62 =	vmax.f32 v34, $0.0e+00;
	v46 =	vor.u32 $0x13, v14;
	v41 =	vld.idx.msk [tilespmem:v41+s12+$0x0], $0xffff;
	[tilespmem:s0+$0xFFFFFB80] =	vst v28;
	v28 =	vmax.f32 v55, $0.0e+00  }
0x1bc: {  	[tilespmem:s0+$0x80] =	vst v62;
	v55 =	vmax.f32 v58, $0.0e+00;
	v58 =	vor.u32 $0xF, v14;
	v30 =	vmax.f32 v36, $0.0e+00;
	v36 =	vld.idx.msk [tilespmem:v60+s12+$0x0], $0xffff  }
0x1bd: {  	v47 =	vor.u32 $0x14, v14;
	v43 =	vor.u32 $0x10, v14;
	[tilespmem:s0+$0xFFFFFC80] =	vst v28;
	v31 =	vmax.f32 v38, $0.0e+00;
	v37 =	vld.idx.msk [tilespmem:v61+s12+$0x0], $0xffff  }
0x1be: {  	[tilespmem:s0+$0xFFFFFE00] =	vst v55;
	v60 =	vmax.f32 v32, $0.0e+00;
	v32 =	vmax.f32 v44, $0.0e+00;
	v38 =	vld.idx.msk [tilespmem:v63+s12+$0x0], $0xffff;
	v44 =	vor.u32 $0x11, v14  }
0x1bf: {  	v13 =	vmax.f32 v13, $0.0e+00;
	v61 =	vmax.f32 v33, $0.0e+00;
	v33 =	vmax.f32 v39, $0.0e+00;
	v39 =	vld.idx.msk [tilespmem:v54+s12+$0x0], $0xffff;
	[tilespmem:s0+$0xFFFFFF80] =	vst v60  }
0x1c0: {  	v28 =	vmax.f32 v29, $0.0e+00;
	v29 =	vmax.f32 v40, $0.0e+00;
	v40 =	vld.idx.msk [tilespmem:v56+s12+$0x0], $0xffff;
	v63 =	vmax.f32 v35, $0.0e+00;
	[tilespmem:s0+$0x0] =	vst v61  }
0x1c1: {  	s3 =	simm.s32 $0x40;
	v27 =	vmax.f32 v27, $0.0e+00;
	v34 =	vmax.f32 v53, $0.0e+00;
	v35 =	vmax.f32 v41, $0.0e+00;
	v41 =	vld.idx.msk [tilespmem:v58+s12+$0x0], $0xffff;
	[tilespmem:s0+$0x100] =	vst v63  }
.LBB2_8:
0x1c2: {  	p0 =	slt.u32 s3, $0x60;
	v36 =	vmax.f32 v36, $0.0e+00;
	v43 =	vld.idx.msk [tilespmem:v43+s12+$0x0], $0xffff;
	v48 =	vor.u32 $0x15, v14;
	v49 =	vmax.f32 v26, $0.0e+00;
	[tilespmem:s0+$0x180] =	vst v42  }
0x1c3: {  	v26 =	vmax.f32 v37, $0.0e+00;
	v42 =	vor.u32 $0x16, v14;
	v37 =	vld.idx.msk [tilespmem:v44+s12+$0x0], $0xffff;
	v44 =	vmax.f32 v25, $0.0e+00;
	[tilespmem:s0+$0x200] =	vst v49  }
0x1c4: {  	v25 =	vmax.f32 v38, $0.0e+00;
	v49 =	vmax.f32 v22, $0.0e+00;
	v38 =	vld.idx.msk [tilespmem:v45+s12+$0x0], $0xffff;
	v45 =	vor.u32 $0x17, v14;
	[tilespmem:s0+$0x280] =	vst v44  }
0x1c5: {  	v22 =	vmax.f32 v39, $0.0e+00;
	v44 =	vor.u32 $0x1F, v14;
	v39 =	vld.idx.msk [tilespmem:v46+s12+$0x0], $0xffff;
	v46 =	vmax.f32 v19, $0.0e+00;
	[tilespmem:s0+$0x300] =	vst v49  }
0x1c6: {  	v19 =	vmax.f32 v40, $0.0e+00;
	v49 =	vmax.f32 v15, $0.0e+00;
	v40 =	vld.idx.msk [tilespmem:v47+s12+$0x0], $0xffff;
	v47 =	vor.u32 $0x18, v14;
	[tilespmem:s0+$0x380] =	vst v46  }
0x1c7: {  	v17 =	vmax.f32 v17, $0.0e+00;
	v15 =	vmax.f32 v41, $0.0e+00;
	v46 =	vor.u32 $0x19, v14;
	v41 =	vld.idx.msk [tilespmem:v48+s12+$0x0], $0xffff;
	[tilespmem:s0+$0x400] =	vst v49  }
0x1c8: {  	v21 =	vmax.f32 v21, $0.0e+00;
	v48 =	vmax.f32 v43, $0.0e+00;
	v43 =	vor.u32 $0x1A, v14;
	v42 =	vld.idx.msk [tilespmem:v42+s12+$0x0], $0xffff;
	[tilespmem:s0+$0x480] =	vst v17  }
0x1c9: {  	v24 =	vmax.f32 v24, $0.0e+00;
	v17 =	vmax.f32 v37, $0.0e+00;
	v37 =	vld.idx.msk [tilespmem:v45+s12+$0x0], $0xffff;
	v45 =	vor.u32 $0x1B, v14;
	[tilespmem:s0+$0x500] =	vst v21  }
0x1ca: {  	v23 =	vmax.f32 v23, $0.0e+00;
	v21 =	vmax.f32 v38, $0.0e+00;
	v38 =	vor.u32 $0x1C, v14;
	v44 =	vld.idx.msk [tilespmem:v44+s12+$0x0], $0xffff;
	[tilespmem:s0+$0x580] =	vst v24  }
0x1cb: {  	v20 =	vmax.f32 v20, $0.0e+00;
	v24 =	vmax.f32 v39, $0.0e+00;
	v39 =	vld.idx.msk [tilespmem:v47+s12+$0x0], $0xffff;
	v47 =	vor.u32 $0x1D, v14;
	[tilespmem:s0+$0x600] =	vst v23  }
0x1cc: {  	v18 =	vmax.f32 v18, $0.0e+00;
	v23 =	vmax.f32 v40, $0.0e+00;
	v14 =	vor.u32 $0x1E, v14;
	v40 =	vld.idx.msk [tilespmem:v46+s12+$0x0], $0xffff;
	[tilespmem:s0+$0x680] =	vst v20  }
0x1cd: {  	v16 =	vmax.f32 v16, $0.0e+00;
	v20 =	vor.u32 $0x1, v10;
	v46 =	vmax.f32 v41, $0.0e+00;
	v41 =	vld.idx.msk [tilespmem:v43+s12+$0x0], $0xffff;
	[tilespmem:s0+$0x700] =	vst v18  }
0x1ce: {  	v18 =	vor.u32 $0x2, v10;
	v49 =	vmax.f32 v42, $0.0e+00;
	v42 =	vld.idx.msk [tilespmem:v45+s12+$0x0], $0xffff;
	[tilespmem:s0+$0x780] =	vst v16  }
0x1cf: {  	v16 =	vor.u32 $0x3, v10;
	v45 =	vmax.f32 v37, $0.0e+00;
	v37 =	vld.idx.msk [tilespmem:v38+s12+$0x0], $0xffff;
	v38 =	vmax.f32 v9, $0.0e+00;
	[tilespmem:s0+$0xFFFFF810] =	vst v12;
	v9 =	vmovc v11;
	v12 =	vmovc v13  }
0x1d0: {  	v11 =	vor.u32 $0x4, v10;
	v43 =	vmax.f32 v44, $0.0e+00;
	v13 =	vld.idx.msk [tilespmem:v47+s12+$0x0], $0xffff;
	[tilespmem:s0+$0xFFFFF800] =	vst v38;
	s0 =	sadd.s32 $0x20, s0  }
0x1d1: {  	v44 =	vor.u32 $0x5, v10;
	v47 =	vmax.f32 v39, $0.0e+00;
	v14 =	vld.idx.msk [tilespmem:v14+s12+$0x0], $0xffff;
	[tilespmem:s0+$0x790] =	vst v43  }
0x1d2: {  	v51 =	vmax.f32 v40, $0.0e+00;
	v50 =	vld.idx.msk [tilespmem:v20+s12+$0x0], $0xffff;
	v20 =	vor.u32 $0x6, v10;
	[tilespmem:s0+$0xFFFFF890] =	vst v27  }
0x1d3: {  	v53 =	vmax.f32 v41, $0.0e+00;
	v52 =	vld.idx.msk [tilespmem:v18+s12+$0x0], $0xffff;
	v18 =	vor.u32 $0x7, v10;
	[tilespmem:s0+$0xFFFFF910] =	vst v28  }
0x1d4: {  	v54 =	vmax.f32 v42, $0.0e+00;
	v38 =	vld.idx.msk [tilespmem:v16+s12+$0x0], $0xffff;
	v16 =	vor.u32 $0x8, v10;
	[tilespmem:s0+$0xFFFFF990] =	vst v29  }
0x1d5: {  	v55 =	vmax.f32 v37, $0.0e+00;
	v39 =	vld.idx.msk [tilespmem:v11+s12+$0x0], $0xffff;
	v11 =	vor.u32 $0x9, v10;
	[tilespmem:s0+$0xFFFFFA10] =	vst v30  }
0x1d6: {  	v27 =	vor.u32 $0xA, v10;
	v40 =	vld.idx.msk [tilespmem:v44+s12+$0x0], $0xffff;
	v44 =	vmax.f32 v13, $0.0e+00;
	[tilespmem:s0+$0xFFFFFA90] =	vst v31  }
0x1d7: {  	v56 =	vmax.f32 v14, $0.0e+00;
	v41 =	vld.idx.msk [tilespmem:v20+s12+$0x0], $0xffff;
	v20 =	vor.u32 $0xB, v10;
	[tilespmem:s0+$0xFFFFFB10] =	vst v32  }
0x1d8: {  	v14 =	vor.u32 $0xC, v10;
	v43 =	vld.idx.msk [tilespmem:v18+s12+$0x0], $0xffff;
	[tilespmem:s0+$0xFFFFFB90] =	vst v33  }
0x1d9: {  	v37 =	vld.idx.msk [tilespmem:v16+s12+$0x0], $0xffff;
	v16 =	vor.u32 $0xD, v10;
	[tilespmem:s0+$0xFFFFFC10] =	vst v34  }
0x1da: {  	v13 =	vld.idx.msk [tilespmem:v11+s12+$0x0], $0xffff;
	v11 =	vor.u32 $0xE, v10;
	[tilespmem:s0+$0xFFFFFC90] =	vst v35  }
0x1db: {  	v18 =	vor.u32 $0xF, v10;
	v27 =	vld.idx.msk [tilespmem:v27+s12+$0x0], $0xffff;
	[tilespmem:s0+$0xFFFFFD10] =	vst v36  }
0x1dc: {  	v28 =	vld.idx.msk [tilespmem:v20+s12+$0x0], $0xffff;
	v20 =	vor.u32 $0x10, v10;
	[tilespmem:s0+$0xFFFFFD90] =	vst v26  }
0x1dd: {  	v29 =	vld.idx.msk [tilespmem:v14+s12+$0x0], $0xffff;
	v14 =	vor.u32 $0x11, v10;
	[tilespmem:s0+$0xFFFFFE10] =	vst v25  }
0x1de: {  	v30 =	vld.idx.msk [tilespmem:v16+s12+$0x0], $0xffff;
	v16 =	vor.u32 $0x12, v10;
	[tilespmem:s0+$0xFFFFFE90] =	vst v22  }
0x1df: {  	v31 =	vld.idx.msk [tilespmem:v11+s12+$0x0], $0xffff;
	v11 =	vor.u32 $0x13, v10;
	[tilespmem:s0+$0xFFFFFF10] =	vst v19  }
0x1e0: {  	v32 =	vld.idx.msk [tilespmem:v18+s12+$0x0], $0xffff;
	v18 =	vor.u32 $0x14, v10;
	[tilespmem:s0+$0xFFFFFF90] =	vst v15  }
0x1e1: {  	v15 =	vor.u32 $0x15, v10;
	v33 =	vld.idx.msk [tilespmem:v20+s12+$0x0], $0xffff;
	[tilespmem:s0+$0x10] =	vst v48  }
0x1e2: {  	v34 =	vld.idx.msk [tilespmem:v14+s12+$0x0], $0xffff;
	v14 =	vor.u32 $0x16, v10;
	[tilespmem:s0+$0x90] =	vst v17  }
0x1e3: {  	v35 =	vld.idx.msk [tilespmem:v16+s12+$0x0], $0xffff;
	v16 =	vor.u32 $0x17, v10;
	[tilespmem:s0+$0x110] =	vst v21  }
0x1e4: {  	v42 =	vld.idx.msk [tilespmem:v11+s12+$0x0], $0xffff;
	v11 =	vor.u32 $0x18, v10;
	[tilespmem:s0+$0x190] =	vst v24  }
0x1e5: {  	v17 =	vor.u32 $0x19, v10;
	v26 =	vld.idx.msk [tilespmem:v18+s12+$0x0], $0xffff;
	[tilespmem:s0+$0x210] =	vst v23  }
0x1e6: {  	v18 =	vor.u32 $0x1A, v10;
	v25 =	vld.idx.msk [tilespmem:v15+s12+$0x0], $0xffff;
	[tilespmem:s0+$0x290] =	vst v46  }
0x1e7: {  	v22 =	vld.idx.msk [tilespmem:v14+s12+$0x0], $0xffff;
	v14 =	vor.u32 $0x1B, v10;
	[tilespmem:s0+$0x310] =	vst v49  }
0x1e8: {  	v19 =	vld.idx.msk [tilespmem:v16+s12+$0x0], $0xffff;
	v16 =	vor.u32 $0x1C, v10;
	[tilespmem:s0+$0x390] =	vst v45  }
0x1e9: {  	v15 =	vld.idx.msk [tilespmem:v11+s12+$0x0], $0xffff;
	v11 =	vor.u32 $0x1D, v10;
	[tilespmem:s0+$0x410] =	vst v47  }
0x1ea: {  	s7 =	sadd.s32 $0x10, s3;
	v36 =	vor.u32 $0x1E, v10;
	v20 =	vmov s3;
	v17 =	vld.idx.msk [tilespmem:v17+s12+$0x0], $0xffff;
	[tilespmem:s0+$0x490] =	vst v51  }
0x1eb: {  	v20 =	vshll.u32 v20, $0x5;
	v23 =	vmov s7;
	v45 =	vor.u32 $0x1F, v10;
	v21 =	vld.idx.msk [tilespmem:v18+s12+$0x0], $0xffff;
	[tilespmem:s0+$0x510] =	vst v53  }
0x1ec: {  	v10 =	vor.u32 v8, v20;
	v18 =	vshll.u32 v23, $0x5;
	v24 =	vld.idx.msk [tilespmem:v14+s12+$0x0], $0xffff;
	[tilespmem:s0+$0x590] =	vst v54  }
0x1ed: {  	v14 =	vor.u32 v8, v18;
	v23 =	vld.idx.msk [tilespmem:v16+s12+$0x0], $0xffff;
	[tilespmem:s0+$0x610] =	vst v55  }
0x1ee: {  	v46 =	vor.u32 $0x1, v14;
	v20 =	vld.idx.msk [tilespmem:v11+s12+$0x0], $0xffff;
	[tilespmem:s0+$0x690] =	vst v44  }
0x1ef: {  	v44 =	vor.u32 $0x2, v14;
	v11 =	vmax.f32 v50, $0.0e+00;
	v18 =	vld.idx.msk [tilespmem:v36+s12+$0x0], $0xffff;
	[tilespmem:s0+$0x710] =	vst v56  }
0x1f0: {  	v47 =	vmax.f32 v52, $0.0e+00;
	v36 =	vor.u32 $0x3, v14;
	v16 =	vld.idx.msk [tilespmem:v45+s12+$0x0], $0xffff;
	[tilespmem:s0+$0xFFFFF880] =	vst v11  }
0x1f1: {  	v38 =	vmax.f32 v38, $0.0e+00;
	v45 =	vor.u32 $0x4, v14;
	v11 =	vld.idx.msk [tilespmem:v10+s12+$0x0], $0xffff;
	[tilespmem:s0+$0xFFFFF900] =	vst v47  }
0x1f2: {  	v39 =	vmax.f32 v39, $0.0e+00;
	v48 =	vor.u32 $0x5, v14;
	v47 =	vld.idx.msk [tilespmem:v14+s12+$0x0], $0xffff;
	[tilespmem:s0+$0xFFFFF980] =	vst v38  }
0x1f3: {  	v40 =	vmax.f32 v40, $0.0e+00;
	v38 =	vld.idx.msk [tilespmem:v46+s12+$0x0], $0xffff;
	v46 =	vor.u32 $0x6, v14;
	[tilespmem:s0+$0xFFFFFA00] =	vst v39  }
0x1f4: {  	v41 =	vmax.f32 v41, $0.0e+00;
	v39 =	vld.idx.msk [tilespmem:v44+s12+$0x0], $0xffff;
	v44 =	vor.u32 $0x7, v14;
	[tilespmem:s0+$0xFFFFFA80] =	vst v40  }
0x1f5: {  	v43 =	vmax.f32 v43, $0.0e+00;
	v40 =	vor.u32 $0x8, v14;
	v36 =	vld.idx.msk [tilespmem:v36+s12+$0x0], $0xffff;
	[tilespmem:s0+$0xFFFFFB00] =	vst v41  }
0x1f6: {  	v37 =	vmax.f32 v37, $0.0e+00;
	v41 =	vld.idx.msk [tilespmem:v45+s12+$0x0], $0xffff;
	v45 =	vor.u32 $0x9, v14;
	[tilespmem:s0+$0xFFFFFB80] =	vst v43  }
0x1f7: {  	v49 =	vmax.f32 v13, $0.0e+00;
	v43 =	vld.idx.msk [tilespmem:v48+s12+$0x0], $0xffff;
	v48 =	vor.u32 $0xA, v14;
	[tilespmem:s0+$0xFFFFFC00] =	vst v37  }
0x1f8: {  	v13 =	vmax.f32 v47, $0.0e+00;
	v37 =	vor.u32 $0xB, v14;
	v47 =	vmax.f32 v27, $0.0e+00;
	v46 =	vld.idx.msk [tilespmem:v46+s12+$0x0], $0xffff;
	[tilespmem:s0+$0xFFFFFC80] =	vst v49  }
0x1f9: {  	v27 =	vmax.f32 v38, $0.0e+00;
	v38 =	vor.u32 $0xC, v14;
	v49 =	vld.idx.msk [tilespmem:v44+s12+$0x0], $0xffff;
	v44 =	vmax.f32 v28, $0.0e+00;
	[tilespmem:s0+$0xFFFFFD00] =	vst v47  }
0x1fa: {  	v28 =	vmax.f32 v39, $0.0e+00;
	v39 =	vor.u32 $0xD, v14;
	v47 =	vmax.f32 v29, $0.0e+00;
	v40 =	vld.idx.msk [tilespmem:v40+s12+$0x0], $0xffff;
	[tilespmem:s0+$0xFFFFFD80] =	vst v44  }
0x1fb: {  	v51 =	vor.u32 $0xE, v14;
	v29 =	vmax.f32 v36, $0.0e+00;
	v44 =	vmax.f32 v30, $0.0e+00;
	v50 =	vld.idx.msk [tilespmem:v45+s12+$0x0], $0xffff;
	[tilespmem:s0+$0xFFFFFE00] =	vst v47  }
0x1fc: {  	v30 =	vmax.f32 v41, $0.0e+00;
	v41 =	vor.u32 $0xF, v14;
	v45 =	vmax.f32 v31, $0.0e+00;
	v36 =	vld.idx.msk [tilespmem:v48+s12+$0x0], $0xffff;
	[tilespmem:s0+$0xFFFFFE80] =	vst v44  }
.Ltmp2:
0x1fd: {  	v47 =	vmax.f32 v32, $0.0e+00;
	v31 =	vmax.f32 v43, $0.0e+00;
	v43 =	vor.u32 $0x10, v14;
	v37 =	vld.idx.msk [tilespmem:v37+s12+$0x0], $0xffff;
	[tilespmem:s0+$0xFFFFFF00] =	vst v45;
	(pc) =	sbr.rel @p0 .LBB2_8-.Ltmp2, $4  }
0x1fe: {  	v44 =	vor.u32 $0x11, v14;
	v32 =	vmax.f32 v46, $0.0e+00;
	v46 =	vmax.f32 v33, $0.0e+00;
	v38 =	vld.idx.msk [tilespmem:v38+s12+$0x0], $0xffff;
	[tilespmem:s0+$0xFFFFFF80] =	vst v47  }
0x1ff: {  	v45 =	vor.u32 $0x12, v14;
	v33 =	vmax.f32 v49, $0.0e+00;
	v47 =	vmax.f32 v34, $0.0e+00;
	v39 =	vld.idx.msk [tilespmem:v39+s12+$0x0], $0xffff;
	[tilespmem:s0+$0x0] =	vst v46  }
0x200: {  	v48 =	vmax.f32 v35, $0.0e+00;
	v34 =	vmax.f32 v40, $0.0e+00;
	v46 =	vor.u32 $0x13, v14;
	v40 =	vld.idx.msk [tilespmem:v51+s12+$0x0], $0xffff;
	[tilespmem:s0+$0x80] =	vst v47  }
0x201: {  	s3 =	sadd.s32 $0x20, s3;
	v42 =	vmax.f32 v42, $0.0e+00;
	v35 =	vmax.f32 v50, $0.0e+00;
	v47 =	vor.u32 $0x14, v14;
	v41 =	vld.idx.msk [tilespmem:v41+s12+$0x0], $0xffff;
	[tilespmem:s0+$0x100] =	vst v48  }
0x202: {  	_ =	sdelay $0x3  }
0x203: {  	v43 =	vld.idx.msk [tilespmem:v43+s12+$0x0], $0xffff;
	v48 =	vor.u32 $0x15, v14;
	[tilespmem:s0+$0x180] =	vst v42  }
0x204: {  	v26 =	vmax.f32 v26, $0.0e+00;
	v42 =	vld.idx.msk [tilespmem:v44+s12+$0x0], $0xffff;
	v55 =	vor.u32 $0x16, v14;
	[tilespmem:s0+$0xFFFFF810] =	vst v12  }
0x205: {  	v25 =	vmax.f32 v25, $0.0e+00;
	v56 =	vor.u32 $0x17, v14;
	[tilespmem:s0+$0x200] =	vst v26;
	v26 =	vld.idx.msk [tilespmem:v45+s12+$0x0], $0xffff  }
0x206: {  	v22 =	vmax.f32 v22, $0.0e+00;
	v57 =	vor.u32 $0x1F, v14;
	[tilespmem:s0+$0x280] =	vst v25;
	v25 =	vld.idx.msk [tilespmem:v46+s12+$0x0], $0xffff  }
0x207: {  	v19 =	vmax.f32 v19, $0.0e+00;
	v58 =	vor.u32 $0x18, v14;
	[tilespmem:s0+$0x300] =	vst v22;
	v22 =	vld.idx.msk [tilespmem:v47+s12+$0x0], $0xffff  }
0x208: {  	v15 =	vmax.f32 v15, $0.0e+00;
	v59 =	vor.u32 $0x19, v14;
	[tilespmem:s0+$0x380] =	vst v19;
	v19 =	vld.idx.msk [tilespmem:v48+s12+$0x0], $0xffff  }
0x209: {  	v17 =	vmax.f32 v17, $0.0e+00;
	v60 =	vor.u32 $0x1A, v14;
	[tilespmem:s0+$0x400] =	vst v15;
	v15 =	vld.idx.msk [tilespmem:v55+s12+$0x0], $0xffff  }
0x20a: {  	v21 =	vmax.f32 v21, $0.0e+00;
	v61 =	vor.u32 $0x1B, v14;
	[tilespmem:s0+$0x480] =	vst v17;
	v17 =	vld.idx.msk [tilespmem:v56+s12+$0x0], $0xffff  }
0x20b: {  	v24 =	vmax.f32 v24, $0.0e+00;
	v62 =	vor.u32 $0x1C, v14;
	[tilespmem:s0+$0x500] =	vst v21;
	v46 =	vld.idx.msk [tilespmem:v57+s12+$0x0], $0xffff  }
0x20c: {  	v23 =	vmax.f32 v23, $0.0e+00;
	v63 =	vor.u32 $0x1D, v14;
	[tilespmem:s0+$0x580] =	vst v24;
	v24 =	vld.idx.msk [tilespmem:v58+s12+$0x0], $0xffff  }
0x20d: {  	v20 =	vmax.f32 v20, $0.0e+00;
	[tilespmem:s0+$0x600] =	vst v23;
	v23 =	vld.idx.msk [tilespmem:v59+s12+$0x0], $0xffff;
	v48 =	vor.u32 $0x1E, v14  }
0x20e: {  	v18 =	vmax.f32 v18, $0.0e+00;
	v49 =	vor.u32 $0x1, v10;
	[tilespmem:s0+$0x680] =	vst v20;
	v44 =	vld.idx.msk [tilespmem:v60+s12+$0x0], $0xffff  }
0x20f: {  	v16 =	vmax.f32 v16, $0.0e+00;
	v50 =	vor.u32 $0x2, v10;
	[tilespmem:s0+$0x700] =	vst v18;
	v45 =	vld.idx.msk [tilespmem:v61+s12+$0x0], $0xffff  }
0x210: {  	v51 =	vor.u32 $0x3, v10;
	v9 =	vmax.f32 v9, $0.0e+00;
	[tilespmem:s0+$0x780] =	vst v16;
	v21 =	vld.idx.msk [tilespmem:v62+s12+$0x0], $0xffff  }
0x211: {  	v52 =	vor.u32 $0x4, v10;
	s7 =	sadd.s32 $0x20, s0;
	[tilespmem:s0+$0xFFFFF800] =	vst v9;
	v47 =	vld.idx.msk [tilespmem:v63+s12+$0x0], $0xffff  }
0x212: {  	v9 =	vor.u32 $0x5, v10;
	v14 =	vld.idx.msk [tilespmem:v48+s12+$0x0], $0xffff;
	[tilespmem:s7+$0xFFFFF890] =	vst v27  }
0x213: {  	v53 =	vor.u32 $0x6, v10;
	v20 =	vld.idx.msk [tilespmem:v49+s12+$0x0], $0xffff;
	[tilespmem:s7+$0xFFFFF910] =	vst v28  }
0x214: {  	v54 =	vor.u32 $0x7, v10;
	v18 =	vld.idx.msk [tilespmem:v50+s12+$0x0], $0xffff;
	[tilespmem:s7+$0xFFFFF990] =	vst v29  }
0x215: {  	v16 =	vld.idx.msk [tilespmem:v51+s12+$0x0], $0xffff;
	v55 =	vor.u32 $0x8, v10;
	[tilespmem:s7+$0xFFFFFA10] =	vst v30  }
0x216: {  	v12 =	vld.idx.msk [tilespmem:v52+s12+$0x0], $0xffff;
	v56 =	vor.u32 $0x9, v10;
	[tilespmem:s7+$0xFFFFFA90] =	vst v31  }
0x217: {  	v57 =	vor.u32 $0xA, v10;
	v9 =	vld.idx.msk [tilespmem:v9+s12+$0x0], $0xffff;
	[tilespmem:s7+$0xFFFFFB10] =	vst v32  }
0x218: {  	v58 =	vor.u32 $0xB, v10;
	v31 =	vld.idx.msk [tilespmem:v53+s12+$0x0], $0xffff;
	[tilespmem:s7+$0xFFFFFB90] =	vst v33  }
0x219: {  	v59 =	vor.u32 $0xC, v10;
	v27 =	vld.idx.msk [tilespmem:v54+s12+$0x0], $0xffff;
	[tilespmem:s7+$0xFFFFFC10] =	vst v34  }
0x21a: {  	v36 =	vmax.f32 v36, $0.0e+00;
	v60 =	vor.u32 $0xD, v10;
	v28 =	vld.idx.msk [tilespmem:v55+s12+$0x0], $0xffff;
	[tilespmem:s7+$0xFFFFFC90] =	vst v35  }
0x21b: {  	v37 =	vmax.f32 v37, $0.0e+00;
	v61 =	vor.u32 $0xE, v10;
	v29 =	vld.idx.msk [tilespmem:v56+s12+$0x0], $0xffff;
	[tilespmem:s7+$0xFFFFFD10] =	vst v36  }
0x21c: {  	v38 =	vmax.f32 v38, $0.0e+00;
	v62 =	vor.u32 $0xF, v10;
	v30 =	vld.idx.msk [tilespmem:v57+s12+$0x0], $0xffff;
	[tilespmem:s7+$0xFFFFFD90] =	vst v37  }
0x21d: {  	v39 =	vmax.f32 v39, $0.0e+00;
	v63 =	vor.u32 $0x10, v10;
	v36 =	vld.idx.msk [tilespmem:v58+s12+$0x0], $0xffff;
	[tilespmem:s7+$0xFFFFFE10] =	vst v38  }
0x21e: {  	v40 =	vmax.f32 v40, $0.0e+00;
	v49 =	vor.u32 $0x12, v10;
	v32 =	vld.idx.msk [tilespmem:v59+s12+$0x0], $0xffff;
	[tilespmem:s7+$0xFFFFFE90] =	vst v39  }
0x21f: {  	v41 =	vmax.f32 v41, $0.0e+00;
	v50 =	vor.u32 $0x13, v10;
	v33 =	vld.idx.msk [tilespmem:v60+s12+$0x0], $0xffff;
	[tilespmem:s7+$0xFFFFFF10] =	vst v40  }
0x220: {  	v51 =	vor.u32 $0x14, v10;
	v43 =	vmax.f32 v43, $0.0e+00;
	v34 =	vld.idx.msk [tilespmem:v61+s12+$0x0], $0xffff;
	[tilespmem:s7+$0xFFFFFF90] =	vst v41  }
0x221: {  	v52 =	vor.u32 $0x15, v10;
	v42 =	vmax.f32 v42, $0.0e+00;
	v35 =	vld.idx.msk [tilespmem:v62+s12+$0x0], $0xffff;
	[tilespmem:s7+$0x10] =	vst v43  }
0x222: {  	v26 =	vmax.f32 v26, $0.0e+00;
	v48 =	vor.u32 $0x11, v10;
	v41 =	vld.idx.msk [tilespmem:v63+s12+$0x0], $0xffff;
	[tilespmem:s7+$0x90] =	vst v42  }
0x223: {  	v25 =	vmax.f32 v25, $0.0e+00;
	v53 =	vor.u32 $0x16, v10;
	v38 =	vld.idx.msk [tilespmem:v49+s12+$0x0], $0xffff;
	[tilespmem:s7+$0x110] =	vst v26  }
0x224: {  	v22 =	vmax.f32 v22, $0.0e+00;
	v54 =	vor.u32 $0x17, v10;
	v26 =	vld.idx.msk [tilespmem:v50+s12+$0x0], $0xffff;
	[tilespmem:s7+$0x190] =	vst v25  }
0x225: {  	v55 =	vor.u32 $0x18, v10;
	v25 =	vld.idx.msk [tilespmem:v51+s12+$0x0], $0xffff;
	[tilespmem:s7+$0x210] =	vst v22  }
0x226: {  	v46 =	vmax.f32 v46, $0.0e+00;
	v56 =	vor.u32 $0x19, v10;
	v22 =	vld.idx.msk [tilespmem:v52+s12+$0x0], $0xffff;
	[tilespmem:s7+$0xFFFFF810] =	vst v13  }
0x227: {  	v19 =	vmax.f32 v19, $0.0e+00;
	v57 =	vor.u32 $0x1A, v10;
	[tilespmem:s7+$0x790] =	vst v46;
	v37 =	vld.idx.msk [tilespmem:v48+s12+$0x0], $0xffff  }
0x228: {  	v15 =	vmax.f32 v15, $0.0e+00;
	v58 =	vor.u32 $0x1B, v10;
	[tilespmem:s7+$0x290] =	vst v19;
	v19 =	vld.idx.msk [tilespmem:v53+s12+$0x0], $0xffff  }
0x229: {  	v17 =	vmax.f32 v17, $0.0e+00;
	v59 =	vor.u32 $0x1C, v10;
	[tilespmem:s7+$0x310] =	vst v15;
	v15 =	vld.idx.msk [tilespmem:v54+s12+$0x0], $0xffff  }
0x22a: {  	v24 =	vmax.f32 v24, $0.0e+00;
	v60 =	vor.u32 $0x1D, v10;
	[tilespmem:s7+$0x390] =	vst v17;
	v17 =	vld.idx.msk [tilespmem:v55+s12+$0x0], $0xffff  }
0x22b: {  	v23 =	vmax.f32 v23, $0.0e+00;
	v61 =	vor.u32 $0x1E, v10;
	[tilespmem:s7+$0x410] =	vst v24;
	v24 =	vld.idx.msk [tilespmem:v56+s12+$0x0], $0xffff  }
0x22c: {  	v44 =	vmax.f32 v44, $0.0e+00;
	v10 =	vor.u32 $0x1F, v10;
	[tilespmem:s7+$0x490] =	vst v23;
	v62 =	vld.idx.msk [tilespmem:v57+s12+$0x0], $0xffff  }
0x22d: {  	v45 =	vmax.f32 v45, $0.0e+00;
	[tilespmem:s7+$0x510] =	vst v44;
	v43 =	vld.idx.msk [tilespmem:v58+s12+$0x0], $0xffff  }
0x22e: {  	v21 =	vmax.f32 v21, $0.0e+00;
	[tilespmem:s7+$0x590] =	vst v45;
	v42 =	vld.idx.msk [tilespmem:v59+s12+$0x0], $0xffff  }
0x22f: {  	v63 =	vmax.f32 v47, $0.0e+00;
	[tilespmem:s7+$0x610] =	vst v21;
	v48 =	vld.idx.msk [tilespmem:v60+s12+$0x0], $0xffff  }
0x230: {  	v20 =	vmax.f32 v20, $0.0e+00;
	[tilespmem:s7+$0x690] =	vst v63;
	v49 =	vld.idx.msk [tilespmem:v61+s12+$0x0], $0xffff  }
0x231: {  	v50 =	vmax.f32 v18, $0.0e+00;
	v10 =	vld.idx.msk [tilespmem:v10+s12+$0x0], $0xffff;
	[tilespmem:s7+$0xFFFFF880] =	vst v20  }
0x232: {  	v16 =	vmax.f32 v16, $0.0e+00;
	[tilespmem:s7+$0xFFFFF900] =	vst v50  }
0x233: {  	v12 =	vmax.f32 v12, $0.0e+00;
	[tilespmem:s7+$0xFFFFF980] =	vst v16  }
0x234: {  	v9 =	vmax.f32 v9, $0.0e+00;
	[tilespmem:s7+$0xFFFFFA00] =	vst v12  }
0x235: {  	v14 =	vmax.f32 v14, $0.0e+00;
	[tilespmem:s7+$0xFFFFFA80] =	vst v9  }
0x236: {  	v51 =	vmax.f32 v31, $0.0e+00;
	[tilespmem:s7+$0x710] =	vst v14  }
0x237: {  	v9 =	vmax.f32 v27, $0.0e+00;
	[tilespmem:s7+$0xFFFFFB00] =	vst v51  }
0x238: {  	v52 =	vmax.f32 v28, $0.0e+00;
	[tilespmem:s7+$0xFFFFFB80] =	vst v9  }
0x239: {  	v53 =	vmax.f32 v30, $0.0e+00;
	[tilespmem:s7+$0xFFFFFC00] =	vst v52  }
0x23a: {  	v54 =	vmax.f32 v32, $0.0e+00;
	[tilespmem:s7+$0xFFFFFD00] =	vst v53  }
0x23b: {  	v55 =	vmax.f32 v34, $0.0e+00;
	[tilespmem:s7+$0xFFFFFE00] =	vst v54  }
0x23c: {  	v56 =	vmax.f32 v41, $0.0e+00;
	[tilespmem:s7+$0xFFFFFF00] =	vst v55  }
0x23d: {  	v57 =	vmax.f32 v38, $0.0e+00;
	[tilespmem:s7+$0x0] =	vst v56  }
0x23e: {  	v58 =	vmax.f32 v25, $0.0e+00;
	[tilespmem:s7+$0x100] =	vst v57  }
0x23f: {  	v9 =	vmax.f32 v29, $0.0e+00;
	[tilespmem:s7+$0x200] =	vst v58  }
0x240: {  	[tilespmem:s7+$0xFFFFFC80] =	vst v9;
	v9 =	vmax.f32 v36, $0.0e+00  }
0x241: {  	[tilespmem:s7+$0xFFFFFD80] =	vst v9;
	v9 =	vmax.f32 v33, $0.0e+00  }
0x242: {  	[tilespmem:s7+$0xFFFFFE80] =	vst v9;
	v9 =	vmax.f32 v35, $0.0e+00  }
0x243: {  	[tilespmem:s7+$0xFFFFFF80] =	vst v9;
	v9 =	vmax.f32 v37, $0.0e+00  }
0x244: {  	v59 =	vmax.f32 v19, $0.0e+00;
	[tilespmem:s7+$0x80] =	vst v9  }
0x245: {  	v60 =	vmax.f32 v17, $0.0e+00;
	[tilespmem:s7+$0x300] =	vst v59  }
0x246: {  	v61 =	vmax.f32 v62, $0.0e+00;
	[tilespmem:s7+$0x400] =	vst v60  }
0x247: {  	v62 =	vmax.f32 v42, $0.0e+00;
	[tilespmem:s7+$0x500] =	vst v61  }
0x248: {  	v63 =	vmax.f32 v49, $0.0e+00;
	[tilespmem:s7+$0x600] =	vst v62  }
0x249: {  	v9 =	vmax.f32 v26, $0.0e+00;
	[tilespmem:s7+$0x700] =	vst v63  }
0x24a: {  	[tilespmem:s7+$0x180] =	vst v9;
	v9 =	vmax.f32 v22, $0.0e+00  }
0x24b: {  	[tilespmem:s7+$0x280] =	vst v9;
	v9 =	vmax.f32 v15, $0.0e+00  }
0x24c: {  	[tilespmem:s7+$0x380] =	vst v9;
	v9 =	vmax.f32 v24, $0.0e+00  }
0x24d: {  	[tilespmem:s7+$0x480] =	vst v9;
	v9 =	vmax.f32 v43, $0.0e+00  }
0x24e: {  	s3 =	sshll.u32 s31, $0x13;
	[tilespmem:s7+$0x580] =	vst v9;
	v9 =	vmax.f32 v48, $0.0e+00  }
0x24f: {  	s3 =	sadd.s32 s28, s3;
	[tilespmem:s7+$0x680] =	vst v9;
	v9 =	vmax.f32 v10, $0.0e+00  }
0x250: {  	s3 =	sshrl.u32 s3, $0x3;
	[tilespmem:s7+$0x780] =	vst v9;
	v9 =	vmax.f32 v11, $0.0e+00  }
0x251: {  	s30 =	sadd.s32 $0x1, s30;
	s31 =	sor.u32 $0x4000, s3;
	[tilespmem:s7+$0xFFFFF800] =	vst v9;
	s7 =	sadd.s32 s1, s3  }
0x252: {  	[hbm4b:s7+s2] =	stream.linear.scatter [tilespmem:s19], [sflag:$0x4], $0x400, $0x38;
	[tilespmem:$0x7200] =	vst v63  }
0x253: {  	p0 =	sne.s32 s30, $0x19;
	s0 =	sadd.s32 s1, s31  }
0x254: {  	[hbm4b:s0+s2] =	stream.linear.scatter [tilespmem:s20], [sflag:$0x4], $0x400, $0x38;
	[tilespmem:$0x7200] =	vst v63  }
.Ltmp3:
0x255: {  	s7 =	sor.u32 $0x8000, s3;
	(pc) =	sbr.rel @p0 .LBB2_5-.Ltmp3, $4  }
0x256: {  	s31 =	sor.u32 $0xC000, s3;
	s0 =	sadd.s32 s1, s7  }
0x257: {  	[hbm4b:s0+s2] =	stream.linear.scatter [tilespmem:s21], [sflag:$0x4], $0x400, $0x38;
	[tilespmem:$0x7200] =	vst v63  }
0x258: {  	s0 =	sadd.s32 s1, s31  }
0x259: {  	[hbm4b:s0+s2] =	stream.linear.scatter [tilespmem:s22], [sflag:$0x4], $0x400, $0x38;
	[tilespmem:$0x7200] =	vst v63  }
0x25a: {  	_ =	swait.ge [sflag:s23], $0x400  }
0x25b: {  	[sflag:s23] =	ssyncset.done $0x0  }
0x25c: {  	[sflag:s23] =	ssyncadd.s32 $0xFFFFFC00  }
0x25d: {  	_ =	swait.ge [sflag:s23], $0x400  }
0x25e: {  	[sflag:s23] =	ssyncset.done $0x0  }
0x25f: {  	[sflag:s23] =	ssyncadd.s32 $0xFFFFFC00  }
0x260: {  	_ =	swait.ge [sflag:s23], $0x400  }
0x261: {  	[sflag:s23] =	ssyncset.done $0x0  }
0x262: {  	[sflag:s23] =	ssyncadd.s32 $0xFFFFFC00  }
0x263: {  	_ =	swait.ge [sflag:s23], $0x400  }
0x264: {  	[sflag:s23] =	ssyncset.done $0x0  }
0x265: {  	[sflag:s23] =	ssyncadd.s32 $0xFFFFFC00  }
0x266: {  	_ =	swait.ge [sflag:s24], $0x400  }
0x267: {  	[sflag:s24] =	ssyncset.done $0x0  }
0x268: {  	[sflag:s24] =	ssyncadd.s32 $0xFFFFFC00  }
0x269: {  	_ =	swait.ge [sflag:s24], $0x400  }
0x26a: {  	[sflag:s24] =	ssyncset.done $0x0  }
0x26b: {  	s26 =	sadd.s32 $0x1, s26;
	[sflag:s24] =	ssyncadd.s32 $0xFFFFFC00  }
0x26c: {  	p0 =	sne.s32 s26, $0x4;
	_ =	swait.ge [sflag:s24], $0x400  }
.Ltmp4:
0x26d: {  	[sflag:s24] =	ssyncset.done $0x0;
	(pc) =	sbr.rel @p0 .LBB2_2-.Ltmp4, $4  }
0x26e: {  	[sflag:s24] =	ssyncadd.s32 $0xFFFFFC00  }
0x26f: {  	_ =	swait.ge [sflag:s24], $0x400  }
0x270: {  	[sflag:s24] =	ssyncset.done $0x0  }
0x271: {  	[sflag:s24] =	ssyncadd.s32 $0xFFFFFC00  }
0x272: {  	s25 =	sadd.s32 $0x1, s25;
	s0 =	rddreg [dreg:$0x3]  }
0x273: {  	p0 =	sne.s32 s25, s0  }
.Ltmp5:
0x274: {  	_ = 	snop;
	(pc) =	sbr.rel @p0 .LBB2_1-.Ltmp5, $1  }
0x275: {  	_ =	sdelay $0x3  }
0x276: {  	_ =	sfence.sel $0x180000  }
0x277: {  	[bflag:$0x0] =	sbarrier.arrive $0xFFFF  }
0x278: {  	_ =	strace $0x90000047  }
0x279: {  	s0 =	stileid.u32;
	[bflag:$0x2] =	sbarrier.arrive $0xFFFF  }
0x27a: {  	p0 =	sne.s32 s0, $0x0;
	s0 =	rddreg [dreg:$0x2]  }
0x27b: {  	s0 =	sadd.s32 @!p0 $0x100000, s0  }
0x27c: {  	[sflag:s0] =	ssyncadd.tile.s32 @!p0 $0x1;
	_ =	shalt  }
.Lfunc_end2:
_tile_overlayer_lowered:
.L_overlay_start_2:
0x27d: {  	(tag) =	ssettag $0x2  }
0x27e: {  	s0 =	rddreg [dreg:$0x0];
	s2 =	stileid.u32  }
0x27f: {  	s1 =	rddreg [dreg:$0x1];
	p0 =	sne.s32 s2, $0x0  }
0x280: {  	s3 =	rddreg [dreg:$0x2];
	[bflag:$0x3] =	sbarrier.arrive $0xFFFF;
	s2 =	simm.s32 @!p0 $0x1C05  }
0x281: {  	[timem:s3], [sflag:s2] =	dma.local @!p0 [hbm:s0], s1  }
0x282: {  	s0 =	simm.s32 @!p0 $0x5  }
0x283: {  	_ =	swait.ge @!p0 [sflag:s0], s1  }
0x284: {  	s1 =	ssub.s32 @!p0 $0x0, s1;
	[sflag:s0] =	ssyncset.done @!p0 $0x0  }
0x285: {  	[sflag:s0] =	ssyncadd.s32 @!p0 s1  }
0x286: {  	[bflag:$0x3] =	sbarrier.arrive $0xFFFF  }
0x287: {  	_ =	shalt  }

</sc_bundles>
